<compile_context>
chip_gen: v7x
topology: tpu7x:2x2x1
jax: 0.10.2.dev20260603
libtpu: 0.0.44.dev20260713+nightly
codegen_flags: <defaults>
</compile_context>

<pallas_src>
import functools

import jax
import jax.numpy as jnp
from jax import lax
from jax.experimental import pallas as pl
from jax.experimental.pallas import tpu as pltpu
from jax.experimental.pallas import tpu_sc as plsc

ALPHA = 0.2
WIN = 80


def _pre_node_body(nf_ref, w_ref, t0_ref, t1_ref, s2_ref):
    out = jnp.dot(nf_ref[...], w_ref[...], preferred_element_type=jnp.float32)
    t0_ref[...] = out[:, :80]
    t1_ref[...] = out[:, 80:160]
    s2_ref[...] = out[:, 160:176]


def _pre_edge_body(ef_ref, b_ref, el_ref):
    el = jnp.dot(ef_ref[...], b_ref[...], preferred_element_type=jnp.float32)
    el_ref[...] = jnp.concatenate([el, ef_ref[...]], axis=1)


def _sc_edge_pass(E, N, src, dst, elf, tab0, tab1, s_dst_tab, z):
    NC, NS = 2, 16
    per_w = E // NS
    n_win = per_w // WIN
    rows_a = ((N // NS) + 7) // 8 * 8
    rows_last = N - (NS - 1) * rows_a

    mesh = plsc.VectorSubcoreMesh(core_axis_name="c", subcore_axis_name="s")

    @functools.partial(
        pl.kernel,
        out_type=jax.ShapeDtypeStruct((NC, N, 112), jnp.float32),
        mesh=mesh,
        compiler_params=pltpu.CompilerParams(use_tc_tiling_on_sc=False),
        scratch_types=[
            pltpu.VMEM_SHARED((N, 112), jnp.float32),
            pltpu.VMEM((2, WIN), jnp.int32),
            pltpu.VMEM((2, WIN), jnp.int32),
            pltpu.VMEM((2, WIN), jnp.int32),
            pltpu.VMEM((2, WIN, 32), jnp.float32),
            pltpu.VMEM((2, WIN, 16), jnp.float32),
            pltpu.VMEM((2, WIN, 80), jnp.float32),
            pltpu.VMEM((2, WIN, 112), jnp.float32),
            pltpu.SemaphoreType.DMA((2,)),
            pltpu.SemaphoreType.DMA((2,)),
            pltpu.SemaphoreType.DMA((2,)),
        ],
    )
    def sc_fn(src_h, dst_h, elf_h, tab0_h, tab1_h, sdst_h,
              z_h, out_a,
              acc,
              src_w, dstG, dstS, ef_w, s2_w, hs_w, prod,
              semL, semG, semS):
        c = lax.axis_index("c")
        s = lax.axis_index("s")
        iota = jnp.arange(16, dtype=jnp.int32)
        head_mask = iota < 4
        den_mask = jnp.logical_and(head_mask, (iota >> 1) == c)

        r0 = s * rows_a

        @pl.when(s < NS - 1)
        def _():
            pltpu.sync_copy(z_h, acc.at[pl.ds(r0, rows_a)])

        @pl.when(s == NS - 1)
        def _():
            pltpu.sync_copy(z_h.at[pl.ds(0, rows_last)],
                            acc.at[pl.ds(r0, rows_last)])

        plsc.subcore_barrier()

        base = s * per_w

        def issue_linear(w, b):
            e0 = base + w * WIN
            pltpu.async_copy(src_h.at[pl.ds(e0, WIN)], src_w.at[b], semL.at[b])
            pltpu.async_copy(dst_h.at[pl.ds(e0, WIN)], dstG.at[b], semL.at[b])
            pltpu.async_copy(elf_h.at[pl.ds(e0, WIN)], ef_w.at[b], semL.at[b])

        def wait_linear(b):
            pltpu.make_async_copy(src_h.at[pl.ds(0, WIN)], src_w.at[b],
                                  semL.at[b]).wait()
            pltpu.make_async_copy(dst_h.at[pl.ds(0, WIN)], dstG.at[b],
                                  semL.at[b]).wait()
            pltpu.make_async_copy(elf_h.at[pl.ds(0, WIN)], ef_w.at[b],
                                  semL.at[b]).wait()

        def issue_gathers(b):
            pltpu.async_copy(sdst_h.at[dstG.at[b]], s2_w.at[b], semG.at[b])

            @pl.when(c == 0)
            def _():
                pltpu.async_copy(tab0_h.at[src_w.at[b]], hs_w.at[b],
                                 semG.at[b])

            @pl.when(c == 1)
            def _():
                pltpu.async_copy(tab1_h.at[src_w.at[b]], hs_w.at[b],
                                 semG.at[b])

        def wait_gathers(b):
            pltpu.make_async_copy(sdst_h.at[dstG.at[b]], s2_w.at[b],
                                  semG.at[b]).wait()
            pltpu.make_async_copy(tab0_h.at[src_w.at[b]], hs_w.at[b],
                                  semG.at[b]).wait()

        def wait_scatter(b):
            pltpu.make_async_copy(prod.at[b], acc.at[dstS.at[b]],
                                  semS.at[b]).wait()

        def body_set(k, bA, bB):
            @pl.when(k <= n_win - 2)
            def _():
                wait_linear(bB)
                issue_gathers(bB)

            @pl.when(k >= 2)
            def _():
                wait_scatter(bA)

            wait_gathers(bA)
            for i in range(WIN // 16):
                dstS[bA, pl.ds(i * 16, 16)] = dstG[bA, pl.ds(i * 16, 16)]

            def edge4(g, carry2):
                for de in range(4):
                    e = g * 4 + de
                    lg = (hs_w[bA, e, pl.ds(64, 16)] + s2_w[bA, e, :]
                          + ef_w[bA, e, pl.ds(0, 16)])
                    lg = jnp.maximum(lg, lg * ALPHA)
                    wrow = jnp.where(head_mask, jnp.exp(lg), 0.0)
                    prod[bA, e, pl.ds(96, 16)] = jnp.where(den_mask, wrow,
                                                           0.0)
                    fv = ef_w[bA, e, pl.ds(16, 16)]
                    for h2 in range(2):
                        gidx = jnp.full((16,), h2, jnp.int32) + c * 2
                        splat = wrow.at[gidx].get(mode="promise_in_bounds")
                        prod[bA, e, pl.ds(64 + h2 * 16, 16)] = fv * splat
                        for c2 in range(2):
                            col = h2 * 32 + c2 * 16
                            prod[bA, e, pl.ds(col, 16)] = (
                                hs_w[bA, e, pl.ds(col, 16)] * splat)
                return carry2
            lax.fori_loop(0, WIN // 4, edge4, 0)

            pltpu.async_copy(prod.at[bA], acc.at[dstS.at[bA]], semS.at[bA],
                             add=True)

            @pl.when(k <= n_win - 3)
            def _():
                issue_linear(k + 2, bA)

        def window(k, carry):
            @pl.when(k % 2 == 0)
            def _():
                body_set(k, 0, 1)

            @pl.when(k % 2 == 1)
            def _():
                body_set(k, 1, 0)
            return carry

        issue_linear(0, 0)
        wait_linear(0)
        issue_gathers(0)
        issue_linear(1, 1)
        lax.fori_loop(0, n_win, window, 0)
        wait_scatter(0 if (n_win - 2) % 2 == 0 else 1)
        wait_scatter(0 if (n_win - 1) % 2 == 0 else 1)
        plsc.subcore_barrier()

        @pl.when(s < NS - 1)
        def _():
            pltpu.sync_copy(acc.at[pl.ds(r0, rows_a)],
                            out_a.at[c, pl.ds(r0, rows_a)])

        @pl.when(s == NS - 1)
        def _():
            pltpu.sync_copy(acc.at[pl.ds(r0, rows_last)],
                            out_a.at[c, pl.ds(r0, rows_last)])

    return sc_fn(src, dst, elf, tab0, tab1, s_dst_tab, z)


def _post_body(ap_ref, we_ref, v_ref, out_ref):
    p0 = ap_ref[0]
    p1 = ap_ref[1]
    na = jnp.concatenate([p0[:, :64], p1[:, :64]], axis=1)
    ea = jnp.concatenate([p0[:, 64:96], p1[:, 64:96]], axis=1)
    dd = p0[:, 96:100] + p1[:, 96:100]
    blk = na.shape[0]
    inv = v_ref[0:1, :] / (dd + 1e-9)
    inv32 = jnp.broadcast_to(inv[:, :, None], (blk, 4, 32)).reshape(blk, 128)
    inv16 = jnp.broadcast_to(inv[:, :, None], (blk, 4, 16)).reshape(blk, 64)
    node_out = na * inv32
    edge_out = jnp.dot(ea * inv16, we_ref[...],
                       preferred_element_type=jnp.float32)
    out_ref[...] = jnp.concatenate([node_out, edge_out], axis=1)


def kernel(node_fts, edge_fts, edges, W_node, W_edge, a_src, a_dst, a_edge,
           node_att_var):
    N, NODE_IN = node_fts.shape
    E, EDGE_IN = edge_fts.shape
    H, _, NODE_OUT = W_node.shape
    EDGE_OUT = W_edge.shape[2]

    W_cat = jnp.transpose(W_node, (1, 0, 2)).reshape(NODE_IN, H * NODE_OUT)
    c_src = jnp.einsum('hfo,ho->fh', W_node, a_src)
    c_dst = jnp.einsum('hfo,ho->fh', W_node, a_dst)
    padn = jnp.zeros((NODE_IN, 12), jnp.float32)
    W_full = jnp.concatenate(
        [W_cat[:, :64], c_src, padn, W_cat[:, 64:], c_src, padn,
         c_dst, padn], axis=1)
    B_edge = jnp.einsum('hfo,ho->fh', W_edge, a_edge)
    B_pad = jnp.concatenate(
        [B_edge, jnp.zeros((EDGE_IN, 12), jnp.float32)], axis=1)
    eyeH = jnp.eye(H, dtype=jnp.float32)
    We_blk = jnp.einsum('hk,hio->hiko', eyeH, W_edge)
    We_blk = We_blk.reshape(H * EDGE_IN, H * EDGE_OUT)
    v = jnp.exp(jnp.clip(node_att_var, -2.0, 2.0))
    v = v / jnp.sum(v)
    src = edges[:, 0]
    dst = edges[:, 1]

    nblk = N // 5
    tab0, tab1, s_dst_tab = pl.pallas_call(
        _pre_node_body,
        grid=(5,),
        in_specs=[
            pl.BlockSpec((nblk, NODE_IN), lambda i: (i, 0)),
            pl.BlockSpec((NODE_IN, 176), lambda i: (0, 0)),
        ],
        out_specs=[
            pl.BlockSpec((nblk, 80), lambda i: (i, 0)),
            pl.BlockSpec((nblk, 80), lambda i: (i, 0)),
            pl.BlockSpec((nblk, 16), lambda i: (i, 0)),
        ],
        out_shape=[
            jax.ShapeDtypeStruct((N, 80), jnp.float32),
            jax.ShapeDtypeStruct((N, 80), jnp.float32),
            jax.ShapeDtypeStruct((N, 16), jnp.float32),
        ],
    )(node_fts, W_full)

    eblk = E // 40
    elf = pl.pallas_call(
        _pre_edge_body,
        grid=(40,),
        in_specs=[
            pl.BlockSpec((eblk, EDGE_IN), lambda i: (i, 0)),
            pl.BlockSpec((EDGE_IN, 16), lambda i: (0, 0)),
        ],
        out_specs=pl.BlockSpec((eblk, 32), lambda i: (i, 0)),
        out_shape=jax.ShapeDtypeStruct((E, 32), jnp.float32),
    )(edge_fts, B_pad)

    rows_a = ((N // 16) + 7) // 8 * 8
    z = jnp.zeros((rows_a, 112), jnp.float32)
    acc_p = _sc_edge_pass(
        E, N, src, dst, elf, tab0, tab1, s_dst_tab, z)

    vmat = jnp.broadcast_to(v[None, :], (8, H))
    out = pl.pallas_call(
        _post_body,
        grid=(5,),
        in_specs=[
            pl.BlockSpec((2, nblk, 112), lambda i: (0, i, 0)),
            pl.BlockSpec((H * EDGE_IN, H * EDGE_OUT), lambda i: (0, 0)),
            pl.BlockSpec((8, H), lambda i: (0, 0)),
        ],
        out_specs=pl.BlockSpec((nblk, 192), lambda i: (i, 0)),
        out_shape=jax.ShapeDtypeStruct((N, 192), jnp.float32),
    )(acc_p, We_blk, vmat)
    return out

# --- scband reference (transcript-rebuilt; emitter-appended) ---
"""Pipeline reference for scband-multi-head-graph-attention-24910810316817 (READ-ONLY COPY).

The authoritative reference and input builder live on the scoring server;
editing this copy changes nothing except your own understanding.
"""

import jax, jax.numpy as jnp
import numpy as np

N = 10000
E = 320000
H = 4
NODE_IN = 128
NODE_OUT = 32
EDGE_IN = 16
EDGE_OUT = 16
ALPHA = 0.2


def setup_inputs(seed: int = 0) -> dict:
    key = jax.random.key(seed)
    ks = jax.random.split(key, 9)
    node_fts = jax.random.normal(ks[0], (N, NODE_IN), dtype=jnp.float32)
    edge_fts = jax.random.normal(ks[1], (E, EDGE_IN), dtype=jnp.float32)
    edges = jax.random.randint(ks[2], (E, 2), 0, N, dtype=jnp.int32)
    # per-head stacked parameters (num_heads = H)
    W_node = jax.random.normal(ks[3], (H, NODE_IN, NODE_OUT), dtype=jnp.float32) * 0.1
    W_edge = jax.random.normal(ks[4], (H, EDGE_IN, EDGE_OUT), dtype=jnp.float32) * 0.1
    a_src = jax.random.normal(ks[5], (H, NODE_OUT), dtype=jnp.float32) * 0.1
    a_dst = jax.random.normal(ks[6], (H, NODE_OUT), dtype=jnp.float32) * 0.1
    a_edge = jax.random.normal(ks[7], (H, EDGE_OUT), dtype=jnp.float32) * 0.1
    node_att_var = jax.random.normal(ks[8], (H,), dtype=jnp.float32) * 0.1
    return {
        "node_fts": node_fts,
        "edge_fts": edge_fts,
        "edges": edges,
        "W_node": W_node,
        "W_edge": W_edge,
        "a_src": a_src,
        "a_dst": a_dst,
        "a_edge": a_edge,
        "node_att_var": node_att_var,
    }


def reference(node_fts, edge_fts, edges, W_node, W_edge, a_src, a_dst, a_edge, node_att_var):
    src = edges[:, 0]
    dst = edges[:, 1]
    # per-head linear projections
    h = jnp.einsum('nf,hfo->hno', node_fts, W_node)   # [H, N, NODE_OUT]
    e = jnp.einsum('mf,hfo->hmo', edge_fts, W_edge)   # [H, E, EDGE_OUT]
    h_src = h[:, src, :]                              # [H, E, NODE_OUT]
    h_dst = h[:, dst, :]                              # [H, E, NODE_OUT]
    logits = ((h_src * a_src[:, None, :]).sum(-1)
              + (h_dst * a_dst[:, None, :]).sum(-1)
              + (e * a_edge[:, None, :]).sum(-1))     # [H, E]
    logits = jax.nn.leaky_relu(logits, ALPHA)

    def per_head(lg, hs, ee):
        m = jax.ops.segment_max(lg, dst, num_segments=N)
        m = jnp.where(jnp.isfinite(m), m, 0.0)
        w = jnp.exp(lg - m[dst])
        denom = jax.ops.segment_sum(w, dst, num_segments=N)
        attn = w / (denom[dst] + 1e-9)
        node_out = jax.ops.segment_sum(attn[:, None] * hs, dst, num_segments=N)
        edge_out = jax.ops.segment_sum(attn[:, None] * ee, dst, num_segments=N)
        return node_out, edge_out

    node_stack, edge_stack = jax.vmap(per_head)(logits, h_src, e)  # [H,N,NODE_OUT], [H,N,EDGE_OUT]

    # head mixing weights: exp(clamp(var, -2, 2)) normalized
    v = jnp.exp(jnp.clip(node_att_var, -2.0, 2.0))
    v = v / jnp.sum(v)
    node_cat = (node_stack * v[:, None, None]).transpose(1, 0, 2).reshape(N, H * NODE_OUT)
    edge_cat = (edge_stack * v[:, None, None]).transpose(1, 0, 2).reshape(N, H * EDGE_OUT)
    return jnp.concatenate([node_cat, edge_cat], axis=1)  # [N, H*(NODE_OUT+EDGE_OUT)]

if __name__ == "__main__":
    import jax
    _d = setup_inputs()
    print(jax.jit(kernel)(*tuple(_d.values())))

</pallas_src>

<mosaic_0001>
#map = affine_map<(d0, d1) -> (0)>
#map1 = affine_map<(d0, d1) -> (0, 0)>
#map2 = affine_map<(d0, d1) -> (0, 0, 0)>
module attributes {stable_mosaic.version = 14 : i64} {
  func.func @sc_fn(%arg0: i32, %arg1: i32, %arg2: memref<320000xi32, #tpu.memory_space<hbm>>, %arg3: memref<320000xi32, #tpu.memory_space<hbm>>, %arg4: memref<320000x32xf32, #tpu.memory_space<hbm>>, %arg5: memref<10000x80xf32, #tpu.memory_space<hbm>>, %arg6: memref<10000x80xf32, #tpu.memory_space<hbm>>, %arg7: memref<10000x16xf32, #tpu.memory_space<hbm>>, %arg8: memref<632x112xf32, #tpu.memory_space<hbm>>, %arg9: memref<2x10000x112xf32, #tpu.memory_space<hbm>>, %arg10: memref<10000x112xf32, #tpu.memory_space<vmem_shared>>, %arg11: memref<2x80xi32, #tpu.memory_space<vmem>>, %arg12: memref<2x80xi32, #tpu.memory_space<vmem>>, %arg13: memref<2x80xi32, #tpu.memory_space<vmem>>, %arg14: memref<2x80x32xf32, #tpu.memory_space<vmem>>, %arg15: memref<2x80x16xf32, #tpu.memory_space<vmem>>, %arg16: memref<2x80x80xf32, #tpu.memory_space<vmem>>, %arg17: memref<2x80x112xf32, #tpu.memory_space<vmem>>, %arg18: memref<2x!tpu.dma_semaphore, #tpu.memory_space<semaphore_mem>>, %arg19: memref<2x!tpu.dma_semaphore, #tpu.memory_space<semaphore_mem>>, %arg20: memref<2x!tpu.dma_semaphore, #tpu.memory_space<semaphore_mem>>) attributes {dimension_semantics = [#tpu.dimension_semantics<core_parallel>, #tpu.dimension_semantics<subcore_parallel>], iteration_bounds = array<i64: 2, 16>, scalar_prefetch = 0 : i64, scratch_operands = 11 : i64, tpu.core_type = #tpu.core_type<sc_vector_subcore>, window_params = [{transform_indices = #map}, {transform_indices = #map}, {transform_indices = #map1}, {transform_indices = #map1}, {transform_indices = #map1}, {transform_indices = #map1}, {transform_indices = #map1}, {transform_indices = #map2}]} {
    %iota3A = tpu.iota {dimensions = array<i32: 0>} : vector<16xi32>
    %lt3A = arith.constant 4 : i32
    %lt3A_0 = vector.broadcast %lt3A : i32 to vector<16xi32>
    %lt3A_1 = arith.cmpi slt, %iota3A, %lt3A_0 : vector<16xi32>
    %shift_right_arithmetic3A = arith.constant 1 : i32
    %shift_right_arithmetic3A_2 = vector.broadcast %shift_right_arithmetic3A : i32 to vector<16xi32>
    %shift_right_arithmetic3A_3 = arith.shrsi %iota3A, %shift_right_arithmetic3A_2 : vector<16xi32>
    %eq3A = vector.broadcast %arg0 : i32 to vector<16xi32>
    %eq3A_4 = arith.cmpi eq, %shift_right_arithmetic3A_3, %eq3A : vector<16xi32>
    %and3A = arith.andi %lt3A_1, %eq3A_4 : vector<16xi1>
    %mul3A = arith.constant 632 : i32
    %mul3A_5 = arith.muli %arg1, %mul3A : i32
    %lt3A_6 = arith.constant 15 : i32
    %lt3A_7 = arith.cmpi slt, %arg1, %lt3A_6 : i32
    %convert_element_type3A = arith.extui %lt3A_7 : i1 to i32
    %cond3A = arith.constant 0 : i32
    %cond3A_8 = arith.cmpi ne, %convert_element_type3A, %cond3A : i32
    scf.if %cond3A_8 {
      "tpu.region"() ({
        %run_scoped3A = tpu.sem_alloc : memref<!tpu.dma_semaphore, #tpu.memory_space<semaphore_mem>>
        %dma_start3A_214 = arith.constant 0 : i32
        %dma_start3A_215 = tpu.memref_slice %arg10[%mul3A_5, %dma_start3A_214] : memref<10000x112xf32, #tpu.memory_space<vmem_shared>> -> memref<632x112xf32, #tpu.memory_space<vmem_shared>>
        tpu.enqueue_dma source(%arg8 : memref<632x112xf32, #tpu.memory_space<hbm>>) target(%dma_start3A_215 : memref<632x112xf32, #tpu.memory_space<vmem_shared>>) target_semaphore(%run_scoped3A : memref<!tpu.dma_semaphore, #tpu.memory_space<semaphore_mem>>)
        %dma_wait3A_216 = arith.constant 0 : i32
        %dma_wait3A_217 = tpu.memref_slice %arg10[%mul3A_5, %dma_wait3A_216] : memref<10000x112xf32, #tpu.memory_space<vmem_shared>> -> memref<632x112xf32, #tpu.memory_space<vmem_shared>>
        tpu.wait_dma2 semaphore(%run_scoped3A : memref<!tpu.dma_semaphore, #tpu.memory_space<semaphore_mem>>) src(%arg8 : memref<632x112xf32, #tpu.memory_space<hbm>>) dst(%dma_wait3A_217 : memref<632x112xf32, #tpu.memory_space<vmem_shared>>)
        tpu.yield
      }) : () -> ()
    } else {
    }
    %eq3A_9 = arith.constant 15 : i32
    %eq3A_10 = arith.cmpi eq, %arg1, %eq3A_9 : i32
    %convert_element_type3A_11 = arith.extui %eq3A_10 : i1 to i32
    %cond3A_12 = arith.constant 0 : i32
    %cond3A_13 = arith.cmpi ne, %convert_element_type3A_11, %cond3A_12 : i32
    scf.if %cond3A_13 {
      "tpu.region"() ({
        %run_scoped3A = tpu.sem_alloc : memref<!tpu.dma_semaphore, #tpu.memory_space<semaphore_mem>>
        %dma_start3A_214 = arith.constant 0 : i32
        %dma_start3A_215 = tpu.memref_slice %arg10[%mul3A_5, %dma_start3A_214] : memref<10000x112xf32, #tpu.memory_space<vmem_shared>> -> memref<520x112xf32, #tpu.memory_space<vmem_shared>>
        %dma_start3A_216 = arith.constant 0 : i32
        %dma_start3A_217 = arith.constant 0 : i32
        %dma_start3A_218 = tpu.memref_slice %arg8[%dma_start3A_216, %dma_start3A_217] : memref<632x112xf32, #tpu.memory_space<hbm>> -> memref<520x112xf32, #tpu.memory_space<hbm>>
        tpu.enqueue_dma source(%dma_start3A_218 : memref<520x112xf32, #tpu.memory_space<hbm>>) target(%dma_start3A_215 : memref<520x112xf32, #tpu.memory_space<vmem_shared>>) target_semaphore(%run_scoped3A : memref<!tpu.dma_semaphore, #tpu.memory_space<semaphore_mem>>)
        %dma_wait3A_219 = arith.constant 0 : i32
        %dma_wait3A_220 = tpu.memref_slice %arg10[%mul3A_5, %dma_wait3A_219] : memref<10000x112xf32, #tpu.memory_space<vmem_shared>> -> memref<520x112xf32, #tpu.memory_space<vmem_shared>>
        %dma_wait3A_221 = arith.constant 0 : i32
        %dma_wait3A_222 = arith.constant 0 : i32
        %dma_wait3A_223 = tpu.memref_slice %arg8[%dma_wait3A_221, %dma_wait3A_222] : memref<632x112xf32, #tpu.memory_space<hbm>> -> memref<520x112xf32, #tpu.memory_space<hbm>>
        tpu.wait_dma2 semaphore(%run_scoped3A : memref<!tpu.dma_semaphore, #tpu.memory_space<semaphore_mem>>) src(%dma_wait3A_223 : memref<520x112xf32, #tpu.memory_space<hbm>>) dst(%dma_wait3A_220 : memref<520x112xf32, #tpu.memory_space<vmem_shared>>)
        tpu.yield
      }) : () -> ()
    } else {
    }
    %barrier3A = arith.constant 0 : index
    tpu.barrier barrier_id(%barrier3A)
    %mul3A_14 = arith.constant 20000 : i32
    %mul3A_15 = arith.muli %arg1, %mul3A_14 : i32
    %add3A = arith.constant 0 : i32
    %add3A_16 = arith.addi %mul3A_15, %add3A : i32
    %dma_start3A = arith.constant 0 : i32
    %dma_start3A_17 = arith.constant 0 : i32
    %dma_start3A_18 = arith.constant 0 : i32
    %dma_start3A_19 = tpu.memref_slice %arg11[%dma_start3A, %dma_start3A_18] : memref<2x80xi32, #tpu.memory_space<vmem>> -> memref<1x80xi32, #tpu.memory_space<vmem>>
    %dma_start3A_20 = tpu.memref_squeeze %dma_start3A_19 : memref<1x80xi32, #tpu.memory_space<vmem>> -> memref<80xi32, #tpu.memory_space<vmem>>
    %dma_start3A_21 = tpu.memref_slice %arg2[%add3A_16] : memref<320000xi32, #tpu.memory_space<hbm>> -> memref<80xi32, #tpu.memory_space<hbm>>
    %dma_start3A_22 = tpu.memref_slice %arg18[%dma_start3A_17] : memref<2x!tpu.dma_semaphore, #tpu.memory_space<semaphore_mem>> -> memref<1x!tpu.dma_semaphore, #tpu.memory_space<semaphore_mem>>
    %dma_start3A_23 = tpu.memref_squeeze %dma_start3A_22 : memref<1x!tpu.dma_semaphore, #tpu.memory_space<semaphore_mem>> -> memref<!tpu.dma_semaphore, #tpu.memory_space<semaphore_mem>>
    %dma_start3A_24 = arith.constant 0 : i32
    %dma_start3A_25 = tpu.memref_slice %arg11[%dma_start3A, %dma_start3A_24] : memref<2x80xi32, #tpu.memory_space<vmem>> -> memref<1x80xi32, #tpu.memory_space<vmem>>
    %dma_start3A_26 = tpu.memref_squeeze %dma_start3A_25 : memref<1x80xi32, #tpu.memory_space<vmem>> -> memref<80xi32, #tpu.memory_space<vmem>>
    %dma_start3A_27 = tpu.memref_slice %arg2[%add3A_16] : memref<320000xi32, #tpu.memory_space<hbm>> -> memref<80xi32, #tpu.memory_space<hbm>>
    tpu.enqueue_dma source(%dma_start3A_27 : memref<80xi32, #tpu.memory_space<hbm>>) target(%dma_start3A_26 : memref<80xi32, #tpu.memory_space<vmem>>) target_semaphore(%dma_start3A_23 : memref<!tpu.dma_semaphore, #tpu.memory_space<semaphore_mem>>)
    %dma_start3A_28 = arith.constant 0 : i32
    %dma_start3A_29 = arith.constant 0 : i32
    %dma_start3A_30 = arith.constant 0 : i32
    %dma_start3A_31 = tpu.memref_slice %arg12[%dma_start3A_28, %dma_start3A_30] : memref<2x80xi32, #tpu.memory_space<vmem>> -> memref<1x80xi32, #tpu.memory_space<vmem>>
    %dma_start3A_32 = tpu.memref_squeeze %dma_start3A_31 : memref<1x80xi32, #tpu.memory_space<vmem>> -> memref<80xi32, #tpu.memory_space<vmem>>
    %dma_start3A_33 = tpu.memref_slice %arg3[%add3A_16] : memref<320000xi32, #tpu.memory_space<hbm>> -> memref<80xi32, #tpu.memory_space<hbm>>
    %dma_start3A_34 = tpu.memref_slice %arg18[%dma_start3A_29] : memref<2x!tpu.dma_semaphore, #tpu.memory_space<semaphore_mem>> -> memref<1x!tpu.dma_semaphore, #tpu.memory_space<semaphore_mem>>
    %dma_start3A_35 = tpu.memref_squeeze %dma_start3A_34 : memref<1x!tpu.dma_semaphore, #tpu.memory_space<semaphore_mem>> -> memref<!tpu.dma_semaphore, #tpu.memory_space<semaphore_mem>>
    %dma_start3A_36 = arith.constant 0 : i32
    %dma_start3A_37 = tpu.memref_slice %arg12[%dma_start3A_28, %dma_start3A_36] : memref<2x80xi32, #tpu.memory_space<vmem>> -> memref<1x80xi32, #tpu.memory_space<vmem>>
    %dma_start3A_38 = tpu.memref_squeeze %dma_start3A_37 : memref<1x80xi32, #tpu.memory_space<vmem>> -> memref<80xi32, #tpu.memory_space<vmem>>
    %dma_start3A_39 = tpu.memref_slice %arg3[%add3A_16] : memref<320000xi32, #tpu.memory_space<hbm>> -> memref<80xi32, #tpu.memory_space<hbm>>
    tpu.enqueue_dma source(%dma_start3A_39 : memref<80xi32, #tpu.memory_space<hbm>>) target(%dma_start3A_38 : memref<80xi32, #tpu.memory_space<vmem>>) target_semaphore(%dma_start3A_35 : memref<!tpu.dma_semaphore, #tpu.memory_space<semaphore_mem>>)
    %dma_start3A_40 = arith.constant 0 : i32
    %dma_start3A_41 = arith.constant 0 : i32
    %dma_start3A_42 = arith.constant 0 : i32
    %dma_start3A_43 = arith.constant 0 : i32
    %dma_start3A_44 = tpu.memref_slice %arg14[%dma_start3A_40, %dma_start3A_42, %dma_start3A_43] : memref<2x80x32xf32, #tpu.memory_space<vmem>> -> memref<1x80x32xf32, #tpu.memory_space<vmem>>
    %dma_start3A_45 = tpu.memref_squeeze %dma_start3A_44 : memref<1x80x32xf32, #tpu.memory_space<vmem>> -> memref<80x32xf32, #tpu.memory_space<vmem>>
    %dma_start3A_46 = arith.constant 0 : i32
    %dma_start3A_47 = tpu.memref_slice %arg4[%add3A_16, %dma_start3A_46] : memref<320000x32xf32, #tpu.memory_space<hbm>> -> memref<80x32xf32, #tpu.memory_space<hbm>>
    %dma_start3A_48 = tpu.memref_slice %arg18[%dma_start3A_41] : memref<2x!tpu.dma_semaphore, #tpu.memory_space<semaphore_mem>> -> memref<1x!tpu.dma_semaphore, #tpu.memory_space<semaphore_mem>>
    %dma_start3A_49 = tpu.memref_squeeze %dma_start3A_48 : memref<1x!tpu.dma_semaphore, #tpu.memory_space<semaphore_mem>> -> memref<!tpu.dma_semaphore, #tpu.memory_space<semaphore_mem>>
    %dma_start3A_50 = arith.constant 0 : i32
    %dma_start3A_51 = arith.constant 0 : i32
    %dma_start3A_52 = tpu.memref_slice %arg14[%dma_start3A_40, %dma_start3A_50, %dma_start3A_51] : memref<2x80x32xf32, #tpu.memory_space<vmem>> -> memref<1x80x32xf32, #tpu.memory_space<vmem>>
    %dma_start3A_53 = tpu.memref_squeeze %dma_start3A_52 : memref<1x80x32xf32, #tpu.memory_space<vmem>> -> memref<80x32xf32, #tpu.memory_space<vmem>>
    %dma_start3A_54 = arith.constant 0 : i32
    %dma_start3A_55 = tpu.memref_slice %arg4[%add3A_16, %dma_start3A_54] : memref<320000x32xf32, #tpu.memory_space<hbm>> -> memref<80x32xf32, #tpu.memory_space<hbm>>
    tpu.enqueue_dma source(%dma_start3A_55 : memref<80x32xf32, #tpu.memory_space<hbm>>) target(%dma_start3A_53 : memref<80x32xf32, #tpu.memory_space<vmem>>) target_semaphore(%dma_start3A_49 : memref<!tpu.dma_semaphore, #tpu.memory_space<semaphore_mem>>)
    %dma_wait3A = arith.constant 0 : i32
    %dma_wait3A_56 = arith.constant 0 : i32
    %dma_wait3A_57 = arith.constant 0 : i32
    %dma_wait3A_58 = tpu.memref_slice %arg11[%dma_wait3A, %dma_wait3A_57] : memref<2x80xi32, #tpu.memory_space<vmem>> -> memref<1x80xi32, #tpu.memory_space<vmem>>
    %dma_wait3A_59 = tpu.memref_squeeze %dma_wait3A_58 : memref<1x80xi32, #tpu.memory_space<vmem>> -> memref<80xi32, #tpu.memory_space<vmem>>
    %dma_wait3A_60 = arith.constant 0 : i32
    %dma_wait3A_61 = tpu.memref_slice %arg2[%dma_wait3A_60] : memref<320000xi32, #tpu.memory_space<hbm>> -> memref<80xi32, #tpu.memory_space<hbm>>
    %dma_wait3A_62 = tpu.memref_slice %arg18[%dma_wait3A_56] : memref<2x!tpu.dma_semaphore, #tpu.memory_space<semaphore_mem>> -> memref<1x!tpu.dma_semaphore, #tpu.memory_space<semaphore_mem>>
    %dma_wait3A_63 = tpu.memref_squeeze %dma_wait3A_62 : memref<1x!tpu.dma_semaphore, #tpu.memory_space<semaphore_mem>> -> memref<!tpu.dma_semaphore, #tpu.memory_space<semaphore_mem>>
    %dma_wait3A_64 = arith.constant 0 : i32
    %dma_wait3A_65 = tpu.memref_slice %arg11[%dma_wait3A, %dma_wait3A_64] : memref<2x80xi32, #tpu.memory_space<vmem>> -> memref<1x80xi32, #tpu.memory_space<vmem>>
    %dma_wait3A_66 = tpu.memref_squeeze %dma_wait3A_65 : memref<1x80xi32, #tpu.memory_space<vmem>> -> memref<80xi32, #tpu.memory_space<vmem>>
    %dma_wait3A_67 = arith.constant 0 : i32
    %dma_wait3A_68 = tpu.memref_slice %arg2[%dma_wait3A_67] : memref<320000xi32, #tpu.memory_space<hbm>> -> memref<80xi32, #tpu.memory_space<hbm>>
    tpu.wait_dma2 semaphore(%dma_wait3A_63 : memref<!tpu.dma_semaphore, #tpu.memory_space<semaphore_mem>>) src(%dma_wait3A_68 : memref<80xi32, #tpu.memory_space<hbm>>) dst(%dma_wait3A_66 : memref<80xi32, #tpu.memory_space<vmem>>)
    %dma_wait3A_69 = arith.constant 0 : i32
    %dma_wait3A_70 = arith.constant 0 : i32
    %dma_wait3A_71 = arith.constant 0 : i32
    %dma_wait3A_72 = tpu.memref_slice %arg12[%dma_wait3A_69, %dma_wait3A_71] : memref<2x80xi32, #tpu.memory_space<vmem>> -> memref<1x80xi32, #tpu.memory_space<vmem>>
    %dma_wait3A_73 = tpu.memref_squeeze %dma_wait3A_72 : memref<1x80xi32, #tpu.memory_space<vmem>> -> memref<80xi32, #tpu.memory_space<vmem>>
    %dma_wait3A_74 = arith.constant 0 : i32
    %dma_wait3A_75 = tpu.memref_slice %arg3[%dma_wait3A_74] : memref<320000xi32, #tpu.memory_space<hbm>> -> memref<80xi32, #tpu.memory_space<hbm>>
    %dma_wait3A_76 = tpu.memref_slice %arg18[%dma_wait3A_70] : memref<2x!tpu.dma_semaphore, #tpu.memory_space<semaphore_mem>> -> memref<1x!tpu.dma_semaphore, #tpu.memory_space<semaphore_mem>>
    %dma_wait3A_77 = tpu.memref_squeeze %dma_wait3A_76 : memref<1x!tpu.dma_semaphore, #tpu.memory_space<semaphore_mem>> -> memref<!tpu.dma_semaphore, #tpu.memory_space<semaphore_mem>>
    %dma_wait3A_78 = arith.constant 0 : i32
    %dma_wait3A_79 = tpu.memref_slice %arg12[%dma_wait3A_69, %dma_wait3A_78] : memref<2x80xi32, #tpu.memory_space<vmem>> -> memref<1x80xi32, #tpu.memory_space<vmem>>
    %dma_wait3A_80 = tpu.memref_squeeze %dma_wait3A_79 : memref<1x80xi32, #tpu.memory_space<vmem>> -> memref<80xi32, #tpu.memory_space<vmem>>
    %dma_wait3A_81 = arith.constant 0 : i32
    %dma_wait3A_82 = tpu.memref_slice %arg3[%dma_wait3A_81] : memref<320000xi32, #tpu.memory_space<hbm>> -> memref<80xi32, #tpu.memory_space<hbm>>
    tpu.wait_dma2 semaphore(%dma_wait3A_77 : memref<!tpu.dma_semaphore, #tpu.memory_space<semaphore_mem>>) src(%dma_wait3A_82 : memref<80xi32, #tpu.memory_space<hbm>>) dst(%dma_wait3A_80 : memref<80xi32, #tpu.memory_space<vmem>>)
    %dma_wait3A_83 = arith.constant 0 : i32
    %dma_wait3A_84 = arith.constant 0 : i32
    %dma_wait3A_85 = arith.constant 0 : i32
    %dma_wait3A_86 = arith.constant 0 : i32
    %dma_wait3A_87 = tpu.memref_slice %arg14[%dma_wait3A_83, %dma_wait3A_85, %dma_wait3A_86] : memref<2x80x32xf32, #tpu.memory_space<vmem>> -> memref<1x80x32xf32, #tpu.memory_space<vmem>>
    %dma_wait3A_88 = tpu.memref_squeeze %dma_wait3A_87 : memref<1x80x32xf32, #tpu.memory_space<vmem>> -> memref<80x32xf32, #tpu.memory_space<vmem>>
    %dma_wait3A_89 = arith.constant 0 : i32
    %dma_wait3A_90 = arith.constant 0 : i32
    %dma_wait3A_91 = tpu.memref_slice %arg4[%dma_wait3A_89, %dma_wait3A_90] : memref<320000x32xf32, #tpu.memory_space<hbm>> -> memref<80x32xf32, #tpu.memory_space<hbm>>
    %dma_wait3A_92 = tpu.memref_slice %arg18[%dma_wait3A_84] : memref<2x!tpu.dma_semaphore, #tpu.memory_space<semaphore_mem>> -> memref<1x!tpu.dma_semaphore, #tpu.memory_space<semaphore_mem>>
    %dma_wait3A_93 = tpu.memref_squeeze %dma_wait3A_92 : memref<1x!tpu.dma_semaphore, #tpu.memory_space<semaphore_mem>> -> memref<!tpu.dma_semaphore, #tpu.memory_space<semaphore_mem>>
    %dma_wait3A_94 = arith.constant 0 : i32
    %dma_wait3A_95 = arith.constant 0 : i32
    %dma_wait3A_96 = tpu.memref_slice %arg14[%dma_wait3A_83, %dma_wait3A_94, %dma_wait3A_95] : memref<2x80x32xf32, #tpu.memory_space<vmem>> -> memref<1x80x32xf32, #tpu.memory_space<vmem>>
    %dma_wait3A_97 = tpu.memref_squeeze %dma_wait3A_96 : memref<1x80x32xf32, #tpu.memory_space<vmem>> -> memref<80x32xf32, #tpu.memory_space<vmem>>
    %dma_wait3A_98 = arith.constant 0 : i32
    %dma_wait3A_99 = arith.constant 0 : i32
    %dma_wait3A_100 = tpu.memref_slice %arg4[%dma_wait3A_98, %dma_wait3A_99] : memref<320000x32xf32, #tpu.memory_space<hbm>> -> memref<80x32xf32, #tpu.memory_space<hbm>>
    tpu.wait_dma2 semaphore(%dma_wait3A_93 : memref<!tpu.dma_semaphore, #tpu.memory_space<semaphore_mem>>) src(%dma_wait3A_100 : memref<80x32xf32, #tpu.memory_space<hbm>>) dst(%dma_wait3A_97 : memref<80x32xf32, #tpu.memory_space<vmem>>)
    %dma_start3A_101 = arith.constant 0 : i32
    %dma_start3A_102 = arith.constant 0 : i32
    %dma_start3A_103 = arith.constant 0 : i32
    %dma_start3A_104 = arith.constant 0 : i32
    %dma_start3A_105 = arith.constant 0 : i32
    %dma_start3A_106 = tpu.memref_slice %arg15[%dma_start3A_102, %dma_start3A_104, %dma_start3A_105] : memref<2x80x16xf32, #tpu.memory_space<vmem>> -> memref<1x80x16xf32, #tpu.memory_space<vmem>>
    %dma_start3A_107 = tpu.memref_squeeze %dma_start3A_106 : memref<1x80x16xf32, #tpu.memory_space<vmem>> -> memref<80x16xf32, #tpu.memory_space<vmem>>
    %dma_start3A_108 = arith.constant 0 : i32
    %dma_start3A_109 = tpu.memref_slice %arg12[%dma_start3A_101, %dma_start3A_108] : memref<2x80xi32, #tpu.memory_space<vmem>> -> memref<1x80xi32, #tpu.memory_space<vmem>>
    %dma_start3A_110 = tpu.memref_squeeze %dma_start3A_109 : memref<1x80xi32, #tpu.memory_space<vmem>> -> memref<80xi32, #tpu.memory_space<vmem>>
    %dma_start3A_111 = arith.constant 0 : i32
    %dma_start3A_112 = arith.constant 0 : i32
    %dma_start3A_113 = tpu.memref_slice %arg7[%dma_start3A_111, %dma_start3A_112] : memref<10000x16xf32, #tpu.memory_space<hbm>> -> memref<10000x16xf32, #tpu.memory_space<hbm>>
    %dma_start3A_114 = tpu.memref_slice %arg19[%dma_start3A_103] : memref<2x!tpu.dma_semaphore, #tpu.memory_space<semaphore_mem>> -> memref<1x!tpu.dma_semaphore, #tpu.memory_space<semaphore_mem>>
    %dma_start3A_115 = tpu.memref_squeeze %dma_start3A_114 : memref<1x!tpu.dma_semaphore, #tpu.memory_space<semaphore_mem>> -> memref<!tpu.dma_semaphore, #tpu.memory_space<semaphore_mem>>
    tpu.enqueue_indirect_dma source(%dma_start3A_113 : memref<10000x16xf32, #tpu.memory_space<hbm>>) target(%dma_start3A_107 : memref<80x16xf32, #tpu.memory_space<vmem>>) offsets(%dma_start3A_110 : memref<80xi32, #tpu.memory_space<vmem>>) semaphore(%dma_start3A_115 : memref<!tpu.dma_semaphore, #tpu.memory_space<semaphore_mem>>)
    %eq3A_116 = arith.constant 0 : i32
    %eq3A_117 = arith.cmpi eq, %arg0, %eq3A_116 : i32
    %convert_element_type3A_118 = arith.extui %eq3A_117 : i1 to i32
    %cond3A_119 = arith.constant 0 : i32
    %cond3A_120 = arith.cmpi ne, %convert_element_type3A_118, %cond3A_119 : i32
    scf.if %cond3A_120 {
      %dma_start3A_214 = arith.constant 0 : i32
      %dma_start3A_215 = arith.constant 0 : i32
      %dma_start3A_216 = arith.constant 0 : i32
      %dma_start3A_217 = arith.constant 0 : i32
      %dma_start3A_218 = arith.constant 0 : i32
      %dma_start3A_219 = tpu.memref_slice %arg16[%dma_start3A_215, %dma_start3A_217, %dma_start3A_218] : memref<2x80x80xf32, #tpu.memory_space<vmem>> -> memref<1x80x80xf32, #tpu.memory_space<vmem>>
      %dma_start3A_220 = tpu.memref_squeeze %dma_start3A_219 : memref<1x80x80xf32, #tpu.memory_space<vmem>> -> memref<80x80xf32, #tpu.memory_space<vmem>>
      %dma_start3A_221 = arith.constant 0 : i32
      %dma_start3A_222 = tpu.memref_slice %arg11[%dma_start3A_214, %dma_start3A_221] : memref<2x80xi32, #tpu.memory_space<vmem>> -> memref<1x80xi32, #tpu.memory_space<vmem>>
      %dma_start3A_223 = tpu.memref_squeeze %dma_start3A_222 : memref<1x80xi32, #tpu.memory_space<vmem>> -> memref<80xi32, #tpu.memory_space<vmem>>
      %dma_start3A_224 = arith.constant 0 : i32
      %dma_start3A_225 = arith.constant 0 : i32
      %dma_start3A_226 = tpu.memref_slice %arg5[%dma_start3A_224, %dma_start3A_225] : memref<10000x80xf32, #tpu.memory_space<hbm>> -> memref<10000x80xf32, #tpu.memory_space<hbm>>
      %dma_start3A_227 = tpu.memref_slice %arg19[%dma_start3A_216] : memref<2x!tpu.dma_semaphore, #tpu.memory_space<semaphore_mem>> -> memref<1x!tpu.dma_semaphore, #tpu.memory_space<semaphore_mem>>
      %dma_start3A_228 = tpu.memref_squeeze %dma_start3A_227 : memref<1x!tpu.dma_semaphore, #tpu.memory_space<semaphore_mem>> -> memref<!tpu.dma_semaphore, #tpu.memory_space<semaphore_mem>>
      tpu.enqueue_indirect_dma source(%dma_start3A_226 : memref<10000x80xf32, #tpu.memory_space<hbm>>) target(%dma_start3A_220 : memref<80x80xf32, #tpu.memory_space<vmem>>) offsets(%dma_start3A_223 : memref<80xi32, #tpu.memory_space<vmem>>) semaphore(%dma_start3A_228 : memref<!tpu.dma_semaphore, #tpu.memory_space<semaphore_mem>>)
    } else {
    }
    %eq3A_121 = arith.constant 1 : i32
    %eq3A_122 = arith.cmpi eq, %arg0, %eq3A_121 : i32
    %convert_element_type3A_123 = arith.extui %eq3A_122 : i1 to i32
    %cond3A_124 = arith.constant 0 : i32
    %cond3A_125 = arith.cmpi ne, %convert_element_type3A_123, %cond3A_124 : i32
    scf.if %cond3A_125 {
      %dma_start3A_214 = arith.constant 0 : i32
      %dma_start3A_215 = arith.constant 0 : i32
      %dma_start3A_216 = arith.constant 0 : i32
      %dma_start3A_217 = arith.constant 0 : i32
      %dma_start3A_218 = arith.constant 0 : i32
      %dma_start3A_219 = tpu.memref_slice %arg16[%dma_start3A_215, %dma_start3A_217, %dma_start3A_218] : memref<2x80x80xf32, #tpu.memory_space<vmem>> -> memref<1x80x80xf32, #tpu.memory_space<vmem>>
      %dma_start3A_220 = tpu.memref_squeeze %dma_start3A_219 : memref<1x80x80xf32, #tpu.memory_space<vmem>> -> memref<80x80xf32, #tpu.memory_space<vmem>>
      %dma_start3A_221 = arith.constant 0 : i32
      %dma_start3A_222 = tpu.memref_slice %arg11[%dma_start3A_214, %dma_start3A_221] : memref<2x80xi32, #tpu.memory_space<vmem>> -> memref<1x80xi32, #tpu.memory_space<vmem>>
      %dma_start3A_223 = tpu.memref_squeeze %dma_start3A_222 : memref<1x80xi32, #tpu.memory_space<vmem>> -> memref<80xi32, #tpu.memory_space<vmem>>
      %dma_start3A_224 = arith.constant 0 : i32
      %dma_start3A_225 = arith.constant 0 : i32
      %dma_start3A_226 = tpu.memref_slice %arg6[%dma_start3A_224, %dma_start3A_225] : memref<10000x80xf32, #tpu.memory_space<hbm>> -> memref<10000x80xf32, #tpu.memory_space<hbm>>
      %dma_start3A_227 = tpu.memref_slice %arg19[%dma_start3A_216] : memref<2x!tpu.dma_semaphore, #tpu.memory_space<semaphore_mem>> -> memref<1x!tpu.dma_semaphore, #tpu.memory_space<semaphore_mem>>
      %dma_start3A_228 = tpu.memref_squeeze %dma_start3A_227 : memref<1x!tpu.dma_semaphore, #tpu.memory_space<semaphore_mem>> -> memref<!tpu.dma_semaphore, #tpu.memory_space<semaphore_mem>>
      tpu.enqueue_indirect_dma source(%dma_start3A_226 : memref<10000x80xf32, #tpu.memory_space<hbm>>) target(%dma_start3A_220 : memref<80x80xf32, #tpu.memory_space<vmem>>) offsets(%dma_start3A_223 : memref<80xi32, #tpu.memory_space<vmem>>) semaphore(%dma_start3A_228 : memref<!tpu.dma_semaphore, #tpu.memory_space<semaphore_mem>>)
    } else {
    }
    %add3A_126 = arith.constant 80 : i32
    %add3A_127 = arith.addi %mul3A_15, %add3A_126 : i32
    %dma_start3A_128 = arith.constant 1 : i32
    %dma_start3A_129 = arith.constant 1 : i32
    %dma_start3A_130 = arith.constant 0 : i32
    %dma_start3A_131 = tpu.memref_slice %arg11[%dma_start3A_128, %dma_start3A_130] : memref<2x80xi32, #tpu.memory_space<vmem>> -> memref<1x80xi32, #tpu.memory_space<vmem>>
    %dma_start3A_132 = tpu.memref_squeeze %dma_start3A_131 : memref<1x80xi32, #tpu.memory_space<vmem>> -> memref<80xi32, #tpu.memory_space<vmem>>
    %dma_start3A_133 = tpu.memref_slice %arg2[%add3A_127] : memref<320000xi32, #tpu.memory_space<hbm>> -> memref<80xi32, #tpu.memory_space<hbm>>
    %dma_start3A_134 = tpu.memref_slice %arg18[%dma_start3A_129] : memref<2x!tpu.dma_semaphore, #tpu.memory_space<semaphore_mem>> -> memref<1x!tpu.dma_semaphore, #tpu.memory_space<semaphore_mem>>
    %dma_start3A_135 = tpu.memref_squeeze %dma_start3A_134 : memref<1x!tpu.dma_semaphore, #tpu.memory_space<semaphore_mem>> -> memref<!tpu.dma_semaphore, #tpu.memory_space<semaphore_mem>>
    %dma_start3A_136 = arith.constant 0 : i32
    %dma_start3A_137 = tpu.memref_slice %arg11[%dma_start3A_128, %dma_start3A_136] : memref<2x80xi32, #tpu.memory_space<vmem>> -> memref<1x80xi32, #tpu.memory_space<vmem>>
    %dma_start3A_138 = tpu.memref_squeeze %dma_start3A_137 : memref<1x80xi32, #tpu.memory_space<vmem>> -> memref<80xi32, #tpu.memory_space<vmem>>
    %dma_start3A_139 = tpu.memref_slice %arg2[%add3A_127] : memref<320000xi32, #tpu.memory_space<hbm>> -> memref<80xi32, #tpu.memory_space<hbm>>
    tpu.enqueue_dma source(%dma_start3A_139 : memref<80xi32, #tpu.memory_space<hbm>>) target(%dma_start3A_138 : memref<80xi32, #tpu.memory_space<vmem>>) target_semaphore(%dma_start3A_135 : memref<!tpu.dma_semaphore, #tpu.memory_space<semaphore_mem>>)
    %dma_start3A_140 = arith.constant 1 : i32
    %dma_start3A_141 = arith.constant 1 : i32
    %dma_start3A_142 = arith.constant 0 : i32
    %dma_start3A_143 = tpu.memref_slice %arg12[%dma_start3A_140, %dma_start3A_142] : memref<2x80xi32, #tpu.memory_space<vmem>> -> memref<1x80xi32, #tpu.memory_space<vmem>>
    %dma_start3A_144 = tpu.memref_squeeze %dma_start3A_143 : memref<1x80xi32, #tpu.memory_space<vmem>> -> memref<80xi32, #tpu.memory_space<vmem>>
    %dma_start3A_145 = tpu.memref_slice %arg3[%add3A_127] : memref<320000xi32, #tpu.memory_space<hbm>> -> memref<80xi32, #tpu.memory_space<hbm>>
    %dma_start3A_146 = tpu.memref_slice %arg18[%dma_start3A_141] : memref<2x!tpu.dma_semaphore, #tpu.memory_space<semaphore_mem>> -> memref<1x!tpu.dma_semaphore, #tpu.memory_space<semaphore_mem>>
    %dma_start3A_147 = tpu.memref_squeeze %dma_start3A_146 : memref<1x!tpu.dma_semaphore, #tpu.memory_space<semaphore_mem>> -> memref<!tpu.dma_semaphore, #tpu.memory_space<semaphore_mem>>
    %dma_start3A_148 = arith.constant 0 : i32
    %dma_start3A_149 = tpu.memref_slice %arg12[%dma_start3A_140, %dma_start3A_148] : memref<2x80xi32, #tpu.memory_space<vmem>> -> memref<1x80xi32, #tpu.memory_space<vmem>>
    %dma_start3A_150 = tpu.memref_squeeze %dma_start3A_149 : memref<1x80xi32, #tpu.memory_space<vmem>> -> memref<80xi32, #tpu.memory_space<vmem>>
    %dma_start3A_151 = tpu.memref_slice %arg3[%add3A_127] : memref<320000xi32, #tpu.memory_space<hbm>> -> memref<80xi32, #tpu.memory_space<hbm>>
    tpu.enqueue_dma source(%dma_start3A_151 : memref<80xi32, #tpu.memory_space<hbm>>) target(%dma_start3A_150 : memref<80xi32, #tpu.memory_space<vmem>>) target_semaphore(%dma_start3A_147 : memref<!tpu.dma_semaphore, #tpu.memory_space<semaphore_mem>>)
    %dma_start3A_152 = arith.constant 1 : i32
    %dma_start3A_153 = arith.constant 1 : i32
    %dma_start3A_154 = arith.constant 0 : i32
    %dma_start3A_155 = arith.constant 0 : i32
    %dma_start3A_156 = tpu.memref_slice %arg14[%dma_start3A_152, %dma_start3A_154, %dma_start3A_155] : memref<2x80x32xf32, #tpu.memory_space<vmem>> -> memref<1x80x32xf32, #tpu.memory_space<vmem>>
    %dma_start3A_157 = tpu.memref_squeeze %dma_start3A_156 : memref<1x80x32xf32, #tpu.memory_space<vmem>> -> memref<80x32xf32, #tpu.memory_space<vmem>>
    %dma_start3A_158 = arith.constant 0 : i32
    %dma_start3A_159 = tpu.memref_slice %arg4[%add3A_127, %dma_start3A_158] : memref<320000x32xf32, #tpu.memory_space<hbm>> -> memref<80x32xf32, #tpu.memory_space<hbm>>
    %dma_start3A_160 = tpu.memref_slice %arg18[%dma_start3A_153] : memref<2x!tpu.dma_semaphore, #tpu.memory_space<semaphore_mem>> -> memref<1x!tpu.dma_semaphore, #tpu.memory_space<semaphore_mem>>
    %dma_start3A_161 = tpu.memref_squeeze %dma_start3A_160 : memref<1x!tpu.dma_semaphore, #tpu.memory_space<semaphore_mem>> -> memref<!tpu.dma_semaphore, #tpu.memory_space<semaphore_mem>>
    %dma_start3A_162 = arith.constant 0 : i32
    %dma_start3A_163 = arith.constant 0 : i32
    %dma_start3A_164 = tpu.memref_slice %arg14[%dma_start3A_152, %dma_start3A_162, %dma_start3A_163] : memref<2x80x32xf32, #tpu.memory_space<vmem>> -> memref<1x80x32xf32, #tpu.memory_space<vmem>>
    %dma_start3A_165 = tpu.memref_squeeze %dma_start3A_164 : memref<1x80x32xf32, #tpu.memory_space<vmem>> -> memref<80x32xf32, #tpu.memory_space<vmem>>
    %dma_start3A_166 = arith.constant 0 : i32
    %dma_start3A_167 = tpu.memref_slice %arg4[%add3A_127, %dma_start3A_166] : memref<320000x32xf32, #tpu.memory_space<hbm>> -> memref<80x32xf32, #tpu.memory_space<hbm>>
    tpu.enqueue_dma source(%dma_start3A_167 : memref<80x32xf32, #tpu.memory_space<hbm>>) target(%dma_start3A_165 : memref<80x32xf32, #tpu.memory_space<vmem>>) target_semaphore(%dma_start3A_161 : memref<!tpu.dma_semaphore, #tpu.memory_space<semaphore_mem>>)
    %scan3A = arith.constant 0 : i32
    %scan3A_168 = arith.constant 0 : i32
    %scan3A_169 = arith.constant 250 : i32
    %scan3A_170 = arith.addi %scan3A_168, %scan3A_169 : i32
    %scan3A_171 = arith.constant 1 : i32
    scf.for %scan3A_214 = %scan3A_168 to %scan3A_170 step %scan3A_171  : i32 {
      %jit3A = arith.constant 2 : i32
      %eq3A_215 = arith.constant 0 : i32
      %eq3A_216 = arith.cmpi eq, %jit3A, %eq3A_215 : i32
      %jit3A_217 = arith.constant 1 : i32
      %select_n3A = arith.select %eq3A_216, %jit3A_217, %jit3A : i32
      %rem3A = arith.remsi %scan3A_214, %select_n3A : i32
      %ne3A = arith.constant 0 : i32
      %ne3A_218 = arith.cmpi ne, %rem3A, %ne3A : i32
      %lt3A_219 = arith.constant 0 : i32
      %lt3A_220 = arith.cmpi slt, %rem3A, %lt3A_219 : i32
      %lt3A_221 = arith.constant 0 : i32
      %lt3A_222 = arith.cmpi slt, %select_n3A, %lt3A_221 : i32
      %ne3A_223 = arith.xori %lt3A_220, %lt3A_222 : i1
      %and3A_224 = arith.andi %ne3A_223, %ne3A_218 : i1
      %add3A_225 = arith.addi %rem3A, %select_n3A : i32
      %select_n3A_226 = arith.select %and3A_224, %add3A_225, %rem3A : i32
      %eq3A_227 = arith.constant 0 : i32
      %eq3A_228 = arith.cmpi eq, %select_n3A_226, %eq3A_227 : i32
      %convert_element_type3A_229 = arith.extui %eq3A_228 : i1 to i32
      %cond3A_230 = arith.constant 0 : i32
      %cond3A_231 = arith.cmpi ne, %convert_element_type3A_229, %cond3A_230 : i32
      scf.if %cond3A_231 {
        %le3A = arith.constant 248 : i32
        %le3A_253 = arith.cmpi sle, %scan3A_214, %le3A : i32
        %convert_element_type3A_254 = arith.extui %le3A_253 : i1 to i32
        %cond3A_255 = arith.constant 0 : i32
        %cond3A_256 = arith.cmpi ne, %convert_element_type3A_254, %cond3A_255 : i32
        scf.if %cond3A_256 {
          %dma_wait3A_370 = arith.constant 1 : i32
          %dma_wait3A_371 = arith.constant 1 : i32
          %dma_wait3A_372 = arith.constant 0 : i32
          %dma_wait3A_373 = tpu.memref_slice %arg11[%dma_wait3A_370, %dma_wait3A_372] : memref<2x80xi32, #tpu.memory_space<vmem>> -> memref<1x80xi32, #tpu.memory_space<vmem>>
          %dma_wait3A_374 = tpu.memref_squeeze %dma_wait3A_373 : memref<1x80xi32, #tpu.memory_space<vmem>> -> memref<80xi32, #tpu.memory_space<vmem>>
          %dma_wait3A_375 = arith.constant 0 : i32
          %dma_wait3A_376 = tpu.memref_slice %arg2[%dma_wait3A_375] : memref<320000xi32, #tpu.memory_space<hbm>> -> memref<80xi32, #tpu.memory_space<hbm>>
          %dma_wait3A_377 = tpu.memref_slice %arg18[%dma_wait3A_371] : memref<2x!tpu.dma_semaphore, #tpu.memory_space<semaphore_mem>> -> memref<1x!tpu.dma_semaphore, #tpu.memory_space<semaphore_mem>>
          %dma_wait3A_378 = tpu.memref_squeeze %dma_wait3A_377 : memref<1x!tpu.dma_semaphore, #tpu.memory_space<semaphore_mem>> -> memref<!tpu.dma_semaphore, #tpu.memory_space<semaphore_mem>>
          %dma_wait3A_379 = arith.constant 0 : i32
          %dma_wait3A_380 = tpu.memref_slice %arg11[%dma_wait3A_370, %dma_wait3A_379] : memref<2x80xi32, #tpu.memory_space<vmem>> -> memref<1x80xi32, #tpu.memory_space<vmem>>
          %dma_wait3A_381 = tpu.memref_squeeze %dma_wait3A_380 : memref<1x80xi32, #tpu.memory_space<vmem>> -> memref<80xi32, #tpu.memory_space<vmem>>
          %dma_wait3A_382 = arith.constant 0 : i32
          %dma_wait3A_383 = tpu.memref_slice %arg2[%dma_wait3A_382] : memref<320000xi32, #tpu.memory_space<hbm>> -> memref<80xi32, #tpu.memory_space<hbm>>
          tpu.wait_dma2 semaphore(%dma_wait3A_378 : memref<!tpu.dma_semaphore, #tpu.memory_space<semaphore_mem>>) src(%dma_wait3A_383 : memref<80xi32, #tpu.memory_space<hbm>>) dst(%dma_wait3A_381 : memref<80xi32, #tpu.memory_space<vmem>>)
          %dma_wait3A_384 = arith.constant 1 : i32
          %dma_wait3A_385 = arith.constant 1 : i32
          %dma_wait3A_386 = arith.constant 0 : i32
          %dma_wait3A_387 = tpu.memref_slice %arg12[%dma_wait3A_384, %dma_wait3A_386] : memref<2x80xi32, #tpu.memory_space<vmem>> -> memref<1x80xi32, #tpu.memory_space<vmem>>
          %dma_wait3A_388 = tpu.memref_squeeze %dma_wait3A_387 : memref<1x80xi32, #tpu.memory_space<vmem>> -> memref<80xi32, #tpu.memory_space<vmem>>
          %dma_wait3A_389 = arith.constant 0 : i32
          %dma_wait3A_390 = tpu.memref_slice %arg3[%dma_wait3A_389] : memref<320000xi32, #tpu.memory_space<hbm>> -> memref<80xi32, #tpu.memory_space<hbm>>
          %dma_wait3A_391 = tpu.memref_slice %arg18[%dma_wait3A_385] : memref<2x!tpu.dma_semaphore, #tpu.memory_space<semaphore_mem>> -> memref<1x!tpu.dma_semaphore, #tpu.memory_space<semaphore_mem>>
          %dma_wait3A_392 = tpu.memref_squeeze %dma_wait3A_391 : memref<1x!tpu.dma_semaphore, #tpu.memory_space<semaphore_mem>> -> memref<!tpu.dma_semaphore, #tpu.memory_space<semaphore_mem>>
          %dma_wait3A_393 = arith.constant 0 : i32
          %dma_wait3A_394 = tpu.memref_slice %arg12[%dma_wait3A_384, %dma_wait3A_393] : memref<2x80xi32, #tpu.memory_space<vmem>> -> memref<1x80xi32, #tpu.memory_space<vmem>>
          %dma_wait3A_395 = tpu.memref_squeeze %dma_wait3A_394 : memref<1x80xi32, #tpu.memory_space<vmem>> -> memref<80xi32, #tpu.memory_space<vmem>>
          %dma_wait3A_396 = arith.constant 0 : i32
          %dma_wait3A_397 = tpu.memref_slice %arg3[%dma_wait3A_396] : memref<320000xi32, #tpu.memory_space<hbm>> -> memref<80xi32, #tpu.memory_space<hbm>>
          tpu.wait_dma2 semaphore(%dma_wait3A_392 : memref<!tpu.dma_semaphore, #tpu.memory_space<semaphore_mem>>) src(%dma_wait3A_397 : memref<80xi32, #tpu.memory_space<hbm>>) dst(%dma_wait3A_395 : memref<80xi32, #tpu.memory_space<vmem>>)
          %dma_wait3A_398 = arith.constant 1 : i32
          %dma_wait3A_399 = arith.constant 1 : i32
          %dma_wait3A_400 = arith.constant 0 : i32
          %dma_wait3A_401 = arith.constant 0 : i32
          %dma_wait3A_402 = tpu.memref_slice %arg14[%dma_wait3A_398, %dma_wait3A_400, %dma_wait3A_401] : memref<2x80x32xf32, #tpu.memory_space<vmem>> -> memref<1x80x32xf32, #tpu.memory_space<vmem>>
          %dma_wait3A_403 = tpu.memref_squeeze %dma_wait3A_402 : memref<1x80x32xf32, #tpu.memory_space<vmem>> -> memref<80x32xf32, #tpu.memory_space<vmem>>
          %dma_wait3A_404 = arith.constant 0 : i32
          %dma_wait3A_405 = arith.constant 0 : i32
          %dma_wait3A_406 = tpu.memref_slice %arg4[%dma_wait3A_404, %dma_wait3A_405] : memref<320000x32xf32, #tpu.memory_space<hbm>> -> memref<80x32xf32, #tpu.memory_space<hbm>>
          %dma_wait3A_407 = tpu.memref_slice %arg18[%dma_wait3A_399] : memref<2x!tpu.dma_semaphore, #tpu.memory_space<semaphore_mem>> -> memref<1x!tpu.dma_semaphore, #tpu.memory_space<semaphore_mem>>
          %dma_wait3A_408 = tpu.memref_squeeze %dma_wait3A_407 : memref<1x!tpu.dma_semaphore, #tpu.memory_space<semaphore_mem>> -> memref<!tpu.dma_semaphore, #tpu.memory_space<semaphore_mem>>
          %dma_wait3A_409 = arith.constant 0 : i32
          %dma_wait3A_410 = arith.constant 0 : i32
          %dma_wait3A_411 = tpu.memref_slice %arg14[%dma_wait3A_398, %dma_wait3A_409, %dma_wait3A_410] : memref<2x80x32xf32, #tpu.memory_space<vmem>> -> memref<1x80x32xf32, #tpu.memory_space<vmem>>
          %dma_wait3A_412 = tpu.memref_squeeze %dma_wait3A_411 : memref<1x80x32xf32, #tpu.memory_space<vmem>> -> memref<80x32xf32, #tpu.memory_space<vmem>>
          %dma_wait3A_413 = arith.constant 0 : i32
          %dma_wait3A_414 = arith.constant 0 : i32
          %dma_wait3A_415 = tpu.memref_slice %arg4[%dma_wait3A_413, %dma_wait3A_414] : memref<320000x32xf32, #tpu.memory_space<hbm>> -> memref<80x32xf32, #tpu.memory_space<hbm>>
          tpu.wait_dma2 semaphore(%dma_wait3A_408 : memref<!tpu.dma_semaphore, #tpu.memory_space<semaphore_mem>>) src(%dma_wait3A_415 : memref<80x32xf32, #tpu.memory_space<hbm>>) dst(%dma_wait3A_412 : memref<80x32xf32, #tpu.memory_space<vmem>>)
          %dma_start3A_416 = arith.constant 1 : i32
          %dma_start3A_417 = arith.constant 1 : i32
          %dma_start3A_418 = arith.constant 1 : i32
          %dma_start3A_419 = arith.constant 0 : i32
          %dma_start3A_420 = arith.constant 0 : i32
          %dma_start3A_421 = tpu.memref_slice %arg15[%dma_start3A_417, %dma_start3A_419, %dma_start3A_420] : memref<2x80x16xf32, #tpu.memory_space<vmem>> -> memref<1x80x16xf32, #tpu.memory_space<vmem>>
          %dma_start3A_422 = tpu.memref_squeeze %dma_start3A_421 : memref<1x80x16xf32, #tpu.memory_space<vmem>> -> memref<80x16xf32, #tpu.memory_space<vmem>>
          %dma_start3A_423 = arith.constant 0 : i32
          %dma_start3A_424 = tpu.memref_slice %arg12[%dma_start3A_416, %dma_start3A_423] : memref<2x80xi32, #tpu.memory_space<vmem>> -> memref<1x80xi32, #tpu.memory_space<vmem>>
          %dma_start3A_425 = tpu.memref_squeeze %dma_start3A_424 : memref<1x80xi32, #tpu.memory_space<vmem>> -> memref<80xi32, #tpu.memory_space<vmem>>
          %dma_start3A_426 = arith.constant 0 : i32
          %dma_start3A_427 = arith.constant 0 : i32
          %dma_start3A_428 = tpu.memref_slice %arg7[%dma_start3A_426, %dma_start3A_427] : memref<10000x16xf32, #tpu.memory_space<hbm>> -> memref<10000x16xf32, #tpu.memory_space<hbm>>
          %dma_start3A_429 = tpu.memref_slice %arg19[%dma_start3A_418] : memref<2x!tpu.dma_semaphore, #tpu.memory_space<semaphore_mem>> -> memref<1x!tpu.dma_semaphore, #tpu.memory_space<semaphore_mem>>
          %dma_start3A_430 = tpu.memref_squeeze %dma_start3A_429 : memref<1x!tpu.dma_semaphore, #tpu.memory_space<semaphore_mem>> -> memref<!tpu.dma_semaphore, #tpu.memory_space<semaphore_mem>>
          tpu.enqueue_indirect_dma source(%dma_start3A_428 : memref<10000x16xf32, #tpu.memory_space<hbm>>) target(%dma_start3A_422 : memref<80x16xf32, #tpu.memory_space<vmem>>) offsets(%dma_start3A_425 : memref<80xi32, #tpu.memory_space<vmem>>) semaphore(%dma_start3A_430 : memref<!tpu.dma_semaphore, #tpu.memory_space<semaphore_mem>>)
          %eq3A_431 = arith.constant 0 : i32
          %eq3A_432 = arith.cmpi eq, %arg0, %eq3A_431 : i32
          %convert_element_type3A_433 = arith.extui %eq3A_432 : i1 to i32
          %cond3A_434 = arith.constant 0 : i32
          %cond3A_435 = arith.cmpi ne, %convert_element_type3A_433, %cond3A_434 : i32
          scf.if %cond3A_435 {
            %dma_start3A_441 = arith.constant 1 : i32
            %dma_start3A_442 = arith.constant 1 : i32
            %dma_start3A_443 = arith.constant 1 : i32
            %dma_start3A_444 = arith.constant 0 : i32
            %dma_start3A_445 = arith.constant 0 : i32
            %dma_start3A_446 = tpu.memref_slice %arg16[%dma_start3A_442, %dma_start3A_444, %dma_start3A_445] : memref<2x80x80xf32, #tpu.memory_space<vmem>> -> memref<1x80x80xf32, #tpu.memory_space<vmem>>
            %dma_start3A_447 = tpu.memref_squeeze %dma_start3A_446 : memref<1x80x80xf32, #tpu.memory_space<vmem>> -> memref<80x80xf32, #tpu.memory_space<vmem>>
            %dma_start3A_448 = arith.constant 0 : i32
            %dma_start3A_449 = tpu.memref_slice %arg11[%dma_start3A_441, %dma_start3A_448] : memref<2x80xi32, #tpu.memory_space<vmem>> -> memref<1x80xi32, #tpu.memory_space<vmem>>
            %dma_start3A_450 = tpu.memref_squeeze %dma_start3A_449 : memref<1x80xi32, #tpu.memory_space<vmem>> -> memref<80xi32, #tpu.memory_space<vmem>>
            %dma_start3A_451 = arith.constant 0 : i32
            %dma_start3A_452 = arith.constant 0 : i32
            %dma_start3A_453 = tpu.memref_slice %arg5[%dma_start3A_451, %dma_start3A_452] : memref<10000x80xf32, #tpu.memory_space<hbm>> -> memref<10000x80xf32, #tpu.memory_space<hbm>>
            %dma_start3A_454 = tpu.memref_slice %arg19[%dma_start3A_443] : memref<2x!tpu.dma_semaphore, #tpu.memory_space<semaphore_mem>> -> memref<1x!tpu.dma_semaphore, #tpu.memory_space<semaphore_mem>>
            %dma_start3A_455 = tpu.memref_squeeze %dma_start3A_454 : memref<1x!tpu.dma_semaphore, #tpu.memory_space<semaphore_mem>> -> memref<!tpu.dma_semaphore, #tpu.memory_space<semaphore_mem>>
            tpu.enqueue_indirect_dma source(%dma_start3A_453 : memref<10000x80xf32, #tpu.memory_space<hbm>>) target(%dma_start3A_447 : memref<80x80xf32, #tpu.memory_space<vmem>>) offsets(%dma_start3A_450 : memref<80xi32, #tpu.memory_space<vmem>>) semaphore(%dma_start3A_455 : memref<!tpu.dma_semaphore, #tpu.memory_space<semaphore_mem>>)
          } else {
          }
          %eq3A_436 = arith.constant 1 : i32
          %eq3A_437 = arith.cmpi eq, %arg0, %eq3A_436 : i32
          %convert_element_type3A_438 = arith.extui %eq3A_437 : i1 to i32
          %cond3A_439 = arith.constant 0 : i32
          %cond3A_440 = arith.cmpi ne, %convert_element_type3A_438, %cond3A_439 : i32
          scf.if %cond3A_440 {
            %dma_start3A_441 = arith.constant 1 : i32
            %dma_start3A_442 = arith.constant 1 : i32
            %dma_start3A_443 = arith.constant 1 : i32
            %dma_start3A_444 = arith.constant 0 : i32
            %dma_start3A_445 = arith.constant 0 : i32
            %dma_start3A_446 = tpu.memref_slice %arg16[%dma_start3A_442, %dma_start3A_444, %dma_start3A_445] : memref<2x80x80xf32, #tpu.memory_space<vmem>> -> memref<1x80x80xf32, #tpu.memory_space<vmem>>
            %dma_start3A_447 = tpu.memref_squeeze %dma_start3A_446 : memref<1x80x80xf32, #tpu.memory_space<vmem>> -> memref<80x80xf32, #tpu.memory_space<vmem>>
            %dma_start3A_448 = arith.constant 0 : i32
            %dma_start3A_449 = tpu.memref_slice %arg11[%dma_start3A_441, %dma_start3A_448] : memref<2x80xi32, #tpu.memory_space<vmem>> -> memref<1x80xi32, #tpu.memory_space<vmem>>
            %dma_start3A_450 = tpu.memref_squeeze %dma_start3A_449 : memref<1x80xi32, #tpu.memory_space<vmem>> -> memref<80xi32, #tpu.memory_space<vmem>>
            %dma_start3A_451 = arith.constant 0 : i32
            %dma_start3A_452 = arith.constant 0 : i32
            %dma_start3A_453 = tpu.memref_slice %arg6[%dma_start3A_451, %dma_start3A_452] : memref<10000x80xf32, #tpu.memory_space<hbm>> -> memref<10000x80xf32, #tpu.memory_space<hbm>>
            %dma_start3A_454 = tpu.memref_slice %arg19[%dma_start3A_443] : memref<2x!tpu.dma_semaphore, #tpu.memory_space<semaphore_mem>> -> memref<1x!tpu.dma_semaphore, #tpu.memory_space<semaphore_mem>>
            %dma_start3A_455 = tpu.memref_squeeze %dma_start3A_454 : memref<1x!tpu.dma_semaphore, #tpu.memory_space<semaphore_mem>> -> memref<!tpu.dma_semaphore, #tpu.memory_space<semaphore_mem>>
            tpu.enqueue_indirect_dma source(%dma_start3A_453 : memref<10000x80xf32, #tpu.memory_space<hbm>>) target(%dma_start3A_447 : memref<80x80xf32, #tpu.memory_space<vmem>>) offsets(%dma_start3A_450 : memref<80xi32, #tpu.memory_space<vmem>>) semaphore(%dma_start3A_455 : memref<!tpu.dma_semaphore, #tpu.memory_space<semaphore_mem>>)
          } else {
          }
        } else {
        }
        %ge3A = arith.constant 2 : i32
        %ge3A_257 = arith.cmpi sge, %scan3A_214, %ge3A : i32
        %convert_element_type3A_258 = arith.extui %ge3A_257 : i1 to i32
        %cond3A_259 = arith.constant 0 : i32
        %cond3A_260 = arith.cmpi ne, %convert_element_type3A_258, %cond3A_259 : i32
        scf.if %cond3A_260 {
          %dma_wait3A_370 = arith.constant 0 : i32
          %dma_wait3A_371 = arith.constant 0 : i32
          %dma_wait3A_372 = arith.constant 0 : i32
          %dma_wait3A_373 = arith.constant 0 : i32
          %dma_wait3A_374 = arith.constant 0 : i32
          %dma_wait3A_375 = tpu.memref_slice %arg17[%dma_wait3A_370, %dma_wait3A_373, %dma_wait3A_374] : memref<2x80x112xf32, #tpu.memory_space<vmem>> -> memref<1x80x112xf32, #tpu.memory_space<vmem>>
          %dma_wait3A_376 = tpu.memref_squeeze %dma_wait3A_375 : memref<1x80x112xf32, #tpu.memory_space<vmem>> -> memref<80x112xf32, #tpu.memory_space<vmem>>
          %dma_wait3A_377 = arith.constant 0 : i32
          %dma_wait3A_378 = tpu.memref_slice %arg13[%dma_wait3A_371, %dma_wait3A_377] : memref<2x80xi32, #tpu.memory_space<vmem>> -> memref<1x80xi32, #tpu.memory_space<vmem>>
          %dma_wait3A_379 = tpu.memref_squeeze %dma_wait3A_378 : memref<1x80xi32, #tpu.memory_space<vmem>> -> memref<80xi32, #tpu.memory_space<vmem>>
          %dma_wait3A_380 = arith.constant 0 : i32
          %dma_wait3A_381 = arith.constant 0 : i32
          %dma_wait3A_382 = tpu.memref_slice %arg10[%dma_wait3A_380, %dma_wait3A_381] : memref<10000x112xf32, #tpu.memory_space<vmem_shared>> -> memref<10000x112xf32, #tpu.memory_space<vmem_shared>>
          %dma_wait3A_383 = tpu.memref_slice %arg20[%dma_wait3A_372] : memref<2x!tpu.dma_semaphore, #tpu.memory_space<semaphore_mem>> -> memref<1x!tpu.dma_semaphore, #tpu.memory_space<semaphore_mem>>
          %dma_wait3A_384 = tpu.memref_squeeze %dma_wait3A_383 : memref<1x!tpu.dma_semaphore, #tpu.memory_space<semaphore_mem>> -> memref<!tpu.dma_semaphore, #tpu.memory_space<semaphore_mem>>
          tpu.wait_indirect_dma semaphore(%dma_wait3A_384 : memref<!tpu.dma_semaphore, #tpu.memory_space<semaphore_mem>>) src(%dma_wait3A_376 : memref<80x112xf32, #tpu.memory_space<vmem>>) dst(%dma_wait3A_382 : memref<10000x112xf32, #tpu.memory_space<vmem_shared>>)
        } else {
        }
        %dma_wait3A_261 = arith.constant 0 : i32
        %dma_wait3A_262 = arith.constant 0 : i32
        %dma_wait3A_263 = arith.constant 0 : i32
        %dma_wait3A_264 = arith.constant 0 : i32
        %dma_wait3A_265 = arith.constant 0 : i32
        %dma_wait3A_266 = tpu.memref_slice %arg15[%dma_wait3A_262, %dma_wait3A_264, %dma_wait3A_265] : memref<2x80x16xf32, #tpu.memory_space<vmem>> -> memref<1x80x16xf32, #tpu.memory_space<vmem>>
        %dma_wait3A_267 = tpu.memref_squeeze %dma_wait3A_266 : memref<1x80x16xf32, #tpu.memory_space<vmem>> -> memref<80x16xf32, #tpu.memory_space<vmem>>
        %dma_wait3A_268 = arith.constant 0 : i32
        %dma_wait3A_269 = tpu.memref_slice %arg12[%dma_wait3A_261, %dma_wait3A_268] : memref<2x80xi32, #tpu.memory_space<vmem>> -> memref<1x80xi32, #tpu.memory_space<vmem>>
        %dma_wait3A_270 = tpu.memref_squeeze %dma_wait3A_269 : memref<1x80xi32, #tpu.memory_space<vmem>> -> memref<80xi32, #tpu.memory_space<vmem>>
        %dma_wait3A_271 = arith.constant 0 : i32
        %dma_wait3A_272 = arith.constant 0 : i32
        %dma_wait3A_273 = tpu.memref_slice %arg7[%dma_wait3A_271, %dma_wait3A_272] : memref<10000x16xf32, #tpu.memory_space<hbm>> -> memref<10000x16xf32, #tpu.memory_space<hbm>>
        %dma_wait3A_274 = tpu.memref_slice %arg19[%dma_wait3A_263] : memref<2x!tpu.dma_semaphore, #tpu.memory_space<semaphore_mem>> -> memref<1x!tpu.dma_semaphore, #tpu.memory_space<semaphore_mem>>
        %dma_wait3A_275 = tpu.memref_squeeze %dma_wait3A_274 : memref<1x!tpu.dma_semaphore, #tpu.memory_space<semaphore_mem>> -> memref<!tpu.dma_semaphore, #tpu.memory_space<semaphore_mem>>
        tpu.wait_indirect_dma semaphore(%dma_wait3A_275 : memref<!tpu.dma_semaphore, #tpu.memory_space<semaphore_mem>>) src(%dma_wait3A_273 : memref<10000x16xf32, #tpu.memory_space<hbm>>) dst(%dma_wait3A_267 : memref<80x16xf32, #tpu.memory_space<vmem>>)
        %dma_wait3A_276 = arith.constant 0 : i32
        %dma_wait3A_277 = arith.constant 0 : i32
        %dma_wait3A_278 = arith.constant 0 : i32
        %dma_wait3A_279 = arith.constant 0 : i32
        %dma_wait3A_280 = arith.constant 0 : i32
        %dma_wait3A_281 = tpu.memref_slice %arg16[%dma_wait3A_277, %dma_wait3A_279, %dma_wait3A_280] : memref<2x80x80xf32, #tpu.memory_space<vmem>> -> memref<1x80x80xf32, #tpu.memory_space<vmem>>
        %dma_wait3A_282 = tpu.memref_squeeze %dma_wait3A_281 : memref<1x80x80xf32, #tpu.memory_space<vmem>> -> memref<80x80xf32, #tpu.memory_space<vmem>>
        %dma_wait3A_283 = arith.constant 0 : i32
        %dma_wait3A_284 = tpu.memref_slice %arg11[%dma_wait3A_276, %dma_wait3A_283] : memref<2x80xi32, #tpu.memory_space<vmem>> -> memref<1x80xi32, #tpu.memory_space<vmem>>
        %dma_wait3A_285 = tpu.memref_squeeze %dma_wait3A_284 : memref<1x80xi32, #tpu.memory_space<vmem>> -> memref<80xi32, #tpu.memory_space<vmem>>
        %dma_wait3A_286 = arith.constant 0 : i32
        %dma_wait3A_287 = arith.constant 0 : i32
        %dma_wait3A_288 = tpu.memref_slice %arg5[%dma_wait3A_286, %dma_wait3A_287] : memref<10000x80xf32, #tpu.memory_space<hbm>> -> memref<10000x80xf32, #tpu.memory_space<hbm>>
        %dma_wait3A_289 = tpu.memref_slice %arg19[%dma_wait3A_278] : memref<2x!tpu.dma_semaphore, #tpu.memory_space<semaphore_mem>> -> memref<1x!tpu.dma_semaphore, #tpu.memory_space<semaphore_mem>>
        %dma_wait3A_290 = tpu.memref_squeeze %dma_wait3A_289 : memref<1x!tpu.dma_semaphore, #tpu.memory_space<semaphore_mem>> -> memref<!tpu.dma_semaphore, #tpu.memory_space<semaphore_mem>>
        tpu.wait_indirect_dma semaphore(%dma_wait3A_290 : memref<!tpu.dma_semaphore, #tpu.memory_space<semaphore_mem>>) src(%dma_wait3A_288 : memref<10000x80xf32, #tpu.memory_space<hbm>>) dst(%dma_wait3A_282 : memref<80x80xf32, #tpu.memory_space<vmem>>)
        %get3A = arith.constant 0 : i32
        %get3A_291 = arith.index_cast %get3A : i32 to index
        %get3A_292 = arith.constant 0 : index
        %get3A_293 = tpu.vector_load %arg12[%get3A_291, %get3A_292] {strides = array<i32>} : memref<2x80xi32, #tpu.memory_space<vmem>>, vector<1x16xi32>,
        %get3A_294 = vector.shape_cast %get3A_293 : vector<1x16xi32> to vector<16xi32>
        %swap3A = arith.constant 0 : i32
        %swap3A_295 = arith.index_cast %swap3A : i32 to index
        %swap3A_296 = arith.constant 0 : index
        %swap3A_297 = tpu.vector_load %arg13[%swap3A_295, %swap3A_296] {strides = array<i32>} : memref<2x80xi32, #tpu.memory_space<vmem>>, vector<1x16xi32>,
        %swap3A_298 = vector.shape_cast %swap3A_297 : vector<1x16xi32> to vector<16xi32>
        %swap3A_299 = vector.shape_cast %get3A_294 : vector<16xi32> to vector<1x16xi32>
        tpu.vector_store %arg13[%swap3A_295, %swap3A_296], %swap3A_299 {strides = array<i32>} : memref<2x80xi32, #tpu.memory_space<vmem>>, vector<1x16xi32>,
        %get3A_300 = arith.constant 0 : i32
        %get3A_301 = arith.index_cast %get3A_300 : i32 to index
        %get3A_302 = arith.constant 16 : index
        %get3A_303 = tpu.vector_load %arg12[%get3A_301, %get3A_302] {strides = array<i32>} : memref<2x80xi32, #tpu.memory_space<vmem>>, vector<1x16xi32>,
        %get3A_304 = vector.shape_cast %get3A_303 : vector<1x16xi32> to vector<16xi32>
        %swap3A_305 = arith.constant 0 : i32
        %swap3A_306 = arith.index_cast %swap3A_305 : i32 to index
        %swap3A_307 = arith.constant 16 : index
        %swap3A_308 = tpu.vector_load %arg13[%swap3A_306, %swap3A_307] {strides = array<i32>} : memref<2x80xi32, #tpu.memory_space<vmem>>, vector<1x16xi32>,
        %swap3A_309 = vector.shape_cast %swap3A_308 : vector<1x16xi32> to vector<16xi32>
        %swap3A_310 = vector.shape_cast %get3A_304 : vector<16xi32> to vector<1x16xi32>
        tpu.vector_store %arg13[%swap3A_306, %swap3A_307], %swap3A_310 {strides = array<i32>} : memref<2x80xi32, #tpu.memory_space<vmem>>, vector<1x16xi32>,
        %get3A_311 = arith.constant 0 : i32
        %get3A_312 = arith.index_cast %get3A_311 : i32 to index
        %get3A_313 = arith.constant 32 : index
        %get3A_314 = tpu.vector_load %arg12[%get3A_312, %get3A_313] {strides = array<i32>} : memref<2x80xi32, #tpu.memory_space<vmem>>, vector<1x16xi32>,
        %get3A_315 = vector.shape_cast %get3A_314 : vector<1x16xi32> to vector<16xi32>
        %swap3A_316 = arith.constant 0 : i32
        %swap3A_317 = arith.index_cast %swap3A_316 : i32 to index
        %swap3A_318 = arith.constant 32 : index
        %swap3A_319 = tpu.vector_load %arg13[%swap3A_317, %swap3A_318] {strides = array<i32>} : memref<2x80xi32, #tpu.memory_space<vmem>>, vector<1x16xi32>,
        %swap3A_320 = vector.shape_cast %swap3A_319 : vector<1x16xi32> to vector<16xi32>
        %swap3A_321 = vector.shape_cast %get3A_315 : vector<16xi32> to vector<1x16xi32>
        tpu.vector_store %arg13[%swap3A_317, %swap3A_318], %swap3A_321 {strides = array<i32>} : memref<2x80xi32, #tpu.memory_space<vmem>>, vector<1x16xi32>,
        %get3A_322 = arith.constant 0 : i32
        %get3A_323 = arith.index_cast %get3A_322 : i32 to index
        %get3A_324 = arith.constant 48 : index
        %get3A_325 = tpu.vector_load %arg12[%get3A_323, %get3A_324] {strides = array<i32>} : memref<2x80xi32, #tpu.memory_space<vmem>>, vector<1x16xi32>,
        %get3A_326 = vector.shape_cast %get3A_325 : vector<1x16xi32> to vector<16xi32>
        %swap3A_327 = arith.constant 0 : i32
        %swap3A_328 = arith.index_cast %swap3A_327 : i32 to index
        %swap3A_329 = arith.constant 48 : index
        %swap3A_330 = tpu.vector_load %arg13[%swap3A_328, %swap3A_329] {strides = array<i32>} : memref<2x80xi32, #tpu.memory_space<vmem>>, vector<1x16xi32>,
        %swap3A_331 = vector.shape_cast %swap3A_330 : vector<1x16xi32> to vector<16xi32>
        %swap3A_332 = vector.shape_cast %get3A_326 : vector<16xi32> to vector<1x16xi32>
        tpu.vector_store %arg13[%swap3A_328, %swap3A_329], %swap3A_332 {strides = array<i32>} : memref<2x80xi32, #tpu.memory_space<vmem>>, vector<1x16xi32>,
        %get3A_333 = arith.constant 0 : i32
        %get3A_334 = arith.index_cast %get3A_333 : i32 to index
        %get3A_335 = arith.constant 64 : index
        %get3A_336 = tpu.vector_load %arg12[%get3A_334, %get3A_335] {strides = array<i32>} : memref<2x80xi32, #tpu.memory_space<vmem>>, vector<1x16xi32>,
        %get3A_337 = vector.shape_cast %get3A_336 : vector<1x16xi32> to vector<16xi32>
        %swap3A_338 = arith.constant 0 : i32
        %swap3A_339 = arith.index_cast %swap3A_338 : i32 to index
        %swap3A_340 = arith.constant 64 : index
        %swap3A_341 = tpu.vector_load %arg13[%swap3A_339, %swap3A_340] {strides = array<i32>} : memref<2x80xi32, #tpu.memory_space<vmem>>, vector<1x16xi32>,
        %swap3A_342 = vector.shape_cast %swap3A_341 : vector<1x16xi32> to vector<16xi32>
        %swap3A_343 = vector.shape_cast %get3A_337 : vector<16xi32> to vector<1x16xi32>
        tpu.vector_store %arg13[%swap3A_339, %swap3A_340], %swap3A_343 {strides = array<i32>} : memref<2x80xi32, #tpu.memory_space<vmem>>, vector<1x16xi32>,
        %scan3A_344 = arith.constant 0 : i32
        %scan3A_345 = arith.constant 0 : i32
        %scan3A_346 = arith.constant 20 : i32
        %scan3A_347 = arith.addi %scan3A_345, %scan3A_346 : i32
        %scan3A_348 = arith.constant 1 : i32
        scf.for %scan3A_370 = %scan3A_345 to %scan3A_347 step %scan3A_348  : i32 {
          %mul3A_371 = arith.constant 4 : i32
          %mul3A_372 = arith.muli %scan3A_370, %mul3A_371 : i32
          %add3A_373 = arith.constant 0 : i32
          %add3A_374 = arith.addi %mul3A_372, %add3A_373 : i32
          %get3A_375 = arith.constant 0 : i32
          %get3A_376 = arith.index_cast %get3A_375 : i32 to index
          %get3A_377 = arith.index_cast %add3A_374 : i32 to index
          %get3A_378 = arith.constant 64 : index
          %get3A_379 = tpu.vector_load %arg16[%get3A_376, %get3A_377, %get3A_378] {strides = array<i32>} : memref<2x80x80xf32, #tpu.memory_space<vmem>>, vector<1x1x16xf32>,
          %get3A_380 = vector.shape_cast %get3A_379 : vector<1x1x16xf32> to vector<16xf32>
          %get3A_381 = arith.constant 0 : i32
          %get3A_382 = arith.index_cast %get3A_381 : i32 to index
          %get3A_383 = arith.index_cast %add3A_374 : i32 to index
          %get3A_384 = arith.constant 0 : index
          %get3A_385 = tpu.vector_load %arg15[%get3A_382, %get3A_383, %get3A_384] {strides = array<i32>} : memref<2x80x16xf32, #tpu.memory_space<vmem>>, vector<1x1x16xf32>,
          %get3A_386 = vector.shape_cast %get3A_385 : vector<1x1x16xf32> to vector<16xf32>
          %add3A_387 = arith.addf %get3A_380, %get3A_386 : vector<16xf32>
          %get3A_388 = arith.constant 0 : i32
          %get3A_389 = arith.index_cast %get3A_388 : i32 to index
          %get3A_390 = arith.index_cast %add3A_374 : i32 to index
          %get3A_391 = arith.constant 0 : index
          %get3A_392 = tpu.vector_load %arg14[%get3A_389, %get3A_390, %get3A_391] {strides = array<i32>} : memref<2x80x32xf32, #tpu.memory_space<vmem>>, vector<1x1x16xf32>,
          %get3A_393 = vector.shape_cast %get3A_392 : vector<1x1x16xf32> to vector<16xf32>
          %add3A_394 = arith.addf %add3A_387, %get3A_393 : vector<16xf32>
          %mul3A_395 = arith.constant 2.000000e-01 : f32
          %mul3A_396 = vector.broadcast %mul3A_395 : f32 to vector<16xf32>
          %mul3A_397 = arith.mulf %add3A_394, %mul3A_396 : vector<16xf32>
          %max3A = arith.maximumf %add3A_394, %mul3A_397 : vector<16xf32>
          %exp3A = math.exp %max3A : vector<16xf32>
          %jit3A_398 = arith.constant 0.000000e+00 : f32
          %broadcast_in_dim3A = vector.broadcast %jit3A_398 : f32 to vector<16xf32>
          %select_n3A_399 = arith.select %lt3A_1, %exp3A, %broadcast_in_dim3A : vector<16xi1>, vector<16xf32>
          %jit3A_400 = arith.constant 0.000000e+00 : f32
          %broadcast_in_dim3A_401 = vector.broadcast %jit3A_400 : f32 to vector<16xf32>
          %select_n3A_402 = arith.select %and3A, %select_n3A_399, %broadcast_in_dim3A_401 : vector<16xi1>, vector<16xf32>
          %swap3A_403 = arith.constant 0 : i32
          %swap3A_404 = arith.index_cast %swap3A_403 : i32 to index
          %swap3A_405 = arith.index_cast %add3A_374 : i32 to index
          %swap3A_406 = arith.constant 96 : index
          %swap3A_407 = tpu.vector_load %arg17[%swap3A_404, %swap3A_405, %swap3A_406] {strides = array<i32>} : memref<2x80x112xf32, #tpu.memory_space<vmem>>, vector<1x1x16xf32>,
          %swap3A_408 = vector.shape_cast %swap3A_407 : vector<1x1x16xf32> to vector<16xf32>
          %swap3A_409 = vector.shape_cast %select_n3A_402 : vector<16xf32> to vector<1x1x16xf32>
          tpu.vector_store %arg17[%swap3A_404, %swap3A_405, %swap3A_406], %swap3A_409 {strides = array<i32>} : memref<2x80x112xf32, #tpu.memory_space<vmem>>, vector<1x1x16xf32>,
          %get3A_410 = arith.constant 0 : i32
          %get3A_411 = arith.index_cast %get3A_410 : i32 to index
          %get3A_412 = arith.index_cast %add3A_374 : i32 to index
          %get3A_413 = arith.constant 16 : index
          %get3A_414 = tpu.vector_load %arg14[%get3A_411, %get3A_412, %get3A_413] {strides = array<i32>} : memref<2x80x32xf32, #tpu.memory_space<vmem>>, vector<1x1x16xf32>,
          %get3A_415 = vector.shape_cast %get3A_414 : vector<1x1x16xf32> to vector<16xf32>
          %broadcast_in_dim3A_416 = arith.constant 0 : i32
          %broadcast_in_dim3A_417 = vector.broadcast %broadcast_in_dim3A_416 : i32 to vector<16xi32>
          %mul3A_418 = arith.constant 2 : i32
          %mul3A_419 = arith.muli %arg0, %mul3A_418 : i32
          %add3A_420 = vector.broadcast %mul3A_419 : i32 to vector<16xi32>
          %add3A_421 = arith.addi %broadcast_in_dim3A_417, %add3A_420 : vector<16xi32>
          %lt3A_422 = arith.constant 0 : i32
          %lt3A_423 = vector.broadcast %lt3A_422 : i32 to vector<16xi32>
          %lt3A_424 = arith.cmpi slt, %add3A_421, %lt3A_423 : vector<16xi32>
          %add3A_425 = arith.constant 16 : i32
          %add3A_426 = vector.broadcast %add3A_425 : i32 to vector<16xi32>
          %add3A_427 = arith.addi %add3A_421, %add3A_426 : vector<16xi32>
          %select_n3A_428 = arith.select %lt3A_424, %add3A_427, %add3A_421 : vector<16xi1>, vector<16xi32>
          %broadcast_in_dim3A_429 = vector.shape_cast %select_n3A_428 : vector<16xi32> to vector<16x1xi32>
          %gather3A = vector.shape_cast %broadcast_in_dim3A_429 : vector<16x1xi32> to vector<16xi32>
          %gather3A_430 = tpu.dynamic_gather %select_n3A_399[%gather3A] in [0] : vector<16xf32>, vector<16xi32> -> vector<16xf32>
          %mul3A_431 = arith.mulf %get3A_415, %gather3A_430 : vector<16xf32>
          %swap3A_432 = arith.constant 0 : i32
          %swap3A_433 = arith.index_cast %swap3A_432 : i32 to index
          %swap3A_434 = arith.index_cast %add3A_374 : i32 to index
          %swap3A_435 = arith.constant 64 : index
          %swap3A_436 = tpu.vector_load %arg17[%swap3A_433, %swap3A_434, %swap3A_435] {strides = array<i32>} : memref<2x80x112xf32, #tpu.memory_space<vmem>>, vector<1x1x16xf32>,
          %swap3A_437 = vector.shape_cast %swap3A_436 : vector<1x1x16xf32> to vector<16xf32>
          %swap3A_438 = vector.shape_cast %mul3A_431 : vector<16xf32> to vector<1x1x16xf32>
          tpu.vector_store %arg17[%swap3A_433, %swap3A_434, %swap3A_435], %swap3A_438 {strides = array<i32>} : memref<2x80x112xf32, #tpu.memory_space<vmem>>, vector<1x1x16xf32>,
          %get3A_439 = arith.constant 0 : i32
          %get3A_440 = arith.index_cast %get3A_439 : i32 to index
          %get3A_441 = arith.index_cast %add3A_374 : i32 to index
          %get3A_442 = arith.constant 0 : index
          %get3A_443 = tpu.vector_load %arg16[%get3A_440, %get3A_441, %get3A_442] {strides = array<i32>} : memref<2x80x80xf32, #tpu.memory_space<vmem>>, vector<1x1x16xf32>,
          %get3A_444 = vector.shape_cast %get3A_443 : vector<1x1x16xf32> to vector<16xf32>
          %mul3A_445 = arith.mulf %get3A_444, %gather3A_430 : vector<16xf32>
          %swap3A_446 = arith.constant 0 : i32
          %swap3A_447 = arith.index_cast %swap3A_446 : i32 to index
          %swap3A_448 = arith.index_cast %add3A_374 : i32 to index
          %swap3A_449 = arith.constant 0 : index
          %swap3A_450 = tpu.vector_load %arg17[%swap3A_447, %swap3A_448, %swap3A_449] {strides = array<i32>} : memref<2x80x112xf32, #tpu.memory_space<vmem>>, vector<1x1x16xf32>,
          %swap3A_451 = vector.shape_cast %swap3A_450 : vector<1x1x16xf32> to vector<16xf32>
          %swap3A_452 = vector.shape_cast %mul3A_445 : vector<16xf32> to vector<1x1x16xf32>
          tpu.vector_store %arg17[%swap3A_447, %swap3A_448, %swap3A_449], %swap3A_452 {strides = array<i32>} : memref<2x80x112xf32, #tpu.memory_space<vmem>>, vector<1x1x16xf32>,
          %get3A_453 = arith.constant 0 : i32
          %get3A_454 = arith.index_cast %get3A_453 : i32 to index
          %get3A_455 = arith.index_cast %add3A_374 : i32 to index
          %get3A_456 = arith.constant 16 : index
          %get3A_457 = tpu.vector_load %arg16[%get3A_454, %get3A_455, %get3A_456] {strides = array<i32>} : memref<2x80x80xf32, #tpu.memory_space<vmem>>, vector<1x1x16xf32>,
          %get3A_458 = vector.shape_cast %get3A_457 : vector<1x1x16xf32> to vector<16xf32>
          %mul3A_459 = arith.mulf %get3A_458, %gather3A_430 : vector<16xf32>
          %swap3A_460 = arith.constant 0 : i32
          %swap3A_461 = arith.index_cast %swap3A_460 : i32 to index
          %swap3A_462 = arith.index_cast %add3A_374 : i32 to index
          %swap3A_463 = arith.constant 16 : index
          %swap3A_464 = tpu.vector_load %arg17[%swap3A_461, %swap3A_462, %swap3A_463] {strides = array<i32>} : memref<2x80x112xf32, #tpu.memory_space<vmem>>, vector<1x1x16xf32>,
          %swap3A_465 = vector.shape_cast %swap3A_464 : vector<1x1x16xf32> to vector<16xf32>
          %swap3A_466 = vector.shape_cast %mul3A_459 : vector<16xf32> to vector<1x1x16xf32>
          tpu.vector_store %arg17[%swap3A_461, %swap3A_462, %swap3A_463], %swap3A_466 {strides = array<i32>} : memref<2x80x112xf32, #tpu.memory_space<vmem>>, vector<1x1x16xf32>,
          %broadcast_in_dim3A_467 = arith.constant 1 : i32
          %broadcast_in_dim3A_468 = vector.broadcast %broadcast_in_dim3A_467 : i32 to vector<16xi32>
          %mul3A_469 = arith.constant 2 : i32
          %mul3A_470 = arith.muli %arg0, %mul3A_469 : i32
          %add3A_471 = vector.broadcast %mul3A_470 : i32 to vector<16xi32>
          %add3A_472 = arith.addi %broadcast_in_dim3A_468, %add3A_471 : vector<16xi32>
          %lt3A_473 = arith.constant 0 : i32
          %lt3A_474 = vector.broadcast %lt3A_473 : i32 to vector<16xi32>
          %lt3A_475 = arith.cmpi slt, %add3A_472, %lt3A_474 : vector<16xi32>
          %add3A_476 = arith.constant 16 : i32
          %add3A_477 = vector.broadcast %add3A_476 : i32 to vector<16xi32>
          %add3A_478 = arith.addi %add3A_472, %add3A_477 : vector<16xi32>
          %select_n3A_479 = arith.select %lt3A_475, %add3A_478, %add3A_472 : vector<16xi1>, vector<16xi32>
          %broadcast_in_dim3A_480 = vector.shape_cast %select_n3A_479 : vector<16xi32> to vector<16x1xi32>
          %gather3A_481 = vector.shape_cast %broadcast_in_dim3A_480 : vector<16x1xi32> to vector<16xi32>
          %gather3A_482 = tpu.dynamic_gather %select_n3A_399[%gather3A_481] in [0] : vector<16xf32>, vector<16xi32> -> vector<16xf32>
          %mul3A_483 = arith.mulf %get3A_415, %gather3A_482 : vector<16xf32>
          %swap3A_484 = arith.constant 0 : i32
          %swap3A_485 = arith.index_cast %swap3A_484 : i32 to index
          %swap3A_486 = arith.index_cast %add3A_374 : i32 to index
          %swap3A_487 = arith.constant 80 : index
          %swap3A_488 = tpu.vector_load %arg17[%swap3A_485, %swap3A_486, %swap3A_487] {strides = array<i32>} : memref<2x80x112xf32, #tpu.memory_space<vmem>>, vector<1x1x16xf32>,
          %swap3A_489 = vector.shape_cast %swap3A_488 : vector<1x1x16xf32> to vector<16xf32>
          %swap3A_490 = vector.shape_cast %mul3A_483 : vector<16xf32> to vector<1x1x16xf32>
          tpu.vector_store %arg17[%swap3A_485, %swap3A_486, %swap3A_487], %swap3A_490 {strides = array<i32>} : memref<2x80x112xf32, #tpu.memory_space<vmem>>, vector<1x1x16xf32>,
          %get3A_491 = arith.constant 0 : i32
          %get3A_492 = arith.index_cast %get3A_491 : i32 to index
          %get3A_493 = arith.index_cast %add3A_374 : i32 to index
          %get3A_494 = arith.constant 32 : index
          %get3A_495 = tpu.vector_load %arg16[%get3A_492, %get3A_493, %get3A_494] {strides = array<i32>} : memref<2x80x80xf32, #tpu.memory_space<vmem>>, vector<1x1x16xf32>,
          %get3A_496 = vector.shape_cast %get3A_495 : vector<1x1x16xf32> to vector<16xf32>
          %mul3A_497 = arith.mulf %get3A_496, %gather3A_482 : vector<16xf32>
          %swap3A_498 = arith.constant 0 : i32
          %swap3A_499 = arith.index_cast %swap3A_498 : i32 to index
          %swap3A_500 = arith.index_cast %add3A_374 : i32 to index
          %swap3A_501 = arith.constant 32 : index
          %swap3A_502 = tpu.vector_load %arg17[%swap3A_499, %swap3A_500, %swap3A_501] {strides = array<i32>} : memref<2x80x112xf32, #tpu.memory_space<vmem>>, vector<1x1x16xf32>,
          %swap3A_503 = vector.shape_cast %swap3A_502 : vector<1x1x16xf32> to vector<16xf32>
          %swap3A_504 = vector.shape_cast %mul3A_497 : vector<16xf32> to vector<1x1x16xf32>
          tpu.vector_store %arg17[%swap3A_499, %swap3A_500, %swap3A_501], %swap3A_504 {strides = array<i32>} : memref<2x80x112xf32, #tpu.memory_space<vmem>>, vector<1x1x16xf32>,
          %get3A_505 = arith.constant 0 : i32
          %get3A_506 = arith.index_cast %get3A_505 : i32 to index
          %get3A_507 = arith.index_cast %add3A_374 : i32 to index
          %get3A_508 = arith.constant 48 : index
          %get3A_509 = tpu.vector_load %arg16[%get3A_506, %get3A_507, %get3A_508] {strides = array<i32>} : memref<2x80x80xf32, #tpu.memory_space<vmem>>, vector<1x1x16xf32>,
          %get3A_510 = vector.shape_cast %get3A_509 : vector<1x1x16xf32> to vector<16xf32>
          %mul3A_511 = arith.mulf %get3A_510, %gather3A_482 : vector<16xf32>
          %swap3A_512 = arith.constant 0 : i32
          %swap3A_513 = arith.index_cast %swap3A_512 : i32 to index
          %swap3A_514 = arith.index_cast %add3A_374 : i32 to index
          %swap3A_515 = arith.constant 48 : index
          %swap3A_516 = tpu.vector_load %arg17[%swap3A_513, %swap3A_514, %swap3A_515] {strides = array<i32>} : memref<2x80x112xf32, #tpu.memory_space<vmem>>, vector<1x1x16xf32>,
          %swap3A_517 = vector.shape_cast %swap3A_516 : vector<1x1x16xf32> to vector<16xf32>
          %swap3A_518 = vector.shape_cast %mul3A_511 : vector<16xf32> to vector<1x1x16xf32>
          tpu.vector_store %arg17[%swap3A_513, %swap3A_514, %swap3A_515], %swap3A_518 {strides = array<i32>} : memref<2x80x112xf32, #tpu.memory_space<vmem>>, vector<1x1x16xf32>,
          %mul3A_519 = arith.constant 4 : i32
          %mul3A_520 = arith.muli %scan3A_370, %mul3A_519 : i32
          %add3A_521 = arith.constant 1 : i32
          %add3A_522 = arith.addi %mul3A_520, %add3A_521 : i32
          %get3A_523 = arith.constant 0 : i32
          %get3A_524 = arith.index_cast %get3A_523 : i32 to index
          %get3A_525 = arith.index_cast %add3A_522 : i32 to index
          %get3A_526 = arith.constant 64 : index
          %get3A_527 = tpu.vector_load %arg16[%get3A_524, %get3A_525, %get3A_526] {strides = array<i32>} : memref<2x80x80xf32, #tpu.memory_space<vmem>>, vector<1x1x16xf32>,
          %get3A_528 = vector.shape_cast %get3A_527 : vector<1x1x16xf32> to vector<16xf32>
          %get3A_529 = arith.constant 0 : i32
          %get3A_530 = arith.index_cast %get3A_529 : i32 to index
          %get3A_531 = arith.index_cast %add3A_522 : i32 to index
          %get3A_532 = arith.constant 0 : index
          %get3A_533 = tpu.vector_load %arg15[%get3A_530, %get3A_531, %get3A_532] {strides = array<i32>} : memref<2x80x16xf32, #tpu.memory_space<vmem>>, vector<1x1x16xf32>,
          %get3A_534 = vector.shape_cast %get3A_533 : vector<1x1x16xf32> to vector<16xf32>
          %add3A_535 = arith.addf %get3A_528, %get3A_534 : vector<16xf32>
          %get3A_536 = arith.constant 0 : i32
          %get3A_537 = arith.index_cast %get3A_536 : i32 to index
          %get3A_538 = arith.index_cast %add3A_522 : i32 to index
          %get3A_539 = arith.constant 0 : index
          %get3A_540 = tpu.vector_load %arg14[%get3A_537, %get3A_538, %get3A_539] {strides = array<i32>} : memref<2x80x32xf32, #tpu.memory_space<vmem>>, vector<1x1x16xf32>,
          %get3A_541 = vector.shape_cast %get3A_540 : vector<1x1x16xf32> to vector<16xf32>
          %add3A_542 = arith.addf %add3A_535, %get3A_541 : vector<16xf32>
          %mul3A_543 = arith.constant 2.000000e-01 : f32
          %mul3A_544 = vector.broadcast %mul3A_543 : f32 to vector<16xf32>
          %mul3A_545 = arith.mulf %add3A_542, %mul3A_544 : vector<16xf32>
          %max3A_546 = arith.maximumf %add3A_542, %mul3A_545 : vector<16xf32>
          %exp3A_547 = math.exp %max3A_546 : vector<16xf32>
          %jit3A_548 = arith.constant 0.000000e+00 : f32
          %broadcast_in_dim3A_549 = vector.broadcast %jit3A_548 : f32 to vector<16xf32>
          %select_n3A_550 = arith.select %lt3A_1, %exp3A_547, %broadcast_in_dim3A_549 : vector<16xi1>, vector<16xf32>
          %jit3A_551 = arith.constant 0.000000e+00 : f32
          %broadcast_in_dim3A_552 = vector.broadcast %jit3A_551 : f32 to vector<16xf32>
          %select_n3A_553 = arith.select %and3A, %select_n3A_550, %broadcast_in_dim3A_552 : vector<16xi1>, vector<16xf32>
          %swap3A_554 = arith.constant 0 : i32
          %swap3A_555 = arith.index_cast %swap3A_554 : i32 to index
          %swap3A_556 = arith.index_cast %add3A_522 : i32 to index
          %swap3A_557 = arith.constant 96 : index
          %swap3A_558 = tpu.vector_load %arg17[%swap3A_555, %swap3A_556, %swap3A_557] {strides = array<i32>} : memref<2x80x112xf32, #tpu.memory_space<vmem>>, vector<1x1x16xf32>,
          %swap3A_559 = vector.shape_cast %swap3A_558 : vector<1x1x16xf32> to vector<16xf32>
          %swap3A_560 = vector.shape_cast %select_n3A_553 : vector<16xf32> to vector<1x1x16xf32>
          tpu.vector_store %arg17[%swap3A_555, %swap3A_556, %swap3A_557], %swap3A_560 {strides = array<i32>} : memref<2x80x112xf32, #tpu.memory_space<vmem>>, vector<1x1x16xf32>,
          %get3A_561 = arith.constant 0 : i32
          %get3A_562 = arith.index_cast %get3A_561 : i32 to index
          %get3A_563 = arith.index_cast %add3A_522 : i32 to index
          %get3A_564 = arith.constant 16 : index
          %get3A_565 = tpu.vector_load %arg14[%get3A_562, %get3A_563, %get3A_564] {strides = array<i32>} : memref<2x80x32xf32, #tpu.memory_space<vmem>>, vector<1x1x16xf32>,
          %get3A_566 = vector.shape_cast %get3A_565 : vector<1x1x16xf32> to vector<16xf32>
          %broadcast_in_dim3A_567 = arith.constant 0 : i32
          %broadcast_in_dim3A_568 = vector.broadcast %broadcast_in_dim3A_567 : i32 to vector<16xi32>
          %mul3A_569 = arith.constant 2 : i32
          %mul3A_570 = arith.muli %arg0, %mul3A_569 : i32
          %add3A_571 = vector.broadcast %mul3A_570 : i32 to vector<16xi32>
          %add3A_572 = arith.addi %broadcast_in_dim3A_568, %add3A_571 : vector<16xi32>
          %lt3A_573 = arith.constant 0 : i32
          %lt3A_574 = vector.broadcast %lt3A_573 : i32 to vector<16xi32>
          %lt3A_575 = arith.cmpi slt, %add3A_572, %lt3A_574 : vector<16xi32>
          %add3A_576 = arith.constant 16 : i32
          %add3A_577 = vector.broadcast %add3A_576 : i32 to vector<16xi32>
          %add3A_578 = arith.addi %add3A_572, %add3A_577 : vector<16xi32>
          %select_n3A_579 = arith.select %lt3A_575, %add3A_578, %add3A_572 : vector<16xi1>, vector<16xi32>
          %broadcast_in_dim3A_580 = vector.shape_cast %select_n3A_579 : vector<16xi32> to vector<16x1xi32>
          %gather3A_581 = vector.shape_cast %broadcast_in_dim3A_580 : vector<16x1xi32> to vector<16xi32>
          %gather3A_582 = tpu.dynamic_gather %select_n3A_550[%gather3A_581] in [0] : vector<16xf32>, vector<16xi32> -> vector<16xf32>
          %mul3A_583 = arith.mulf %get3A_566, %gather3A_582 : vector<16xf32>
          %swap3A_584 = arith.constant 0 : i32
          %swap3A_585 = arith.index_cast %swap3A_584 : i32 to index
          %swap3A_586 = arith.index_cast %add3A_522 : i32 to index
          %swap3A_587 = arith.constant 64 : index
          %swap3A_588 = tpu.vector_load %arg17[%swap3A_585, %swap3A_586, %swap3A_587] {strides = array<i32>} : memref<2x80x112xf32, #tpu.memory_space<vmem>>, vector<1x1x16xf32>,
          %swap3A_589 = vector.shape_cast %swap3A_588 : vector<1x1x16xf32> to vector<16xf32>
          %swap3A_590 = vector.shape_cast %mul3A_583 : vector<16xf32> to vector<1x1x16xf32>
          tpu.vector_store %arg17[%swap3A_585, %swap3A_586, %swap3A_587], %swap3A_590 {strides = array<i32>} : memref<2x80x112xf32, #tpu.memory_space<vmem>>, vector<1x1x16xf32>,
          %get3A_591 = arith.constant 0 : i32
          %get3A_592 = arith.index_cast %get3A_591 : i32 to index
          %get3A_593 = arith.index_cast %add3A_522 : i32 to index
          %get3A_594 = arith.constant 0 : index
          %get3A_595 = tpu.vector_load %arg16[%get3A_592, %get3A_593, %get3A_594] {strides = array<i32>} : memref<2x80x80xf32, #tpu.memory_space<vmem>>, vector<1x1x16xf32>,
          %get3A_596 = vector.shape_cast %get3A_595 : vector<1x1x16xf32> to vector<16xf32>
          %mul3A_597 = arith.mulf %get3A_596, %gather3A_582 : vector<16xf32>
          %swap3A_598 = arith.constant 0 : i32
          %swap3A_599 = arith.index_cast %swap3A_598 : i32 to index
          %swap3A_600 = arith.index_cast %add3A_522 : i32 to index
          %swap3A_601 = arith.constant 0 : index
          %swap3A_602 = tpu.vector_load %arg17[%swap3A_599, %swap3A_600, %swap3A_601] {strides = array<i32>} : memref<2x80x112xf32, #tpu.memory_space<vmem>>, vector<1x1x16xf32>,
          %swap3A_603 = vector.shape_cast %swap3A_602 : vector<1x1x16xf32> to vector<16xf32>
          %swap3A_604 = vector.shape_cast %mul3A_597 : vector<16xf32> to vector<1x1x16xf32>
          tpu.vector_store %arg17[%swap3A_599, %swap3A_600, %swap3A_601], %swap3A_604 {strides = array<i32>} : memref<2x80x112xf32, #tpu.memory_space<vmem>>, vector<1x1x16xf32>,
          %get3A_605 = arith.constant 0 : i32
          %get3A_606 = arith.index_cast %get3A_605 : i32 to index
          %get3A_607 = arith.index_cast %add3A_522 : i32 to index
          %get3A_608 = arith.constant 16 : index
          %get3A_609 = tpu.vector_load %arg16[%get3A_606, %get3A_607, %get3A_608] {strides = array<i32>} : memref<2x80x80xf32, #tpu.memory_space<vmem>>, vector<1x1x16xf32>,
          %get3A_610 = vector.shape_cast %get3A_609 : vector<1x1x16xf32> to vector<16xf32>
          %mul3A_611 = arith.mulf %get3A_610, %gather3A_582 : vector<16xf32>
          %swap3A_612 = arith.constant 0 : i32
          %swap3A_613 = arith.index_cast %swap3A_612 : i32 to index
          %swap3A_614 = arith.index_cast %add3A_522 : i32 to index
          %swap3A_615 = arith.constant 16 : index
          %swap3A_616 = tpu.vector_load %arg17[%swap3A_613, %swap3A_614, %swap3A_615] {strides = array<i32>} : memref<2x80x112xf32, #tpu.memory_space<vmem>>, vector<1x1x16xf32>,
          %swap3A_617 = vector.shape_cast %swap3A_616 : vector<1x1x16xf32> to vector<16xf32>
          %swap3A_618 = vector.shape_cast %mul3A_611 : vector<16xf32> to vector<1x1x16xf32>
          tpu.vector_store %arg17[%swap3A_613, %swap3A_614, %swap3A_615], %swap3A_618 {strides = array<i32>} : memref<2x80x112xf32, #tpu.memory_space<vmem>>, vector<1x1x16xf32>,
          %broadcast_in_dim3A_619 = arith.constant 1 : i32
          %broadcast_in_dim3A_620 = vector.broadcast %broadcast_in_dim3A_619 : i32 to vector<16xi32>
          %mul3A_621 = arith.constant 2 : i32
          %mul3A_622 = arith.muli %arg0, %mul3A_621 : i32
          %add3A_623 = vector.broadcast %mul3A_622 : i32 to vector<16xi32>
          %add3A_624 = arith.addi %broadcast_in_dim3A_620, %add3A_623 : vector<16xi32>
          %lt3A_625 = arith.constant 0 : i32
          %lt3A_626 = vector.broadcast %lt3A_625 : i32 to vector<16xi32>
          %lt3A_627 = arith.cmpi slt, %add3A_624, %lt3A_626 : vector<16xi32>
          %add3A_628 = arith.constant 16 : i32
          %add3A_629 = vector.broadcast %add3A_628 : i32 to vector<16xi32>
          %add3A_630 = arith.addi %add3A_624, %add3A_629 : vector<16xi32>
          %select_n3A_631 = arith.select %lt3A_627, %add3A_630, %add3A_624 : vector<16xi1>, vector<16xi32>
          %broadcast_in_dim3A_632 = vector.shape_cast %select_n3A_631 : vector<16xi32> to vector<16x1xi32>
          %gather3A_633 = vector.shape_cast %broadcast_in_dim3A_632 : vector<16x1xi32> to vector<16xi32>
          %gather3A_634 = tpu.dynamic_gather %select_n3A_550[%gather3A_633] in [0] : vector<16xf32>, vector<16xi32> -> vector<16xf32>
          %mul3A_635 = arith.mulf %get3A_566, %gather3A_634 : vector<16xf32>
          %swap3A_636 = arith.constant 0 : i32
          %swap3A_637 = arith.index_cast %swap3A_636 : i32 to index
          %swap3A_638 = arith.index_cast %add3A_522 : i32 to index
          %swap3A_639 = arith.constant 80 : index
          %swap3A_640 = tpu.vector_load %arg17[%swap3A_637, %swap3A_638, %swap3A_639] {strides = array<i32>} : memref<2x80x112xf32, #tpu.memory_space<vmem>>, vector<1x1x16xf32>,
          %swap3A_641 = vector.shape_cast %swap3A_640 : vector<1x1x16xf32> to vector<16xf32>
          %swap3A_642 = vector.shape_cast %mul3A_635 : vector<16xf32> to vector<1x1x16xf32>
          tpu.vector_store %arg17[%swap3A_637, %swap3A_638, %swap3A_639], %swap3A_642 {strides = array<i32>} : memref<2x80x112xf32, #tpu.memory_space<vmem>>, vector<1x1x16xf32>,
          %get3A_643 = arith.constant 0 : i32
          %get3A_644 = arith.index_cast %get3A_643 : i32 to index
          %get3A_645 = arith.index_cast %add3A_522 : i32 to index
          %get3A_646 = arith.constant 32 : index
          %get3A_647 = tpu.vector_load %arg16[%get3A_644, %get3A_645, %get3A_646] {strides = array<i32>} : memref<2x80x80xf32, #tpu.memory_space<vmem>>, vector<1x1x16xf32>,
          %get3A_648 = vector.shape_cast %get3A_647 : vector<1x1x16xf32> to vector<16xf32>
          %mul3A_649 = arith.mulf %get3A_648, %gather3A_634 : vector<16xf32>
          %swap3A_650 = arith.constant 0 : i32
          %swap3A_651 = arith.index_cast %swap3A_650 : i32 to index
          %swap3A_652 = arith.index_cast %add3A_522 : i32 to index
          %swap3A_653 = arith.constant 32 : index
          %swap3A_654 = tpu.vector_load %arg17[%swap3A_651, %swap3A_652, %swap3A_653] {strides = array<i32>} : memref<2x80x112xf32, #tpu.memory_space<vmem>>, vector<1x1x16xf32>,
          %swap3A_655 = vector.shape_cast %swap3A_654 : vector<1x1x16xf32> to vector<16xf32>
          %swap3A_656 = vector.shape_cast %mul3A_649 : vector<16xf32> to vector<1x1x16xf32>
          tpu.vector_store %arg17[%swap3A_651, %swap3A_652, %swap3A_653], %swap3A_656 {strides = array<i32>} : memref<2x80x112xf32, #tpu.memory_space<vmem>>, vector<1x1x16xf32>,
          %get3A_657 = arith.constant 0 : i32
          %get3A_658 = arith.index_cast %get3A_657 : i32 to index
          %get3A_659 = arith.index_cast %add3A_522 : i32 to index
          %get3A_660 = arith.constant 48 : index
          %get3A_661 = tpu.vector_load %arg16[%get3A_658, %get3A_659, %get3A_660] {strides = array<i32>} : memref<2x80x80xf32, #tpu.memory_space<vmem>>, vector<1x1x16xf32>,
          %get3A_662 = vector.shape_cast %get3A_661 : vector<1x1x16xf32> to vector<16xf32>
          %mul3A_663 = arith.mulf %get3A_662, %gather3A_634 : vector<16xf32>
          %swap3A_664 = arith.constant 0 : i32
          %swap3A_665 = arith.index_cast %swap3A_664 : i32 to index
          %swap3A_666 = arith.index_cast %add3A_522 : i32 to index
          %swap3A_667 = arith.constant 48 : index
          %swap3A_668 = tpu.vector_load %arg17[%swap3A_665, %swap3A_666, %swap3A_667] {strides = array<i32>} : memref<2x80x112xf32, #tpu.memory_space<vmem>>, vector<1x1x16xf32>,
          %swap3A_669 = vector.shape_cast %swap3A_668 : vector<1x1x16xf32> to vector<16xf32>
          %swap3A_670 = vector.shape_cast %mul3A_663 : vector<16xf32> to vector<1x1x16xf32>
          tpu.vector_store %arg17[%swap3A_665, %swap3A_666, %swap3A_667], %swap3A_670 {strides = array<i32>} : memref<2x80x112xf32, #tpu.memory_space<vmem>>, vector<1x1x16xf32>,
          %mul3A_671 = arith.constant 4 : i32
          %mul3A_672 = arith.muli %scan3A_370, %mul3A_671 : i32
          %add3A_673 = arith.constant 2 : i32
          %add3A_674 = arith.addi %mul3A_672, %add3A_673 : i32
          %get3A_675 = arith.constant 0 : i32
          %get3A_676 = arith.index_cast %get3A_675 : i32 to index
          %get3A_677 = arith.index_cast %add3A_674 : i32 to index
          %get3A_678 = arith.constant 64 : index
          %get3A_679 = tpu.vector_load %arg16[%get3A_676, %get3A_677, %get3A_678] {strides = array<i32>} : memref<2x80x80xf32, #tpu.memory_space<vmem>>, vector<1x1x16xf32>,
          %get3A_680 = vector.shape_cast %get3A_679 : vector<1x1x16xf32> to vector<16xf32>
          %get3A_681 = arith.constant 0 : i32
          %get3A_682 = arith.index_cast %get3A_681 : i32 to index
          %get3A_683 = arith.index_cast %add3A_674 : i32 to index
          %get3A_684 = arith.constant 0 : index
          %get3A_685 = tpu.vector_load %arg15[%get3A_682, %get3A_683, %get3A_684] {strides = array<i32>} : memref<2x80x16xf32, #tpu.memory_space<vmem>>, vector<1x1x16xf32>,
          %get3A_686 = vector.shape_cast %get3A_685 : vector<1x1x16xf32> to vector<16xf32>
          %add3A_687 = arith.addf %get3A_680, %get3A_686 : vector<16xf32>
          %get3A_688 = arith.constant 0 : i32
          %get3A_689 = arith.index_cast %get3A_688 : i32 to index
          %get3A_690 = arith.index_cast %add3A_674 : i32 to index
          %get3A_691 = arith.constant 0 : index
          %get3A_692 = tpu.vector_load %arg14[%get3A_689, %get3A_690, %get3A_691] {strides = array<i32>} : memref<2x80x32xf32, #tpu.memory_space<vmem>>, vector<1x1x16xf32>,
          %get3A_693 = vector.shape_cast %get3A_692 : vector<1x1x16xf32> to vector<16xf32>
          %add3A_694 = arith.addf %add3A_687, %get3A_693 : vector<16xf32>
          %mul3A_695 = arith.constant 2.000000e-01 : f32
          %mul3A_696 = vector.broadcast %mul3A_695 : f32 to vector<16xf32>
          %mul3A_697 = arith.mulf %add3A_694, %mul3A_696 : vector<16xf32>
          %max3A_698 = arith.maximumf %add3A_694, %mul3A_697 : vector<16xf32>
          %exp3A_699 = math.exp %max3A_698 : vector<16xf32>
          %jit3A_700 = arith.constant 0.000000e+00 : f32
          %broadcast_in_dim3A_701 = vector.broadcast %jit3A_700 : f32 to vector<16xf32>
          %select_n3A_702 = arith.select %lt3A_1, %exp3A_699, %broadcast_in_dim3A_701 : vector<16xi1>, vector<16xf32>
          %jit3A_703 = arith.constant 0.000000e+00 : f32
          %broadcast_in_dim3A_704 = vector.broadcast %jit3A_703 : f32 to vector<16xf32>
          %select_n3A_705 = arith.select %and3A, %select_n3A_702, %broadcast_in_dim3A_704 : vector<16xi1>, vector<16xf32>
          %swap3A_706 = arith.constant 0 : i32
          %swap3A_707 = arith.index_cast %swap3A_706 : i32 to index
          %swap3A_708 = arith.index_cast %add3A_674 : i32 to index
          %swap3A_709 = arith.constant 96 : index
          %swap3A_710 = tpu.vector_load %arg17[%swap3A_707, %swap3A_708, %swap3A_709] {strides = array<i32>} : memref<2x80x112xf32, #tpu.memory_space<vmem>>, vector<1x1x16xf32>,
          %swap3A_711 = vector.shape_cast %swap3A_710 : vector<1x1x16xf32> to vector<16xf32>
          %swap3A_712 = vector.shape_cast %select_n3A_705 : vector<16xf32> to vector<1x1x16xf32>
          tpu.vector_store %arg17[%swap3A_707, %swap3A_708, %swap3A_709], %swap3A_712 {strides = array<i32>} : memref<2x80x112xf32, #tpu.memory_space<vmem>>, vector<1x1x16xf32>,
          %get3A_713 = arith.constant 0 : i32
          %get3A_714 = arith.index_cast %get3A_713 : i32 to index
          %get3A_715 = arith.index_cast %add3A_674 : i32 to index
          %get3A_716 = arith.constant 16 : index
          %get3A_717 = tpu.vector_load %arg14[%get3A_714, %get3A_715, %get3A_716] {strides = array<i32>} : memref<2x80x32xf32, #tpu.memory_space<vmem>>, vector<1x1x16xf32>,
          %get3A_718 = vector.shape_cast %get3A_717 : vector<1x1x16xf32> to vector<16xf32>
          %broadcast_in_dim3A_719 = arith.constant 0 : i32
          %broadcast_in_dim3A_720 = vector.broadcast %broadcast_in_dim3A_719 : i32 to vector<16xi32>
          %mul3A_721 = arith.constant 2 : i32
          %mul3A_722 = arith.muli %arg0, %mul3A_721 : i32
          %add3A_723 = vector.broadcast %mul3A_722 : i32 to vector<16xi32>
          %add3A_724 = arith.addi %broadcast_in_dim3A_720, %add3A_723 : vector<16xi32>
          %lt3A_725 = arith.constant 0 : i32
          %lt3A_726 = vector.broadcast %lt3A_725 : i32 to vector<16xi32>
          %lt3A_727 = arith.cmpi slt, %add3A_724, %lt3A_726 : vector<16xi32>
          %add3A_728 = arith.constant 16 : i32
          %add3A_729 = vector.broadcast %add3A_728 : i32 to vector<16xi32>
          %add3A_730 = arith.addi %add3A_724, %add3A_729 : vector<16xi32>
          %select_n3A_731 = arith.select %lt3A_727, %add3A_730, %add3A_724 : vector<16xi1>, vector<16xi32>
          %broadcast_in_dim3A_732 = vector.shape_cast %select_n3A_731 : vector<16xi32> to vector<16x1xi32>
          %gather3A_733 = vector.shape_cast %broadcast_in_dim3A_732 : vector<16x1xi32> to vector<16xi32>
          %gather3A_734 = tpu.dynamic_gather %select_n3A_702[%gather3A_733] in [0] : vector<16xf32>, vector<16xi32> -> vector<16xf32>
          %mul3A_735 = arith.mulf %get3A_718, %gather3A_734 : vector<16xf32>
          %swap3A_736 = arith.constant 0 : i32
          %swap3A_737 = arith.index_cast %swap3A_736 : i32 to index
          %swap3A_738 = arith.index_cast %add3A_674 : i32 to index
          %swap3A_739 = arith.constant 64 : index
          %swap3A_740 = tpu.vector_load %arg17[%swap3A_737, %swap3A_738, %swap3A_739] {strides = array<i32>} : memref<2x80x112xf32, #tpu.memory_space<vmem>>, vector<1x1x16xf32>,
          %swap3A_741 = vector.shape_cast %swap3A_740 : vector<1x1x16xf32> to vector<16xf32>
          %swap3A_742 = vector.shape_cast %mul3A_735 : vector<16xf32> to vector<1x1x16xf32>
          tpu.vector_store %arg17[%swap3A_737, %swap3A_738, %swap3A_739], %swap3A_742 {strides = array<i32>} : memref<2x80x112xf32, #tpu.memory_space<vmem>>, vector<1x1x16xf32>,
          %get3A_743 = arith.constant 0 : i32
          %get3A_744 = arith.index_cast %get3A_743 : i32 to index
          %get3A_745 = arith.index_cast %add3A_674 : i32 to index
          %get3A_746 = arith.constant 0 : index
          %get3A_747 = tpu.vector_load %arg16[%get3A_744, %get3A_745, %get3A_746] {strides = array<i32>} : memref<2x80x80xf32, #tpu.memory_space<vmem>>, vector<1x1x16xf32>,
          %get3A_748 = vector.shape_cast %get3A_747 : vector<1x1x16xf32> to vector<16xf32>
          %mul3A_749 = arith.mulf %get3A_748, %gather3A_734 : vector<16xf32>
          %swap3A_750 = arith.constant 0 : i32
          %swap3A_751 = arith.index_cast %swap3A_750 : i32 to index
          %swap3A_752 = arith.index_cast %add3A_674 : i32 to index
          %swap3A_753 = arith.constant 0 : index
          %swap3A_754 = tpu.vector_load %arg17[%swap3A_751, %swap3A_752, %swap3A_753] {strides = array<i32>} : memref<2x80x112xf32, #tpu.memory_space<vmem>>, vector<1x1x16xf32>,
          %swap3A_755 = vector.shape_cast %swap3A_754 : vector<1x1x16xf32> to vector<16xf32>
          %swap3A_756 = vector.shape_cast %mul3A_749 : vector<16xf32> to vector<1x1x16xf32>
          tpu.vector_store %arg17[%swap3A_751, %swap3A_752, %swap3A_753], %swap3A_756 {strides = array<i32>} : memref<2x80x112xf32, #tpu.memory_space<vmem>>, vector<1x1x16xf32>,
          %get3A_757 = arith.constant 0 : i32
          %get3A_758 = arith.index_cast %get3A_757 : i32 to index
          %get3A_759 = arith.index_cast %add3A_674 : i32 to index
          %get3A_760 = arith.constant 16 : index
          %get3A_761 = tpu.vector_load %arg16[%get3A_758, %get3A_759, %get3A_760] {strides = array<i32>} : memref<2x80x80xf32, #tpu.memory_space<vmem>>, vector<1x1x16xf32>,
          %get3A_762 = vector.shape_cast %get3A_761 : vector<1x1x16xf32> to vector<16xf32>
          %mul3A_763 = arith.mulf %get3A_762, %gather3A_734 : vector<16xf32>
          %swap3A_764 = arith.constant 0 : i32
          %swap3A_765 = arith.index_cast %swap3A_764 : i32 to index
          %swap3A_766 = arith.index_cast %add3A_674 : i32 to index
          %swap3A_767 = arith.constant 16 : index
          %swap3A_768 = tpu.vector_load %arg17[%swap3A_765, %swap3A_766, %swap3A_767] {strides = array<i32>} : memref<2x80x112xf32, #tpu.memory_space<vmem>>, vector<1x1x16xf32>,
          %swap3A_769 = vector.shape_cast %swap3A_768 : vector<1x1x16xf32> to vector<16xf32>
          %swap3A_770 = vector.shape_cast %mul3A_763 : vector<16xf32> to vector<1x1x16xf32>
          tpu.vector_store %arg17[%swap3A_765, %swap3A_766, %swap3A_767], %swap3A_770 {strides = array<i32>} : memref<2x80x112xf32, #tpu.memory_space<vmem>>, vector<1x1x16xf32>,
          %broadcast_in_dim3A_771 = arith.constant 1 : i32
          %broadcast_in_dim3A_772 = vector.broadcast %broadcast_in_dim3A_771 : i32 to vector<16xi32>
          %mul3A_773 = arith.constant 2 : i32
          %mul3A_774 = arith.muli %arg0, %mul3A_773 : i32
          %add3A_775 = vector.broadcast %mul3A_774 : i32 to vector<16xi32>
          %add3A_776 = arith.addi %broadcast_in_dim3A_772, %add3A_775 : vector<16xi32>
          %lt3A_777 = arith.constant 0 : i32
          %lt3A_778 = vector.broadcast %lt3A_777 : i32 to vector<16xi32>
          %lt3A_779 = arith.cmpi slt, %add3A_776, %lt3A_778 : vector<16xi32>
          %add3A_780 = arith.constant 16 : i32
          %add3A_781 = vector.broadcast %add3A_780 : i32 to vector<16xi32>
          %add3A_782 = arith.addi %add3A_776, %add3A_781 : vector<16xi32>
          %select_n3A_783 = arith.select %lt3A_779, %add3A_782, %add3A_776 : vector<16xi1>, vector<16xi32>
          %broadcast_in_dim3A_784 = vector.shape_cast %select_n3A_783 : vector<16xi32> to vector<16x1xi32>
          %gather3A_785 = vector.shape_cast %broadcast_in_dim3A_784 : vector<16x1xi32> to vector<16xi32>
          %gather3A_786 = tpu.dynamic_gather %select_n3A_702[%gather3A_785] in [0] : vector<16xf32>, vector<16xi32> -> vector<16xf32>
          %mul3A_787 = arith.mulf %get3A_718, %gather3A_786 : vector<16xf32>
          %swap3A_788 = arith.constant 0 : i32
          %swap3A_789 = arith.index_cast %swap3A_788 : i32 to index
          %swap3A_790 = arith.index_cast %add3A_674 : i32 to index
          %swap3A_791 = arith.constant 80 : index
          %swap3A_792 = tpu.vector_load %arg17[%swap3A_789, %swap3A_790, %swap3A_791] {strides = array<i32>} : memref<2x80x112xf32, #tpu.memory_space<vmem>>, vector<1x1x16xf32>,
          %swap3A_793 = vector.shape_cast %swap3A_792 : vector<1x1x16xf32> to vector<16xf32>
          %swap3A_794 = vector.shape_cast %mul3A_787 : vector<16xf32> to vector<1x1x16xf32>
          tpu.vector_store %arg17[%swap3A_789, %swap3A_790, %swap3A_791], %swap3A_794 {strides = array<i32>} : memref<2x80x112xf32, #tpu.memory_space<vmem>>, vector<1x1x16xf32>,
          %get3A_795 = arith.constant 0 : i32
          %get3A_796 = arith.index_cast %get3A_795 : i32 to index
          %get3A_797 = arith.index_cast %add3A_674 : i32 to index
          %get3A_798 = arith.constant 32 : index
          %get3A_799 = tpu.vector_load %arg16[%get3A_796, %get3A_797, %get3A_798] {strides = array<i32>} : memref<2x80x80xf32, #tpu.memory_space<vmem>>, vector<1x1x16xf32>,
          %get3A_800 = vector.shape_cast %get3A_799 : vector<1x1x16xf32> to vector<16xf32>
          %mul3A_801 = arith.mulf %get3A_800, %gather3A_786 : vector<16xf32>
          %swap3A_802 = arith.constant 0 : i32
          %swap3A_803 = arith.index_cast %swap3A_802 : i32 to index
          %swap3A_804 = arith.index_cast %add3A_674 : i32 to index
          %swap3A_805 = arith.constant 32 : index
          %swap3A_806 = tpu.vector_load %arg17[%swap3A_803, %swap3A_804, %swap3A_805] {strides = array<i32>} : memref<2x80x112xf32, #tpu.memory_space<vmem>>, vector<1x1x16xf32>,
          %swap3A_807 = vector.shape_cast %swap3A_806 : vector<1x1x16xf32> to vector<16xf32>
          %swap3A_808 = vector.shape_cast %mul3A_801 : vector<16xf32> to vector<1x1x16xf32>
          tpu.vector_store %arg17[%swap3A_803, %swap3A_804, %swap3A_805], %swap3A_808 {strides = array<i32>} : memref<2x80x112xf32, #tpu.memory_space<vmem>>, vector<1x1x16xf32>,
          %get3A_809 = arith.constant 0 : i32
          %get3A_810 = arith.index_cast %get3A_809 : i32 to index
          %get3A_811 = arith.index_cast %add3A_674 : i32 to index
          %get3A_812 = arith.constant 48 : index
          %get3A_813 = tpu.vector_load %arg16[%get3A_810, %get3A_811, %get3A_812] {strides = array<i32>} : memref<2x80x80xf32, #tpu.memory_space<vmem>>, vector<1x1x16xf32>,
          %get3A_814 = vector.shape_cast %get3A_813 : vector<1x1x16xf32> to vector<16xf32>
          %mul3A_815 = arith.mulf %get3A_814, %gather3A_786 : vector<16xf32>
          %swap3A_816 = arith.constant 0 : i32
          %swap3A_817 = arith.index_cast %swap3A_816 : i32 to index
          %swap3A_818 = arith.index_cast %add3A_674 : i32 to index
          %swap3A_819 = arith.constant 48 : index
          %swap3A_820 = tpu.vector_load %arg17[%swap3A_817, %swap3A_818, %swap3A_819] {strides = array<i32>} : memref<2x80x112xf32, #tpu.memory_space<vmem>>, vector<1x1x16xf32>,
          %swap3A_821 = vector.shape_cast %swap3A_820 : vector<1x1x16xf32> to vector<16xf32>
          %swap3A_822 = vector.shape_cast %mul3A_815 : vector<16xf32> to vector<1x1x16xf32>
          tpu.vector_store %arg17[%swap3A_817, %swap3A_818, %swap3A_819], %swap3A_822 {strides = array<i32>} : memref<2x80x112xf32, #tpu.memory_space<vmem>>, vector<1x1x16xf32>,
          %mul3A_823 = arith.constant 4 : i32
          %mul3A_824 = arith.muli %scan3A_370, %mul3A_823 : i32
          %add3A_825 = arith.constant 3 : i32
          %add3A_826 = arith.addi %mul3A_824, %add3A_825 : i32
          %get3A_827 = arith.constant 0 : i32
          %get3A_828 = arith.index_cast %get3A_827 : i32 to index
          %get3A_829 = arith.index_cast %add3A_826 : i32 to index
          %get3A_830 = arith.constant 64 : index
          %get3A_831 = tpu.vector_load %arg16[%get3A_828, %get3A_829, %get3A_830] {strides = array<i32>} : memref<2x80x80xf32, #tpu.memory_space<vmem>>, vector<1x1x16xf32>,
          %get3A_832 = vector.shape_cast %get3A_831 : vector<1x1x16xf32> to vector<16xf32>
          %get3A_833 = arith.constant 0 : i32
          %get3A_834 = arith.index_cast %get3A_833 : i32 to index
          %get3A_835 = arith.index_cast %add3A_826 : i32 to index
          %get3A_836 = arith.constant 0 : index
          %get3A_837 = tpu.vector_load %arg15[%get3A_834, %get3A_835, %get3A_836] {strides = array<i32>} : memref<2x80x16xf32, #tpu.memory_space<vmem>>, vector<1x1x16xf32>,
          %get3A_838 = vector.shape_cast %get3A_837 : vector<1x1x16xf32> to vector<16xf32>
          %add3A_839 = arith.addf %get3A_832, %get3A_838 : vector<16xf32>
          %get3A_840 = arith.constant 0 : i32
          %get3A_841 = arith.index_cast %get3A_840 : i32 to index
          %get3A_842 = arith.index_cast %add3A_826 : i32 to index
          %get3A_843 = arith.constant 0 : index
          %get3A_844 = tpu.vector_load %arg14[%get3A_841, %get3A_842, %get3A_843] {strides = array<i32>} : memref<2x80x32xf32, #tpu.memory_space<vmem>>, vector<1x1x16xf32>,
          %get3A_845 = vector.shape_cast %get3A_844 : vector<1x1x16xf32> to vector<16xf32>
          %add3A_846 = arith.addf %add3A_839, %get3A_845 : vector<16xf32>
          %mul3A_847 = arith.constant 2.000000e-01 : f32
          %mul3A_848 = vector.broadcast %mul3A_847 : f32 to vector<16xf32>
          %mul3A_849 = arith.mulf %add3A_846, %mul3A_848 : vector<16xf32>
          %max3A_850 = arith.maximumf %add3A_846, %mul3A_849 : vector<16xf32>
          %exp3A_851 = math.exp %max3A_850 : vector<16xf32>
          %jit3A_852 = arith.constant 0.000000e+00 : f32
          %broadcast_in_dim3A_853 = vector.broadcast %jit3A_852 : f32 to vector<16xf32>
          %select_n3A_854 = arith.select %lt3A_1, %exp3A_851, %broadcast_in_dim3A_853 : vector<16xi1>, vector<16xf32>
          %jit3A_855 = arith.constant 0.000000e+00 : f32
          %broadcast_in_dim3A_856 = vector.broadcast %jit3A_855 : f32 to vector<16xf32>
          %select_n3A_857 = arith.select %and3A, %select_n3A_854, %broadcast_in_dim3A_856 : vector<16xi1>, vector<16xf32>
          %swap3A_858 = arith.constant 0 : i32
          %swap3A_859 = arith.index_cast %swap3A_858 : i32 to index
          %swap3A_860 = arith.index_cast %add3A_826 : i32 to index
          %swap3A_861 = arith.constant 96 : index
          %swap3A_862 = tpu.vector_load %arg17[%swap3A_859, %swap3A_860, %swap3A_861] {strides = array<i32>} : memref<2x80x112xf32, #tpu.memory_space<vmem>>, vector<1x1x16xf32>,
          %swap3A_863 = vector.shape_cast %swap3A_862 : vector<1x1x16xf32> to vector<16xf32>
          %swap3A_864 = vector.shape_cast %select_n3A_857 : vector<16xf32> to vector<1x1x16xf32>
          tpu.vector_store %arg17[%swap3A_859, %swap3A_860, %swap3A_861], %swap3A_864 {strides = array<i32>} : memref<2x80x112xf32, #tpu.memory_space<vmem>>, vector<1x1x16xf32>,
          %get3A_865 = arith.constant 0 : i32
          %get3A_866 = arith.index_cast %get3A_865 : i32 to index
          %get3A_867 = arith.index_cast %add3A_826 : i32 to index
          %get3A_868 = arith.constant 16 : index
          %get3A_869 = tpu.vector_load %arg14[%get3A_866, %get3A_867, %get3A_868] {strides = array<i32>} : memref<2x80x32xf32, #tpu.memory_space<vmem>>, vector<1x1x16xf32>,
          %get3A_870 = vector.shape_cast %get3A_869 : vector<1x1x16xf32> to vector<16xf32>
          %broadcast_in_dim3A_871 = arith.constant 0 : i32
          %broadcast_in_dim3A_872 = vector.broadcast %broadcast_in_dim3A_871 : i32 to vector<16xi32>
          %mul3A_873 = arith.constant 2 : i32
          %mul3A_874 = arith.muli %arg0, %mul3A_873 : i32
          %add3A_875 = vector.broadcast %mul3A_874 : i32 to vector<16xi32>
          %add3A_876 = arith.addi %broadcast_in_dim3A_872, %add3A_875 : vector<16xi32>
          %lt3A_877 = arith.constant 0 : i32
          %lt3A_878 = vector.broadcast %lt3A_877 : i32 to vector<16xi32>
          %lt3A_879 = arith.cmpi slt, %add3A_876, %lt3A_878 : vector<16xi32>
          %add3A_880 = arith.constant 16 : i32
          %add3A_881 = vector.broadcast %add3A_880 : i32 to vector<16xi32>
          %add3A_882 = arith.addi %add3A_876, %add3A_881 : vector<16xi32>
          %select_n3A_883 = arith.select %lt3A_879, %add3A_882, %add3A_876 : vector<16xi1>, vector<16xi32>
          %broadcast_in_dim3A_884 = vector.shape_cast %select_n3A_883 : vector<16xi32> to vector<16x1xi32>
          %gather3A_885 = vector.shape_cast %broadcast_in_dim3A_884 : vector<16x1xi32> to vector<16xi32>
          %gather3A_886 = tpu.dynamic_gather %select_n3A_854[%gather3A_885] in [0] : vector<16xf32>, vector<16xi32> -> vector<16xf32>
          %mul3A_887 = arith.mulf %get3A_870, %gather3A_886 : vector<16xf32>
          %swap3A_888 = arith.constant 0 : i32
          %swap3A_889 = arith.index_cast %swap3A_888 : i32 to index
          %swap3A_890 = arith.index_cast %add3A_826 : i32 to index
          %swap3A_891 = arith.constant 64 : index
          %swap3A_892 = tpu.vector_load %arg17[%swap3A_889, %swap3A_890, %swap3A_891] {strides = array<i32>} : memref<2x80x112xf32, #tpu.memory_space<vmem>>, vector<1x1x16xf32>,
          %swap3A_893 = vector.shape_cast %swap3A_892 : vector<1x1x16xf32> to vector<16xf32>
          %swap3A_894 = vector.shape_cast %mul3A_887 : vector<16xf32> to vector<1x1x16xf32>
          tpu.vector_store %arg17[%swap3A_889, %swap3A_890, %swap3A_891], %swap3A_894 {strides = array<i32>} : memref<2x80x112xf32, #tpu.memory_space<vmem>>, vector<1x1x16xf32>,
          %get3A_895 = arith.constant 0 : i32
          %get3A_896 = arith.index_cast %get3A_895 : i32 to index
          %get3A_897 = arith.index_cast %add3A_826 : i32 to index
          %get3A_898 = arith.constant 0 : index
          %get3A_899 = tpu.vector_load %arg16[%get3A_896, %get3A_897, %get3A_898] {strides = array<i32>} : memref<2x80x80xf32, #tpu.memory_space<vmem>>, vector<1x1x16xf32>,
          %get3A_900 = vector.shape_cast %get3A_899 : vector<1x1x16xf32> to vector<16xf32>
          %mul3A_901 = arith.mulf %get3A_900, %gather3A_886 : vector<16xf32>
          %swap3A_902 = arith.constant 0 : i32
          %swap3A_903 = arith.index_cast %swap3A_902 : i32 to index
          %swap3A_904 = arith.index_cast %add3A_826 : i32 to index
          %swap3A_905 = arith.constant 0 : index
          %swap3A_906 = tpu.vector_load %arg17[%swap3A_903, %swap3A_904, %swap3A_905] {strides = array<i32>} : memref<2x80x112xf32, #tpu.memory_space<vmem>>, vector<1x1x16xf32>,
          %swap3A_907 = vector.shape_cast %swap3A_906 : vector<1x1x16xf32> to vector<16xf32>
          %swap3A_908 = vector.shape_cast %mul3A_901 : vector<16xf32> to vector<1x1x16xf32>
          tpu.vector_store %arg17[%swap3A_903, %swap3A_904, %swap3A_905], %swap3A_908 {strides = array<i32>} : memref<2x80x112xf32, #tpu.memory_space<vmem>>, vector<1x1x16xf32>,
          %get3A_909 = arith.constant 0 : i32
          %get3A_910 = arith.index_cast %get3A_909 : i32 to index
          %get3A_911 = arith.index_cast %add3A_826 : i32 to index
          %get3A_912 = arith.constant 16 : index
          %get3A_913 = tpu.vector_load %arg16[%get3A_910, %get3A_911, %get3A_912] {strides = array<i32>} : memref<2x80x80xf32, #tpu.memory_space<vmem>>, vector<1x1x16xf32>,
          %get3A_914 = vector.shape_cast %get3A_913 : vector<1x1x16xf32> to vector<16xf32>
          %mul3A_915 = arith.mulf %get3A_914, %gather3A_886 : vector<16xf32>
          %swap3A_916 = arith.constant 0 : i32
          %swap3A_917 = arith.index_cast %swap3A_916 : i32 to index
          %swap3A_918 = arith.index_cast %add3A_826 : i32 to index
          %swap3A_919 = arith.constant 16 : index
          %swap3A_920 = tpu.vector_load %arg17[%swap3A_917, %swap3A_918, %swap3A_919] {strides = array<i32>} : memref<2x80x112xf32, #tpu.memory_space<vmem>>, vector<1x1x16xf32>,
          %swap3A_921 = vector.shape_cast %swap3A_920 : vector<1x1x16xf32> to vector<16xf32>
          %swap3A_922 = vector.shape_cast %mul3A_915 : vector<16xf32> to vector<1x1x16xf32>
          tpu.vector_store %arg17[%swap3A_917, %swap3A_918, %swap3A_919], %swap3A_922 {strides = array<i32>} : memref<2x80x112xf32, #tpu.memory_space<vmem>>, vector<1x1x16xf32>,
          %broadcast_in_dim3A_923 = arith.constant 1 : i32
          %broadcast_in_dim3A_924 = vector.broadcast %broadcast_in_dim3A_923 : i32 to vector<16xi32>
          %mul3A_925 = arith.constant 2 : i32
          %mul3A_926 = arith.muli %arg0, %mul3A_925 : i32
          %add3A_927 = vector.broadcast %mul3A_926 : i32 to vector<16xi32>
          %add3A_928 = arith.addi %broadcast_in_dim3A_924, %add3A_927 : vector<16xi32>
          %lt3A_929 = arith.constant 0 : i32
          %lt3A_930 = vector.broadcast %lt3A_929 : i32 to vector<16xi32>
          %lt3A_931 = arith.cmpi slt, %add3A_928, %lt3A_930 : vector<16xi32>
          %add3A_932 = arith.constant 16 : i32
          %add3A_933 = vector.broadcast %add3A_932 : i32 to vector<16xi32>
          %add3A_934 = arith.addi %add3A_928, %add3A_933 : vector<16xi32>
          %select_n3A_935 = arith.select %lt3A_931, %add3A_934, %add3A_928 : vector<16xi1>, vector<16xi32>
          %broadcast_in_dim3A_936 = vector.shape_cast %select_n3A_935 : vector<16xi32> to vector<16x1xi32>
          %gather3A_937 = vector.shape_cast %broadcast_in_dim3A_936 : vector<16x1xi32> to vector<16xi32>
          %gather3A_938 = tpu.dynamic_gather %select_n3A_854[%gather3A_937] in [0] : vector<16xf32>, vector<16xi32> -> vector<16xf32>
          %mul3A_939 = arith.mulf %get3A_870, %gather3A_938 : vector<16xf32>
          %swap3A_940 = arith.constant 0 : i32
          %swap3A_941 = arith.index_cast %swap3A_940 : i32 to index
          %swap3A_942 = arith.index_cast %add3A_826 : i32 to index
          %swap3A_943 = arith.constant 80 : index
          %swap3A_944 = tpu.vector_load %arg17[%swap3A_941, %swap3A_942, %swap3A_943] {strides = array<i32>} : memref<2x80x112xf32, #tpu.memory_space<vmem>>, vector<1x1x16xf32>,
          %swap3A_945 = vector.shape_cast %swap3A_944 : vector<1x1x16xf32> to vector<16xf32>
          %swap3A_946 = vector.shape_cast %mul3A_939 : vector<16xf32> to vector<1x1x16xf32>
          tpu.vector_store %arg17[%swap3A_941, %swap3A_942, %swap3A_943], %swap3A_946 {strides = array<i32>} : memref<2x80x112xf32, #tpu.memory_space<vmem>>, vector<1x1x16xf32>,
          %get3A_947 = arith.constant 0 : i32
          %get3A_948 = arith.index_cast %get3A_947 : i32 to index
          %get3A_949 = arith.index_cast %add3A_826 : i32 to index
          %get3A_950 = arith.constant 32 : index
          %get3A_951 = tpu.vector_load %arg16[%get3A_948, %get3A_949, %get3A_950] {strides = array<i32>} : memref<2x80x80xf32, #tpu.memory_space<vmem>>, vector<1x1x16xf32>,
          %get3A_952 = vector.shape_cast %get3A_951 : vector<1x1x16xf32> to vector<16xf32>
          %mul3A_953 = arith.mulf %get3A_952, %gather3A_938 : vector<16xf32>
          %swap3A_954 = arith.constant 0 : i32
          %swap3A_955 = arith.index_cast %swap3A_954 : i32 to index
          %swap3A_956 = arith.index_cast %add3A_826 : i32 to index
          %swap3A_957 = arith.constant 32 : index
          %swap3A_958 = tpu.vector_load %arg17[%swap3A_955, %swap3A_956, %swap3A_957] {strides = array<i32>} : memref<2x80x112xf32, #tpu.memory_space<vmem>>, vector<1x1x16xf32>,
          %swap3A_959 = vector.shape_cast %swap3A_958 : vector<1x1x16xf32> to vector<16xf32>
          %swap3A_960 = vector.shape_cast %mul3A_953 : vector<16xf32> to vector<1x1x16xf32>
          tpu.vector_store %arg17[%swap3A_955, %swap3A_956, %swap3A_957], %swap3A_960 {strides = array<i32>} : memref<2x80x112xf32, #tpu.memory_space<vmem>>, vector<1x1x16xf32>,
          %get3A_961 = arith.constant 0 : i32
          %get3A_962 = arith.index_cast %get3A_961 : i32 to index
          %get3A_963 = arith.index_cast %add3A_826 : i32 to index
          %get3A_964 = arith.constant 48 : index
          %get3A_965 = tpu.vector_load %arg16[%get3A_962, %get3A_963, %get3A_964] {strides = array<i32>} : memref<2x80x80xf32, #tpu.memory_space<vmem>>, vector<1x1x16xf32>,
          %get3A_966 = vector.shape_cast %get3A_965 : vector<1x1x16xf32> to vector<16xf32>
          %mul3A_967 = arith.mulf %get3A_966, %gather3A_938 : vector<16xf32>
          %swap3A_968 = arith.constant 0 : i32
          %swap3A_969 = arith.index_cast %swap3A_968 : i32 to index
          %swap3A_970 = arith.index_cast %add3A_826 : i32 to index
          %swap3A_971 = arith.constant 48 : index
          %swap3A_972 = tpu.vector_load %arg17[%swap3A_969, %swap3A_970, %swap3A_971] {strides = array<i32>} : memref<2x80x112xf32, #tpu.memory_space<vmem>>, vector<1x1x16xf32>,
          %swap3A_973 = vector.shape_cast %swap3A_972 : vector<1x1x16xf32> to vector<16xf32>
          %swap3A_974 = vector.shape_cast %mul3A_967 : vector<16xf32> to vector<1x1x16xf32>
          tpu.vector_store %arg17[%swap3A_969, %swap3A_970, %swap3A_971], %swap3A_974 {strides = array<i32>} : memref<2x80x112xf32, #tpu.memory_space<vmem>>, vector<1x1x16xf32>,
        }
        %scan3A_349 = arith.constant 20 : i32
        %dma_start3A_350 = arith.constant 0 : i32
        %dma_start3A_351 = arith.constant 0 : i32
        %dma_start3A_352 = arith.constant 0 : i32
        %dma_start3A_353 = arith.constant 0 : i32
        %dma_start3A_354 = arith.constant 0 : i32
        %dma_start3A_355 = tpu.memref_slice %arg17[%dma_start3A_350, %dma_start3A_353, %dma_start3A_354] : memref<2x80x112xf32, #tpu.memory_space<vmem>> -> memref<1x80x112xf32, #tpu.memory_space<vmem>>
        %dma_start3A_356 = tpu.memref_squeeze %dma_start3A_355 : memref<1x80x112xf32, #tpu.memory_space<vmem>> -> memref<80x112xf32, #tpu.memory_space<vmem>>
        %dma_start3A_357 = arith.constant 0 : i32
        %dma_start3A_358 = tpu.memref_slice %arg13[%dma_start3A_351, %dma_start3A_357] : memref<2x80xi32, #tpu.memory_space<vmem>> -> memref<1x80xi32, #tpu.memory_space<vmem>>
        %dma_start3A_359 = tpu.memref_squeeze %dma_start3A_358 : memref<1x80xi32, #tpu.memory_space<vmem>> -> memref<80xi32, #tpu.memory_space<vmem>>
        %dma_start3A_360 = arith.constant 0 : i32
        %dma_start3A_361 = arith.constant 0 : i32
        %dma_start3A_362 = tpu.memref_slice %arg10[%dma_start3A_360, %dma_start3A_361] : memref<10000x112xf32, #tpu.memory_space<vmem_shared>> -> memref<10000x112xf32, #tpu.memory_space<vmem_shared>>
        %dma_start3A_363 = tpu.memref_slice %arg20[%dma_start3A_352] : memref<2x!tpu.dma_semaphore, #tpu.memory_space<semaphore_mem>> -> memref<1x!tpu.dma_semaphore, #tpu.memory_space<semaphore_mem>>
        %dma_start3A_364 = tpu.memref_squeeze %dma_start3A_363 : memref<1x!tpu.dma_semaphore, #tpu.memory_space<semaphore_mem>> -> memref<!tpu.dma_semaphore, #tpu.memory_space<semaphore_mem>>
        tpu.enqueue_indirect_dma source(%dma_start3A_356 : memref<80x112xf32, #tpu.memory_space<vmem>>) target(%dma_start3A_362 : memref<10000x112xf32, #tpu.memory_space<vmem_shared>>) offsets(%dma_start3A_359 : memref<80xi32, #tpu.memory_space<vmem>>) semaphore(%dma_start3A_364 : memref<!tpu.dma_semaphore, #tpu.memory_space<semaphore_mem>>) {add = true}
        %le3A_365 = arith.constant 247 : i32
        %le3A_366 = arith.cmpi sle, %scan3A_214, %le3A_365 : i32
        %convert_element_type3A_367 = arith.extui %le3A_366 : i1 to i32
        %cond3A_368 = arith.constant 0 : i32
        %cond3A_369 = arith.cmpi ne, %convert_element_type3A_367, %cond3A_368 : i32
        scf.if %cond3A_369 {
          %add3A_370 = arith.constant 2 : i32
          %add3A_371 = arith.addi %scan3A_214, %add3A_370 : i32
          %mul3A_372 = arith.constant 80 : i32
          %mul3A_373 = arith.muli %add3A_371, %mul3A_372 : i32
          %add3A_374 = arith.addi %mul3A_15, %mul3A_373 : i32
          %dma_start3A_375 = arith.constant 0 : i32
          %dma_start3A_376 = arith.constant 0 : i32
          %dma_start3A_377 = arith.constant 0 : i32
          %dma_start3A_378 = tpu.memref_slice %arg11[%dma_start3A_375, %dma_start3A_377] : memref<2x80xi32, #tpu.memory_space<vmem>> -> memref<1x80xi32, #tpu.memory_space<vmem>>
          %dma_start3A_379 = tpu.memref_squeeze %dma_start3A_378 : memref<1x80xi32, #tpu.memory_space<vmem>> -> memref<80xi32, #tpu.memory_space<vmem>>
          %dma_start3A_380 = tpu.memref_slice %arg2[%add3A_374] : memref<320000xi32, #tpu.memory_space<hbm>> -> memref<80xi32, #tpu.memory_space<hbm>>
          %dma_start3A_381 = tpu.memref_slice %arg18[%dma_start3A_376] : memref<2x!tpu.dma_semaphore, #tpu.memory_space<semaphore_mem>> -> memref<1x!tpu.dma_semaphore, #tpu.memory_space<semaphore_mem>>
          %dma_start3A_382 = tpu.memref_squeeze %dma_start3A_381 : memref<1x!tpu.dma_semaphore, #tpu.memory_space<semaphore_mem>> -> memref<!tpu.dma_semaphore, #tpu.memory_space<semaphore_mem>>
          %dma_start3A_383 = arith.constant 0 : i32
          %dma_start3A_384 = tpu.memref_slice %arg11[%dma_start3A_375, %dma_start3A_383] : memref<2x80xi32, #tpu.memory_space<vmem>> -> memref<1x80xi32, #tpu.memory_space<vmem>>
          %dma_start3A_385 = tpu.memref_squeeze %dma_start3A_384 : memref<1x80xi32, #tpu.memory_space<vmem>> -> memref<80xi32, #tpu.memory_space<vmem>>
          %dma_start3A_386 = tpu.memref_slice %arg2[%add3A_374] : memref<320000xi32, #tpu.memory_space<hbm>> -> memref<80xi32, #tpu.memory_space<hbm>>
          tpu.enqueue_dma source(%dma_start3A_386 : memref<80xi32, #tpu.memory_space<hbm>>) target(%dma_start3A_385 : memref<80xi32, #tpu.memory_space<vmem>>) target_semaphore(%dma_start3A_382 : memref<!tpu.dma_semaphore, #tpu.memory_space<semaphore_mem>>)
          %dma_start3A_387 = arith.constant 0 : i32
          %dma_start3A_388 = arith.constant 0 : i32
          %dma_start3A_389 = arith.constant 0 : i32
          %dma_start3A_390 = tpu.memref_slice %arg12[%dma_start3A_387, %dma_start3A_389] : memref<2x80xi32, #tpu.memory_space<vmem>> -> memref<1x80xi32, #tpu.memory_space<vmem>>
          %dma_start3A_391 = tpu.memref_squeeze %dma_start3A_390 : memref<1x80xi32, #tpu.memory_space<vmem>> -> memref<80xi32, #tpu.memory_space<vmem>>
          %dma_start3A_392 = tpu.memref_slice %arg3[%add3A_374] : memref<320000xi32, #tpu.memory_space<hbm>> -> memref<80xi32, #tpu.memory_space<hbm>>
          %dma_start3A_393 = tpu.memref_slice %arg18[%dma_start3A_388] : memref<2x!tpu.dma_semaphore, #tpu.memory_space<semaphore_mem>> -> memref<1x!tpu.dma_semaphore, #tpu.memory_space<semaphore_mem>>
          %dma_start3A_394 = tpu.memref_squeeze %dma_start3A_393 : memref<1x!tpu.dma_semaphore, #tpu.memory_space<semaphore_mem>> -> memref<!tpu.dma_semaphore, #tpu.memory_space<semaphore_mem>>
          %dma_start3A_395 = arith.constant 0 : i32
          %dma_start3A_396 = tpu.memref_slice %arg12[%dma_start3A_387, %dma_start3A_395] : memref<2x80xi32, #tpu.memory_space<vmem>> -> memref<1x80xi32, #tpu.memory_space<vmem>>
          %dma_start3A_397 = tpu.memref_squeeze %dma_start3A_396 : memref<1x80xi32, #tpu.memory_space<vmem>> -> memref<80xi32, #tpu.memory_space<vmem>>
          %dma_start3A_398 = tpu.memref_slice %arg3[%add3A_374] : memref<320000xi32, #tpu.memory_space<hbm>> -> memref<80xi32, #tpu.memory_space<hbm>>
          tpu.enqueue_dma source(%dma_start3A_398 : memref<80xi32, #tpu.memory_space<hbm>>) target(%dma_start3A_397 : memref<80xi32, #tpu.memory_space<vmem>>) target_semaphore(%dma_start3A_394 : memref<!tpu.dma_semaphore, #tpu.memory_space<semaphore_mem>>)
          %dma_start3A_399 = arith.constant 0 : i32
          %dma_start3A_400 = arith.constant 0 : i32
          %dma_start3A_401 = arith.constant 0 : i32
          %dma_start3A_402 = arith.constant 0 : i32
          %dma_start3A_403 = tpu.memref_slice %arg14[%dma_start3A_399, %dma_start3A_401, %dma_start3A_402] : memref<2x80x32xf32, #tpu.memory_space<vmem>> -> memref<1x80x32xf32, #tpu.memory_space<vmem>>
          %dma_start3A_404 = tpu.memref_squeeze %dma_start3A_403 : memref<1x80x32xf32, #tpu.memory_space<vmem>> -> memref<80x32xf32, #tpu.memory_space<vmem>>
          %dma_start3A_405 = arith.constant 0 : i32
          %dma_start3A_406 = tpu.memref_slice %arg4[%add3A_374, %dma_start3A_405] : memref<320000x32xf32, #tpu.memory_space<hbm>> -> memref<80x32xf32, #tpu.memory_space<hbm>>
          %dma_start3A_407 = tpu.memref_slice %arg18[%dma_start3A_400] : memref<2x!tpu.dma_semaphore, #tpu.memory_space<semaphore_mem>> -> memref<1x!tpu.dma_semaphore, #tpu.memory_space<semaphore_mem>>
          %dma_start3A_408 = tpu.memref_squeeze %dma_start3A_407 : memref<1x!tpu.dma_semaphore, #tpu.memory_space<semaphore_mem>> -> memref<!tpu.dma_semaphore, #tpu.memory_space<semaphore_mem>>
          %dma_start3A_409 = arith.constant 0 : i32
          %dma_start3A_410 = arith.constant 0 : i32
          %dma_start3A_411 = tpu.memref_slice %arg14[%dma_start3A_399, %dma_start3A_409, %dma_start3A_410] : memref<2x80x32xf32, #tpu.memory_space<vmem>> -> memref<1x80x32xf32, #tpu.memory_space<vmem>>
          %dma_start3A_412 = tpu.memref_squeeze %dma_start3A_411 : memref<1x80x32xf32, #tpu.memory_space<vmem>> -> memref<80x32xf32, #tpu.memory_space<vmem>>
          %dma_start3A_413 = arith.constant 0 : i32
          %dma_start3A_414 = tpu.memref_slice %arg4[%add3A_374, %dma_start3A_413] : memref<320000x32xf32, #tpu.memory_space<hbm>> -> memref<80x32xf32, #tpu.memory_space<hbm>>
          tpu.enqueue_dma source(%dma_start3A_414 : memref<80x32xf32, #tpu.memory_space<hbm>>) target(%dma_start3A_412 : memref<80x32xf32, #tpu.memory_space<vmem>>) target_semaphore(%dma_start3A_408 : memref<!tpu.dma_semaphore, #tpu.memory_space<semaphore_mem>>)
        } else {
        }
      } else {
      }
      %jit3A_232 = arith.constant 2 : i32
      %eq3A_233 = arith.constant 0 : i32
      %eq3A_234 = arith.cmpi eq, %jit3A_232, %eq3A_233 : i32
      %jit3A_235 = arith.constant 1 : i32
      %select_n3A_236 = arith.select %eq3A_234, %jit3A_235, %jit3A_232 : i32
      %rem3A_237 = arith.remsi %scan3A_214, %select_n3A_236 : i32
      %ne3A_238 = arith.constant 0 : i32
      %ne3A_239 = arith.cmpi ne, %rem3A_237, %ne3A_238 : i32
      %lt3A_240 = arith.constant 0 : i32
      %lt3A_241 = arith.cmpi slt, %rem3A_237, %lt3A_240 : i32
      %lt3A_242 = arith.constant 0 : i32
      %lt3A_243 = arith.cmpi slt, %select_n3A_236, %lt3A_242 : i32
      %ne3A_244 = arith.xori %lt3A_241, %lt3A_243 : i1
      %and3A_245 = arith.andi %ne3A_244, %ne3A_239 : i1
      %add3A_246 = arith.addi %rem3A_237, %select_n3A_236 : i32
      %select_n3A_247 = arith.select %and3A_245, %add3A_246, %rem3A_237 : i32
      %eq3A_248 = arith.constant 1 : i32
      %eq3A_249 = arith.cmpi eq, %select_n3A_247, %eq3A_248 : i32
      %convert_element_type3A_250 = arith.extui %eq3A_249 : i1 to i32
      %cond3A_251 = arith.constant 0 : i32
      %cond3A_252 = arith.cmpi ne, %convert_element_type3A_250, %cond3A_251 : i32
      scf.if %cond3A_252 {
        %le3A = arith.constant 248 : i32
        %le3A_253 = arith.cmpi sle, %scan3A_214, %le3A : i32
        %convert_element_type3A_254 = arith.extui %le3A_253 : i1 to i32
        %cond3A_255 = arith.constant 0 : i32
        %cond3A_256 = arith.cmpi ne, %convert_element_type3A_254, %cond3A_255 : i32
        scf.if %cond3A_256 {
          %dma_wait3A_370 = arith.constant 0 : i32
          %dma_wait3A_371 = arith.constant 0 : i32
          %dma_wait3A_372 = arith.constant 0 : i32
          %dma_wait3A_373 = tpu.memref_slice %arg11[%dma_wait3A_370, %dma_wait3A_372] : memref<2x80xi32, #tpu.memory_space<vmem>> -> memref<1x80xi32, #tpu.memory_space<vmem>>
          %dma_wait3A_374 = tpu.memref_squeeze %dma_wait3A_373 : memref<1x80xi32, #tpu.memory_space<vmem>> -> memref<80xi32, #tpu.memory_space<vmem>>
          %dma_wait3A_375 = arith.constant 0 : i32
          %dma_wait3A_376 = tpu.memref_slice %arg2[%dma_wait3A_375] : memref<320000xi32, #tpu.memory_space<hbm>> -> memref<80xi32, #tpu.memory_space<hbm>>
          %dma_wait3A_377 = tpu.memref_slice %arg18[%dma_wait3A_371] : memref<2x!tpu.dma_semaphore, #tpu.memory_space<semaphore_mem>> -> memref<1x!tpu.dma_semaphore, #tpu.memory_space<semaphore_mem>>
          %dma_wait3A_378 = tpu.memref_squeeze %dma_wait3A_377 : memref<1x!tpu.dma_semaphore, #tpu.memory_space<semaphore_mem>> -> memref<!tpu.dma_semaphore, #tpu.memory_space<semaphore_mem>>
          %dma_wait3A_379 = arith.constant 0 : i32
          %dma_wait3A_380 = tpu.memref_slice %arg11[%dma_wait3A_370, %dma_wait3A_379] : memref<2x80xi32, #tpu.memory_space<vmem>> -> memref<1x80xi32, #tpu.memory_space<vmem>>
          %dma_wait3A_381 = tpu.memref_squeeze %dma_wait3A_380 : memref<1x80xi32, #tpu.memory_space<vmem>> -> memref<80xi32, #tpu.memory_space<vmem>>
          %dma_wait3A_382 = arith.constant 0 : i32
          %dma_wait3A_383 = tpu.memref_slice %arg2[%dma_wait3A_382] : memref<320000xi32, #tpu.memory_space<hbm>> -> memref<80xi32, #tpu.memory_space<hbm>>
          tpu.wait_dma2 semaphore(%dma_wait3A_378 : memref<!tpu.dma_semaphore, #tpu.memory_space<semaphore_mem>>) src(%dma_wait3A_383 : memref<80xi32, #tpu.memory_space<hbm>>) dst(%dma_wait3A_381 : memref<80xi32, #tpu.memory_space<vmem>>)
          %dma_wait3A_384 = arith.constant 0 : i32
          %dma_wait3A_385 = arith.constant 0 : i32
          %dma_wait3A_386 = arith.constant 0 : i32
          %dma_wait3A_387 = tpu.memref_slice %arg12[%dma_wait3A_384, %dma_wait3A_386] : memref<2x80xi32, #tpu.memory_space<vmem>> -> memref<1x80xi32, #tpu.memory_space<vmem>>
          %dma_wait3A_388 = tpu.memref_squeeze %dma_wait3A_387 : memref<1x80xi32, #tpu.memory_space<vmem>> -> memref<80xi32, #tpu.memory_space<vmem>>
          %dma_wait3A_389 = arith.constant 0 : i32
          %dma_wait3A_390 = tpu.memref_slice %arg3[%dma_wait3A_389] : memref<320000xi32, #tpu.memory_space<hbm>> -> memref<80xi32, #tpu.memory_space<hbm>>
          %dma_wait3A_391 = tpu.memref_slice %arg18[%dma_wait3A_385] : memref<2x!tpu.dma_semaphore, #tpu.memory_space<semaphore_mem>> -> memref<1x!tpu.dma_semaphore, #tpu.memory_space<semaphore_mem>>
          %dma_wait3A_392 = tpu.memref_squeeze %dma_wait3A_391 : memref<1x!tpu.dma_semaphore, #tpu.memory_space<semaphore_mem>> -> memref<!tpu.dma_semaphore, #tpu.memory_space<semaphore_mem>>
          %dma_wait3A_393 = arith.constant 0 : i32
          %dma_wait3A_394 = tpu.memref_slice %arg12[%dma_wait3A_384, %dma_wait3A_393] : memref<2x80xi32, #tpu.memory_space<vmem>> -> memref<1x80xi32, #tpu.memory_space<vmem>>
          %dma_wait3A_395 = tpu.memref_squeeze %dma_wait3A_394 : memref<1x80xi32, #tpu.memory_space<vmem>> -> memref<80xi32, #tpu.memory_space<vmem>>
          %dma_wait3A_396 = arith.constant 0 : i32
          %dma_wait3A_397 = tpu.memref_slice %arg3[%dma_wait3A_396] : memref<320000xi32, #tpu.memory_space<hbm>> -> memref<80xi32, #tpu.memory_space<hbm>>
          tpu.wait_dma2 semaphore(%dma_wait3A_392 : memref<!tpu.dma_semaphore, #tpu.memory_space<semaphore_mem>>) src(%dma_wait3A_397 : memref<80xi32, #tpu.memory_space<hbm>>) dst(%dma_wait3A_395 : memref<80xi32, #tpu.memory_space<vmem>>)
          %dma_wait3A_398 = arith.constant 0 : i32
          %dma_wait3A_399 = arith.constant 0 : i32
          %dma_wait3A_400 = arith.constant 0 : i32
          %dma_wait3A_401 = arith.constant 0 : i32
          %dma_wait3A_402 = tpu.memref_slice %arg14[%dma_wait3A_398, %dma_wait3A_400, %dma_wait3A_401] : memref<2x80x32xf32, #tpu.memory_space<vmem>> -> memref<1x80x32xf32, #tpu.memory_space<vmem>>
          %dma_wait3A_403 = tpu.memref_squeeze %dma_wait3A_402 : memref<1x80x32xf32, #tpu.memory_space<vmem>> -> memref<80x32xf32, #tpu.memory_space<vmem>>
          %dma_wait3A_404 = arith.constant 0 : i32
          %dma_wait3A_405 = arith.constant 0 : i32
          %dma_wait3A_406 = tpu.memref_slice %arg4[%dma_wait3A_404, %dma_wait3A_405] : memref<320000x32xf32, #tpu.memory_space<hbm>> -> memref<80x32xf32, #tpu.memory_space<hbm>>
          %dma_wait3A_407 = tpu.memref_slice %arg18[%dma_wait3A_399] : memref<2x!tpu.dma_semaphore, #tpu.memory_space<semaphore_mem>> -> memref<1x!tpu.dma_semaphore, #tpu.memory_space<semaphore_mem>>
          %dma_wait3A_408 = tpu.memref_squeeze %dma_wait3A_407 : memref<1x!tpu.dma_semaphore, #tpu.memory_space<semaphore_mem>> -> memref<!tpu.dma_semaphore, #tpu.memory_space<semaphore_mem>>
          %dma_wait3A_409 = arith.constant 0 : i32
          %dma_wait3A_410 = arith.constant 0 : i32
          %dma_wait3A_411 = tpu.memref_slice %arg14[%dma_wait3A_398, %dma_wait3A_409, %dma_wait3A_410] : memref<2x80x32xf32, #tpu.memory_space<vmem>> -> memref<1x80x32xf32, #tpu.memory_space<vmem>>
          %dma_wait3A_412 = tpu.memref_squeeze %dma_wait3A_411 : memref<1x80x32xf32, #tpu.memory_space<vmem>> -> memref<80x32xf32, #tpu.memory_space<vmem>>
          %dma_wait3A_413 = arith.constant 0 : i32
          %dma_wait3A_414 = arith.constant 0 : i32
          %dma_wait3A_415 = tpu.memref_slice %arg4[%dma_wait3A_413, %dma_wait3A_414] : memref<320000x32xf32, #tpu.memory_space<hbm>> -> memref<80x32xf32, #tpu.memory_space<hbm>>
          tpu.wait_dma2 semaphore(%dma_wait3A_408 : memref<!tpu.dma_semaphore, #tpu.memory_space<semaphore_mem>>) src(%dma_wait3A_415 : memref<80x32xf32, #tpu.memory_space<hbm>>) dst(%dma_wait3A_412 : memref<80x32xf32, #tpu.memory_space<vmem>>)
          %dma_start3A_416 = arith.constant 0 : i32
          %dma_start3A_417 = arith.constant 0 : i32
          %dma_start3A_418 = arith.constant 0 : i32
          %dma_start3A_419 = arith.constant 0 : i32
          %dma_start3A_420 = arith.constant 0 : i32
          %dma_start3A_421 = tpu.memref_slice %arg15[%dma_start3A_417, %dma_start3A_419, %dma_start3A_420] : memref<2x80x16xf32, #tpu.memory_space<vmem>> -> memref<1x80x16xf32, #tpu.memory_space<vmem>>
          %dma_start3A_422 = tpu.memref_squeeze %dma_start3A_421 : memref<1x80x16xf32, #tpu.memory_space<vmem>> -> memref<80x16xf32, #tpu.memory_space<vmem>>
          %dma_start3A_423 = arith.constant 0 : i32
          %dma_start3A_424 = tpu.memref_slice %arg12[%dma_start3A_416, %dma_start3A_423] : memref<2x80xi32, #tpu.memory_space<vmem>> -> memref<1x80xi32, #tpu.memory_space<vmem>>
          %dma_start3A_425 = tpu.memref_squeeze %dma_start3A_424 : memref<1x80xi32, #tpu.memory_space<vmem>> -> memref<80xi32, #tpu.memory_space<vmem>>
          %dma_start3A_426 = arith.constant 0 : i32
          %dma_start3A_427 = arith.constant 0 : i32
          %dma_start3A_428 = tpu.memref_slice %arg7[%dma_start3A_426, %dma_start3A_427] : memref<10000x16xf32, #tpu.memory_space<hbm>> -> memref<10000x16xf32, #tpu.memory_space<hbm>>
          %dma_start3A_429 = tpu.memref_slice %arg19[%dma_start3A_418] : memref<2x!tpu.dma_semaphore, #tpu.memory_space<semaphore_mem>> -> memref<1x!tpu.dma_semaphore, #tpu.memory_space<semaphore_mem>>
          %dma_start3A_430 = tpu.memref_squeeze %dma_start3A_429 : memref<1x!tpu.dma_semaphore, #tpu.memory_space<semaphore_mem>> -> memref<!tpu.dma_semaphore, #tpu.memory_space<semaphore_mem>>
          tpu.enqueue_indirect_dma source(%dma_start3A_428 : memref<10000x16xf32, #tpu.memory_space<hbm>>) target(%dma_start3A_422 : memref<80x16xf32, #tpu.memory_space<vmem>>) offsets(%dma_start3A_425 : memref<80xi32, #tpu.memory_space<vmem>>) semaphore(%dma_start3A_430 : memref<!tpu.dma_semaphore, #tpu.memory_space<semaphore_mem>>)
          %eq3A_431 = arith.constant 0 : i32
          %eq3A_432 = arith.cmpi eq, %arg0, %eq3A_431 : i32
          %convert_element_type3A_433 = arith.extui %eq3A_432 : i1 to i32
          %cond3A_434 = arith.constant 0 : i32
          %cond3A_435 = arith.cmpi ne, %convert_element_type3A_433, %cond3A_434 : i32
          scf.if %cond3A_435 {
            %dma_start3A_441 = arith.constant 0 : i32
            %dma_start3A_442 = arith.constant 0 : i32
            %dma_start3A_443 = arith.constant 0 : i32
            %dma_start3A_444 = arith.constant 0 : i32
            %dma_start3A_445 = arith.constant 0 : i32
            %dma_start3A_446 = tpu.memref_slice %arg16[%dma_start3A_442, %dma_start3A_444, %dma_start3A_445] : memref<2x80x80xf32, #tpu.memory_space<vmem>> -> memref<1x80x80xf32, #tpu.memory_space<vmem>>
            %dma_start3A_447 = tpu.memref_squeeze %dma_start3A_446 : memref<1x80x80xf32, #tpu.memory_space<vmem>> -> memref<80x80xf32, #tpu.memory_space<vmem>>
            %dma_start3A_448 = arith.constant 0 : i32
            %dma_start3A_449 = tpu.memref_slice %arg11[%dma_start3A_441, %dma_start3A_448] : memref<2x80xi32, #tpu.memory_space<vmem>> -> memref<1x80xi32, #tpu.memory_space<vmem>>
            %dma_start3A_450 = tpu.memref_squeeze %dma_start3A_449 : memref<1x80xi32, #tpu.memory_space<vmem>> -> memref<80xi32, #tpu.memory_space<vmem>>
            %dma_start3A_451 = arith.constant 0 : i32
            %dma_start3A_452 = arith.constant 0 : i32
            %dma_start3A_453 = tpu.memref_slice %arg5[%dma_start3A_451, %dma_start3A_452] : memref<10000x80xf32, #tpu.memory_space<hbm>> -> memref<10000x80xf32, #tpu.memory_space<hbm>>
            %dma_start3A_454 = tpu.memref_slice %arg19[%dma_start3A_443] : memref<2x!tpu.dma_semaphore, #tpu.memory_space<semaphore_mem>> -> memref<1x!tpu.dma_semaphore, #tpu.memory_space<semaphore_mem>>
            %dma_start3A_455 = tpu.memref_squeeze %dma_start3A_454 : memref<1x!tpu.dma_semaphore, #tpu.memory_space<semaphore_mem>> -> memref<!tpu.dma_semaphore, #tpu.memory_space<semaphore_mem>>
            tpu.enqueue_indirect_dma source(%dma_start3A_453 : memref<10000x80xf32, #tpu.memory_space<hbm>>) target(%dma_start3A_447 : memref<80x80xf32, #tpu.memory_space<vmem>>) offsets(%dma_start3A_450 : memref<80xi32, #tpu.memory_space<vmem>>) semaphore(%dma_start3A_455 : memref<!tpu.dma_semaphore, #tpu.memory_space<semaphore_mem>>)
          } else {
          }
          %eq3A_436 = arith.constant 1 : i32
          %eq3A_437 = arith.cmpi eq, %arg0, %eq3A_436 : i32
          %convert_element_type3A_438 = arith.extui %eq3A_437 : i1 to i32
          %cond3A_439 = arith.constant 0 : i32
          %cond3A_440 = arith.cmpi ne, %convert_element_type3A_438, %cond3A_439 : i32
          scf.if %cond3A_440 {
            %dma_start3A_441 = arith.constant 0 : i32
            %dma_start3A_442 = arith.constant 0 : i32
            %dma_start3A_443 = arith.constant 0 : i32
            %dma_start3A_444 = arith.constant 0 : i32
            %dma_start3A_445 = arith.constant 0 : i32
            %dma_start3A_446 = tpu.memref_slice %arg16[%dma_start3A_442, %dma_start3A_444, %dma_start3A_445] : memref<2x80x80xf32, #tpu.memory_space<vmem>> -> memref<1x80x80xf32, #tpu.memory_space<vmem>>
            %dma_start3A_447 = tpu.memref_squeeze %dma_start3A_446 : memref<1x80x80xf32, #tpu.memory_space<vmem>> -> memref<80x80xf32, #tpu.memory_space<vmem>>
            %dma_start3A_448 = arith.constant 0 : i32
            %dma_start3A_449 = tpu.memref_slice %arg11[%dma_start3A_441, %dma_start3A_448] : memref<2x80xi32, #tpu.memory_space<vmem>> -> memref<1x80xi32, #tpu.memory_space<vmem>>
            %dma_start3A_450 = tpu.memref_squeeze %dma_start3A_449 : memref<1x80xi32, #tpu.memory_space<vmem>> -> memref<80xi32, #tpu.memory_space<vmem>>
            %dma_start3A_451 = arith.constant 0 : i32
            %dma_start3A_452 = arith.constant 0 : i32
            %dma_start3A_453 = tpu.memref_slice %arg6[%dma_start3A_451, %dma_start3A_452] : memref<10000x80xf32, #tpu.memory_space<hbm>> -> memref<10000x80xf32, #tpu.memory_space<hbm>>
            %dma_start3A_454 = tpu.memref_slice %arg19[%dma_start3A_443] : memref<2x!tpu.dma_semaphore, #tpu.memory_space<semaphore_mem>> -> memref<1x!tpu.dma_semaphore, #tpu.memory_space<semaphore_mem>>
            %dma_start3A_455 = tpu.memref_squeeze %dma_start3A_454 : memref<1x!tpu.dma_semaphore, #tpu.memory_space<semaphore_mem>> -> memref<!tpu.dma_semaphore, #tpu.memory_space<semaphore_mem>>
            tpu.enqueue_indirect_dma source(%dma_start3A_453 : memref<10000x80xf32, #tpu.memory_space<hbm>>) target(%dma_start3A_447 : memref<80x80xf32, #tpu.memory_space<vmem>>) offsets(%dma_start3A_450 : memref<80xi32, #tpu.memory_space<vmem>>) semaphore(%dma_start3A_455 : memref<!tpu.dma_semaphore, #tpu.memory_space<semaphore_mem>>)
          } else {
          }
        } else {
        }
        %ge3A = arith.constant 2 : i32
        %ge3A_257 = arith.cmpi sge, %scan3A_214, %ge3A : i32
        %convert_element_type3A_258 = arith.extui %ge3A_257 : i1 to i32
        %cond3A_259 = arith.constant 0 : i32
        %cond3A_260 = arith.cmpi ne, %convert_element_type3A_258, %cond3A_259 : i32
        scf.if %cond3A_260 {
          %dma_wait3A_370 = arith.constant 1 : i32
          %dma_wait3A_371 = arith.constant 1 : i32
          %dma_wait3A_372 = arith.constant 1 : i32
          %dma_wait3A_373 = arith.constant 0 : i32
          %dma_wait3A_374 = arith.constant 0 : i32
          %dma_wait3A_375 = tpu.memref_slice %arg17[%dma_wait3A_370, %dma_wait3A_373, %dma_wait3A_374] : memref<2x80x112xf32, #tpu.memory_space<vmem>> -> memref<1x80x112xf32, #tpu.memory_space<vmem>>
          %dma_wait3A_376 = tpu.memref_squeeze %dma_wait3A_375 : memref<1x80x112xf32, #tpu.memory_space<vmem>> -> memref<80x112xf32, #tpu.memory_space<vmem>>
          %dma_wait3A_377 = arith.constant 0 : i32
          %dma_wait3A_378 = tpu.memref_slice %arg13[%dma_wait3A_371, %dma_wait3A_377] : memref<2x80xi32, #tpu.memory_space<vmem>> -> memref<1x80xi32, #tpu.memory_space<vmem>>
          %dma_wait3A_379 = tpu.memref_squeeze %dma_wait3A_378 : memref<1x80xi32, #tpu.memory_space<vmem>> -> memref<80xi32, #tpu.memory_space<vmem>>
          %dma_wait3A_380 = arith.constant 0 : i32
          %dma_wait3A_381 = arith.constant 0 : i32
          %dma_wait3A_382 = tpu.memref_slice %arg10[%dma_wait3A_380, %dma_wait3A_381] : memref<10000x112xf32, #tpu.memory_space<vmem_shared>> -> memref<10000x112xf32, #tpu.memory_space<vmem_shared>>
          %dma_wait3A_383 = tpu.memref_slice %arg20[%dma_wait3A_372] : memref<2x!tpu.dma_semaphore, #tpu.memory_space<semaphore_mem>> -> memref<1x!tpu.dma_semaphore, #tpu.memory_space<semaphore_mem>>
          %dma_wait3A_384 = tpu.memref_squeeze %dma_wait3A_383 : memref<1x!tpu.dma_semaphore, #tpu.memory_space<semaphore_mem>> -> memref<!tpu.dma_semaphore, #tpu.memory_space<semaphore_mem>>
          tpu.wait_indirect_dma semaphore(%dma_wait3A_384 : memref<!tpu.dma_semaphore, #tpu.memory_space<semaphore_mem>>) src(%dma_wait3A_376 : memref<80x112xf32, #tpu.memory_space<vmem>>) dst(%dma_wait3A_382 : memref<10000x112xf32, #tpu.memory_space<vmem_shared>>)
        } else {
        }
        %dma_wait3A_261 = arith.constant 1 : i32
        %dma_wait3A_262 = arith.constant 1 : i32
        %dma_wait3A_263 = arith.constant 1 : i32
        %dma_wait3A_264 = arith.constant 0 : i32
        %dma_wait3A_265 = arith.constant 0 : i32
        %dma_wait3A_266 = tpu.memref_slice %arg15[%dma_wait3A_262, %dma_wait3A_264, %dma_wait3A_265] : memref<2x80x16xf32, #tpu.memory_space<vmem>> -> memref<1x80x16xf32, #tpu.memory_space<vmem>>
        %dma_wait3A_267 = tpu.memref_squeeze %dma_wait3A_266 : memref<1x80x16xf32, #tpu.memory_space<vmem>> -> memref<80x16xf32, #tpu.memory_space<vmem>>
        %dma_wait3A_268 = arith.constant 0 : i32
        %dma_wait3A_269 = tpu.memref_slice %arg12[%dma_wait3A_261, %dma_wait3A_268] : memref<2x80xi32, #tpu.memory_space<vmem>> -> memref<1x80xi32, #tpu.memory_space<vmem>>
        %dma_wait3A_270 = tpu.memref_squeeze %dma_wait3A_269 : memref<1x80xi32, #tpu.memory_space<vmem>> -> memref<80xi32, #tpu.memory_space<vmem>>
        %dma_wait3A_271 = arith.constant 0 : i32
        %dma_wait3A_272 = arith.constant 0 : i32
        %dma_wait3A_273 = tpu.memref_slice %arg7[%dma_wait3A_271, %dma_wait3A_272] : memref<10000x16xf32, #tpu.memory_space<hbm>> -> memref<10000x16xf32, #tpu.memory_space<hbm>>
        %dma_wait3A_274 = tpu.memref_slice %arg19[%dma_wait3A_263] : memref<2x!tpu.dma_semaphore, #tpu.memory_space<semaphore_mem>> -> memref<1x!tpu.dma_semaphore, #tpu.memory_space<semaphore_mem>>
        %dma_wait3A_275 = tpu.memref_squeeze %dma_wait3A_274 : memref<1x!tpu.dma_semaphore, #tpu.memory_space<semaphore_mem>> -> memref<!tpu.dma_semaphore, #tpu.memory_space<semaphore_mem>>
        tpu.wait_indirect_dma semaphore(%dma_wait3A_275 : memref<!tpu.dma_semaphore, #tpu.memory_space<semaphore_mem>>) src(%dma_wait3A_273 : memref<10000x16xf32, #tpu.memory_space<hbm>>) dst(%dma_wait3A_267 : memref<80x16xf32, #tpu.memory_space<vmem>>)
        %dma_wait3A_276 = arith.constant 1 : i32
        %dma_wait3A_277 = arith.constant 1 : i32
        %dma_wait3A_278 = arith.constant 1 : i32
        %dma_wait3A_279 = arith.constant 0 : i32
        %dma_wait3A_280 = arith.constant 0 : i32
        %dma_wait3A_281 = tpu.memref_slice %arg16[%dma_wait3A_277, %dma_wait3A_279, %dma_wait3A_280] : memref<2x80x80xf32, #tpu.memory_space<vmem>> -> memref<1x80x80xf32, #tpu.memory_space<vmem>>
        %dma_wait3A_282 = tpu.memref_squeeze %dma_wait3A_281 : memref<1x80x80xf32, #tpu.memory_space<vmem>> -> memref<80x80xf32, #tpu.memory_space<vmem>>
        %dma_wait3A_283 = arith.constant 0 : i32
        %dma_wait3A_284 = tpu.memref_slice %arg11[%dma_wait3A_276, %dma_wait3A_283] : memref<2x80xi32, #tpu.memory_space<vmem>> -> memref<1x80xi32, #tpu.memory_space<vmem>>
        %dma_wait3A_285 = tpu.memref_squeeze %dma_wait3A_284 : memref<1x80xi32, #tpu.memory_space<vmem>> -> memref<80xi32, #tpu.memory_space<vmem>>
        %dma_wait3A_286 = arith.constant 0 : i32
        %dma_wait3A_287 = arith.constant 0 : i32
        %dma_wait3A_288 = tpu.memref_slice %arg5[%dma_wait3A_286, %dma_wait3A_287] : memref<10000x80xf32, #tpu.memory_space<hbm>> -> memref<10000x80xf32, #tpu.memory_space<hbm>>
        %dma_wait3A_289 = tpu.memref_slice %arg19[%dma_wait3A_278] : memref<2x!tpu.dma_semaphore, #tpu.memory_space<semaphore_mem>> -> memref<1x!tpu.dma_semaphore, #tpu.memory_space<semaphore_mem>>
        %dma_wait3A_290 = tpu.memref_squeeze %dma_wait3A_289 : memref<1x!tpu.dma_semaphore, #tpu.memory_space<semaphore_mem>> -> memref<!tpu.dma_semaphore, #tpu.memory_space<semaphore_mem>>
        tpu.wait_indirect_dma semaphore(%dma_wait3A_290 : memref<!tpu.dma_semaphore, #tpu.memory_space<semaphore_mem>>) src(%dma_wait3A_288 : memref<10000x80xf32, #tpu.memory_space<hbm>>) dst(%dma_wait3A_282 : memref<80x80xf32, #tpu.memory_space<vmem>>)
        %get3A = arith.constant 1 : i32
        %get3A_291 = arith.index_cast %get3A : i32 to index
        %get3A_292 = arith.constant 0 : index
        %get3A_293 = tpu.vector_load %arg12[%get3A_291, %get3A_292] {strides = array<i32>} : memref<2x80xi32, #tpu.memory_space<vmem>>, vector<1x16xi32>,
        %get3A_294 = vector.shape_cast %get3A_293 : vector<1x16xi32> to vector<16xi32>
        %swap3A = arith.constant 1 : i32
        %swap3A_295 = arith.index_cast %swap3A : i32 to index
        %swap3A_296 = arith.constant 0 : index
        %swap3A_297 = tpu.vector_load %arg13[%swap3A_295, %swap3A_296] {strides = array<i32>} : memref<2x80xi32, #tpu.memory_space<vmem>>, vector<1x16xi32>,
        %swap3A_298 = vector.shape_cast %swap3A_297 : vector<1x16xi32> to vector<16xi32>
        %swap3A_299 = vector.shape_cast %get3A_294 : vector<16xi32> to vector<1x16xi32>
        tpu.vector_store %arg13[%swap3A_295, %swap3A_296], %swap3A_299 {strides = array<i32>} : memref<2x80xi32, #tpu.memory_space<vmem>>, vector<1x16xi32>,
        %get3A_300 = arith.constant 1 : i32
        %get3A_301 = arith.index_cast %get3A_300 : i32 to index
        %get3A_302 = arith.constant 16 : index
        %get3A_303 = tpu.vector_load %arg12[%get3A_301, %get3A_302] {strides = array<i32>} : memref<2x80xi32, #tpu.memory_space<vmem>>, vector<1x16xi32>,
        %get3A_304 = vector.shape_cast %get3A_303 : vector<1x16xi32> to vector<16xi32>
        %swap3A_305 = arith.constant 1 : i32
        %swap3A_306 = arith.index_cast %swap3A_305 : i32 to index
        %swap3A_307 = arith.constant 16 : index
        %swap3A_308 = tpu.vector_load %arg13[%swap3A_306, %swap3A_307] {strides = array<i32>} : memref<2x80xi32, #tpu.memory_space<vmem>>, vector<1x16xi32>,
        %swap3A_309 = vector.shape_cast %swap3A_308 : vector<1x16xi32> to vector<16xi32>
        %swap3A_310 = vector.shape_cast %get3A_304 : vector<16xi32> to vector<1x16xi32>
        tpu.vector_store %arg13[%swap3A_306, %swap3A_307], %swap3A_310 {strides = array<i32>} : memref<2x80xi32, #tpu.memory_space<vmem>>, vector<1x16xi32>,
        %get3A_311 = arith.constant 1 : i32
        %get3A_312 = arith.index_cast %get3A_311 : i32 to index
        %get3A_313 = arith.constant 32 : index
        %get3A_314 = tpu.vector_load %arg12[%get3A_312, %get3A_313] {strides = array<i32>} : memref<2x80xi32, #tpu.memory_space<vmem>>, vector<1x16xi32>,
        %get3A_315 = vector.shape_cast %get3A_314 : vector<1x16xi32> to vector<16xi32>
        %swap3A_316 = arith.constant 1 : i32
        %swap3A_317 = arith.index_cast %swap3A_316 : i32 to index
        %swap3A_318 = arith.constant 32 : index
        %swap3A_319 = tpu.vector_load %arg13[%swap3A_317, %swap3A_318] {strides = array<i32>} : memref<2x80xi32, #tpu.memory_space<vmem>>, vector<1x16xi32>,
        %swap3A_320 = vector.shape_cast %swap3A_319 : vector<1x16xi32> to vector<16xi32>
        %swap3A_321 = vector.shape_cast %get3A_315 : vector<16xi32> to vector<1x16xi32>
        tpu.vector_store %arg13[%swap3A_317, %swap3A_318], %swap3A_321 {strides = array<i32>} : memref<2x80xi32, #tpu.memory_space<vmem>>, vector<1x16xi32>,
        %get3A_322 = arith.constant 1 : i32
        %get3A_323 = arith.index_cast %get3A_322 : i32 to index
        %get3A_324 = arith.constant 48 : index
        %get3A_325 = tpu.vector_load %arg12[%get3A_323, %get3A_324] {strides = array<i32>} : memref<2x80xi32, #tpu.memory_space<vmem>>, vector<1x16xi32>,
        %get3A_326 = vector.shape_cast %get3A_325 : vector<1x16xi32> to vector<16xi32>
        %swap3A_327 = arith.constant 1 : i32
        %swap3A_328 = arith.index_cast %swap3A_327 : i32 to index
        %swap3A_329 = arith.constant 48 : index
        %swap3A_330 = tpu.vector_load %arg13[%swap3A_328, %swap3A_329] {strides = array<i32>} : memref<2x80xi32, #tpu.memory_space<vmem>>, vector<1x16xi32>,
        %swap3A_331 = vector.shape_cast %swap3A_330 : vector<1x16xi32> to vector<16xi32>
        %swap3A_332 = vector.shape_cast %get3A_326 : vector<16xi32> to vector<1x16xi32>
        tpu.vector_store %arg13[%swap3A_328, %swap3A_329], %swap3A_332 {strides = array<i32>} : memref<2x80xi32, #tpu.memory_space<vmem>>, vector<1x16xi32>,
        %get3A_333 = arith.constant 1 : i32
        %get3A_334 = arith.index_cast %get3A_333 : i32 to index
        %get3A_335 = arith.constant 64 : index
        %get3A_336 = tpu.vector_load %arg12[%get3A_334, %get3A_335] {strides = array<i32>} : memref<2x80xi32, #tpu.memory_space<vmem>>, vector<1x16xi32>,
        %get3A_337 = vector.shape_cast %get3A_336 : vector<1x16xi32> to vector<16xi32>
        %swap3A_338 = arith.constant 1 : i32
        %swap3A_339 = arith.index_cast %swap3A_338 : i32 to index
        %swap3A_340 = arith.constant 64 : index
        %swap3A_341 = tpu.vector_load %arg13[%swap3A_339, %swap3A_340] {strides = array<i32>} : memref<2x80xi32, #tpu.memory_space<vmem>>, vector<1x16xi32>,
        %swap3A_342 = vector.shape_cast %swap3A_341 : vector<1x16xi32> to vector<16xi32>
        %swap3A_343 = vector.shape_cast %get3A_337 : vector<16xi32> to vector<1x16xi32>
        tpu.vector_store %arg13[%swap3A_339, %swap3A_340], %swap3A_343 {strides = array<i32>} : memref<2x80xi32, #tpu.memory_space<vmem>>, vector<1x16xi32>,
        %scan3A_344 = arith.constant 0 : i32
        %scan3A_345 = arith.constant 0 : i32
        %scan3A_346 = arith.constant 20 : i32
        %scan3A_347 = arith.addi %scan3A_345, %scan3A_346 : i32
        %scan3A_348 = arith.constant 1 : i32
        scf.for %scan3A_370 = %scan3A_345 to %scan3A_347 step %scan3A_348  : i32 {
          %mul3A_371 = arith.constant 4 : i32
          %mul3A_372 = arith.muli %scan3A_370, %mul3A_371 : i32
          %add3A_373 = arith.constant 0 : i32
          %add3A_374 = arith.addi %mul3A_372, %add3A_373 : i32
          %get3A_375 = arith.constant 1 : i32
          %get3A_376 = arith.index_cast %get3A_375 : i32 to index
          %get3A_377 = arith.index_cast %add3A_374 : i32 to index
          %get3A_378 = arith.constant 64 : index
          %get3A_379 = tpu.vector_load %arg16[%get3A_376, %get3A_377, %get3A_378] {strides = array<i32>} : memref<2x80x80xf32, #tpu.memory_space<vmem>>, vector<1x1x16xf32>,
          %get3A_380 = vector.shape_cast %get3A_379 : vector<1x1x16xf32> to vector<16xf32>
          %get3A_381 = arith.constant 1 : i32
          %get3A_382 = arith.index_cast %get3A_381 : i32 to index
          %get3A_383 = arith.index_cast %add3A_374 : i32 to index
          %get3A_384 = arith.constant 0 : index
          %get3A_385 = tpu.vector_load %arg15[%get3A_382, %get3A_383, %get3A_384] {strides = array<i32>} : memref<2x80x16xf32, #tpu.memory_space<vmem>>, vector<1x1x16xf32>,
          %get3A_386 = vector.shape_cast %get3A_385 : vector<1x1x16xf32> to vector<16xf32>
          %add3A_387 = arith.addf %get3A_380, %get3A_386 : vector<16xf32>
          %get3A_388 = arith.constant 1 : i32
          %get3A_389 = arith.index_cast %get3A_388 : i32 to index
          %get3A_390 = arith.index_cast %add3A_374 : i32 to index
          %get3A_391 = arith.constant 0 : index
          %get3A_392 = tpu.vector_load %arg14[%get3A_389, %get3A_390, %get3A_391] {strides = array<i32>} : memref<2x80x32xf32, #tpu.memory_space<vmem>>, vector<1x1x16xf32>,
          %get3A_393 = vector.shape_cast %get3A_392 : vector<1x1x16xf32> to vector<16xf32>
          %add3A_394 = arith.addf %add3A_387, %get3A_393 : vector<16xf32>
          %mul3A_395 = arith.constant 2.000000e-01 : f32
          %mul3A_396 = vector.broadcast %mul3A_395 : f32 to vector<16xf32>
          %mul3A_397 = arith.mulf %add3A_394, %mul3A_396 : vector<16xf32>
          %max3A = arith.maximumf %add3A_394, %mul3A_397 : vector<16xf32>
          %exp3A = math.exp %max3A : vector<16xf32>
          %jit3A_398 = arith.constant 0.000000e+00 : f32
          %broadcast_in_dim3A = vector.broadcast %jit3A_398 : f32 to vector<16xf32>
          %select_n3A_399 = arith.select %lt3A_1, %exp3A, %broadcast_in_dim3A : vector<16xi1>, vector<16xf32>
          %jit3A_400 = arith.constant 0.000000e+00 : f32
          %broadcast_in_dim3A_401 = vector.broadcast %jit3A_400 : f32 to vector<16xf32>
          %select_n3A_402 = arith.select %and3A, %select_n3A_399, %broadcast_in_dim3A_401 : vector<16xi1>, vector<16xf32>
          %swap3A_403 = arith.constant 1 : i32
          %swap3A_404 = arith.index_cast %swap3A_403 : i32 to index
          %swap3A_405 = arith.index_cast %add3A_374 : i32 to index
          %swap3A_406 = arith.constant 96 : index
          %swap3A_407 = tpu.vector_load %arg17[%swap3A_404, %swap3A_405, %swap3A_406] {strides = array<i32>} : memref<2x80x112xf32, #tpu.memory_space<vmem>>, vector<1x1x16xf32>,
          %swap3A_408 = vector.shape_cast %swap3A_407 : vector<1x1x16xf32> to vector<16xf32>
          %swap3A_409 = vector.shape_cast %select_n3A_402 : vector<16xf32> to vector<1x1x16xf32>
          tpu.vector_store %arg17[%swap3A_404, %swap3A_405, %swap3A_406], %swap3A_409 {strides = array<i32>} : memref<2x80x112xf32, #tpu.memory_space<vmem>>, vector<1x1x16xf32>,
          %get3A_410 = arith.constant 1 : i32
          %get3A_411 = arith.index_cast %get3A_410 : i32 to index
          %get3A_412 = arith.index_cast %add3A_374 : i32 to index
          %get3A_413 = arith.constant 16 : index
          %get3A_414 = tpu.vector_load %arg14[%get3A_411, %get3A_412, %get3A_413] {strides = array<i32>} : memref<2x80x32xf32, #tpu.memory_space<vmem>>, vector<1x1x16xf32>,
          %get3A_415 = vector.shape_cast %get3A_414 : vector<1x1x16xf32> to vector<16xf32>
          %broadcast_in_dim3A_416 = arith.constant 0 : i32
          %broadcast_in_dim3A_417 = vector.broadcast %broadcast_in_dim3A_416 : i32 to vector<16xi32>
          %mul3A_418 = arith.constant 2 : i32
          %mul3A_419 = arith.muli %arg0, %mul3A_418 : i32
          %add3A_420 = vector.broadcast %mul3A_419 : i32 to vector<16xi32>
          %add3A_421 = arith.addi %broadcast_in_dim3A_417, %add3A_420 : vector<16xi32>
          %lt3A_422 = arith.constant 0 : i32
          %lt3A_423 = vector.broadcast %lt3A_422 : i32 to vector<16xi32>
          %lt3A_424 = arith.cmpi slt, %add3A_421, %lt3A_423 : vector<16xi32>
          %add3A_425 = arith.constant 16 : i32
          %add3A_426 = vector.broadcast %add3A_425 : i32 to vector<16xi32>
          %add3A_427 = arith.addi %add3A_421, %add3A_426 : vector<16xi32>
          %select_n3A_428 = arith.select %lt3A_424, %add3A_427, %add3A_421 : vector<16xi1>, vector<16xi32>
          %broadcast_in_dim3A_429 = vector.shape_cast %select_n3A_428 : vector<16xi32> to vector<16x1xi32>
          %gather3A = vector.shape_cast %broadcast_in_dim3A_429 : vector<16x1xi32> to vector<16xi32>
          %gather3A_430 = tpu.dynamic_gather %select_n3A_399[%gather3A] in [0] : vector<16xf32>, vector<16xi32> -> vector<16xf32>
          %mul3A_431 = arith.mulf %get3A_415, %gather3A_430 : vector<16xf32>
          %swap3A_432 = arith.constant 1 : i32
          %swap3A_433 = arith.index_cast %swap3A_432 : i32 to index
          %swap3A_434 = arith.index_cast %add3A_374 : i32 to index
          %swap3A_435 = arith.constant 64 : index
          %swap3A_436 = tpu.vector_load %arg17[%swap3A_433, %swap3A_434, %swap3A_435] {strides = array<i32>} : memref<2x80x112xf32, #tpu.memory_space<vmem>>, vector<1x1x16xf32>,
          %swap3A_437 = vector.shape_cast %swap3A_436 : vector<1x1x16xf32> to vector<16xf32>
          %swap3A_438 = vector.shape_cast %mul3A_431 : vector<16xf32> to vector<1x1x16xf32>
          tpu.vector_store %arg17[%swap3A_433, %swap3A_434, %swap3A_435], %swap3A_438 {strides = array<i32>} : memref<2x80x112xf32, #tpu.memory_space<vmem>>, vector<1x1x16xf32>,
          %get3A_439 = arith.constant 1 : i32
          %get3A_440 = arith.index_cast %get3A_439 : i32 to index
          %get3A_441 = arith.index_cast %add3A_374 : i32 to index
          %get3A_442 = arith.constant 0 : index
          %get3A_443 = tpu.vector_load %arg16[%get3A_440, %get3A_441, %get3A_442] {strides = array<i32>} : memref<2x80x80xf32, #tpu.memory_space<vmem>>, vector<1x1x16xf32>,
          %get3A_444 = vector.shape_cast %get3A_443 : vector<1x1x16xf32> to vector<16xf32>
          %mul3A_445 = arith.mulf %get3A_444, %gather3A_430 : vector<16xf32>
          %swap3A_446 = arith.constant 1 : i32
          %swap3A_447 = arith.index_cast %swap3A_446 : i32 to index
          %swap3A_448 = arith.index_cast %add3A_374 : i32 to index
          %swap3A_449 = arith.constant 0 : index
          %swap3A_450 = tpu.vector_load %arg17[%swap3A_447, %swap3A_448, %swap3A_449] {strides = array<i32>} : memref<2x80x112xf32, #tpu.memory_space<vmem>>, vector<1x1x16xf32>,
          %swap3A_451 = vector.shape_cast %swap3A_450 : vector<1x1x16xf32> to vector<16xf32>
          %swap3A_452 = vector.shape_cast %mul3A_445 : vector<16xf32> to vector<1x1x16xf32>
          tpu.vector_store %arg17[%swap3A_447, %swap3A_448, %swap3A_449], %swap3A_452 {strides = array<i32>} : memref<2x80x112xf32, #tpu.memory_space<vmem>>, vector<1x1x16xf32>,
          %get3A_453 = arith.constant 1 : i32
          %get3A_454 = arith.index_cast %get3A_453 : i32 to index
          %get3A_455 = arith.index_cast %add3A_374 : i32 to index
          %get3A_456 = arith.constant 16 : index
          %get3A_457 = tpu.vector_load %arg16[%get3A_454, %get3A_455, %get3A_456] {strides = array<i32>} : memref<2x80x80xf32, #tpu.memory_space<vmem>>, vector<1x1x16xf32>,
          %get3A_458 = vector.shape_cast %get3A_457 : vector<1x1x16xf32> to vector<16xf32>
          %mul3A_459 = arith.mulf %get3A_458, %gather3A_430 : vector<16xf32>
          %swap3A_460 = arith.constant 1 : i32
          %swap3A_461 = arith.index_cast %swap3A_460 : i32 to index
          %swap3A_462 = arith.index_cast %add3A_374 : i32 to index
          %swap3A_463 = arith.constant 16 : index
          %swap3A_464 = tpu.vector_load %arg17[%swap3A_461, %swap3A_462, %swap3A_463] {strides = array<i32>} : memref<2x80x112xf32, #tpu.memory_space<vmem>>, vector<1x1x16xf32>,
          %swap3A_465 = vector.shape_cast %swap3A_464 : vector<1x1x16xf32> to vector<16xf32>
          %swap3A_466 = vector.shape_cast %mul3A_459 : vector<16xf32> to vector<1x1x16xf32>
          tpu.vector_store %arg17[%swap3A_461, %swap3A_462, %swap3A_463], %swap3A_466 {strides = array<i32>} : memref<2x80x112xf32, #tpu.memory_space<vmem>>, vector<1x1x16xf32>,
          %broadcast_in_dim3A_467 = arith.constant 1 : i32
          %broadcast_in_dim3A_468 = vector.broadcast %broadcast_in_dim3A_467 : i32 to vector<16xi32>
          %mul3A_469 = arith.constant 2 : i32
          %mul3A_470 = arith.muli %arg0, %mul3A_469 : i32
          %add3A_471 = vector.broadcast %mul3A_470 : i32 to vector<16xi32>
          %add3A_472 = arith.addi %broadcast_in_dim3A_468, %add3A_471 : vector<16xi32>
          %lt3A_473 = arith.constant 0 : i32
          %lt3A_474 = vector.broadcast %lt3A_473 : i32 to vector<16xi32>
          %lt3A_475 = arith.cmpi slt, %add3A_472, %lt3A_474 : vector<16xi32>
          %add3A_476 = arith.constant 16 : i32
          %add3A_477 = vector.broadcast %add3A_476 : i32 to vector<16xi32>
          %add3A_478 = arith.addi %add3A_472, %add3A_477 : vector<16xi32>
          %select_n3A_479 = arith.select %lt3A_475, %add3A_478, %add3A_472 : vector<16xi1>, vector<16xi32>
          %broadcast_in_dim3A_480 = vector.shape_cast %select_n3A_479 : vector<16xi32> to vector<16x1xi32>
          %gather3A_481 = vector.shape_cast %broadcast_in_dim3A_480 : vector<16x1xi32> to vector<16xi32>
          %gather3A_482 = tpu.dynamic_gather %select_n3A_399[%gather3A_481] in [0] : vector<16xf32>, vector<16xi32> -> vector<16xf32>
          %mul3A_483 = arith.mulf %get3A_415, %gather3A_482 : vector<16xf32>
          %swap3A_484 = arith.constant 1 : i32
          %swap3A_485 = arith.index_cast %swap3A_484 : i32 to index
          %swap3A_486 = arith.index_cast %add3A_374 : i32 to index
          %swap3A_487 = arith.constant 80 : index
          %swap3A_488 = tpu.vector_load %arg17[%swap3A_485, %swap3A_486, %swap3A_487] {strides = array<i32>} : memref<2x80x112xf32, #tpu.memory_space<vmem>>, vector<1x1x16xf32>,
          %swap3A_489 = vector.shape_cast %swap3A_488 : vector<1x1x16xf32> to vector<16xf32>
          %swap3A_490 = vector.shape_cast %mul3A_483 : vector<16xf32> to vector<1x1x16xf32>
          tpu.vector_store %arg17[%swap3A_485, %swap3A_486, %swap3A_487], %swap3A_490 {strides = array<i32>} : memref<2x80x112xf32, #tpu.memory_space<vmem>>, vector<1x1x16xf32>,
          %get3A_491 = arith.constant 1 : i32
          %get3A_492 = arith.index_cast %get3A_491 : i32 to index
          %get3A_493 = arith.index_cast %add3A_374 : i32 to index
          %get3A_494 = arith.constant 32 : index
          %get3A_495 = tpu.vector_load %arg16[%get3A_492, %get3A_493, %get3A_494] {strides = array<i32>} : memref<2x80x80xf32, #tpu.memory_space<vmem>>, vector<1x1x16xf32>,
          %get3A_496 = vector.shape_cast %get3A_495 : vector<1x1x16xf32> to vector<16xf32>
          %mul3A_497 = arith.mulf %get3A_496, %gather3A_482 : vector<16xf32>
          %swap3A_498 = arith.constant 1 : i32
          %swap3A_499 = arith.index_cast %swap3A_498 : i32 to index
          %swap3A_500 = arith.index_cast %add3A_374 : i32 to index
          %swap3A_501 = arith.constant 32 : index
          %swap3A_502 = tpu.vector_load %arg17[%swap3A_499, %swap3A_500, %swap3A_501] {strides = array<i32>} : memref<2x80x112xf32, #tpu.memory_space<vmem>>, vector<1x1x16xf32>,
          %swap3A_503 = vector.shape_cast %swap3A_502 : vector<1x1x16xf32> to vector<16xf32>
          %swap3A_504 = vector.shape_cast %mul3A_497 : vector<16xf32> to vector<1x1x16xf32>
          tpu.vector_store %arg17[%swap3A_499, %swap3A_500, %swap3A_501], %swap3A_504 {strides = array<i32>} : memref<2x80x112xf32, #tpu.memory_space<vmem>>, vector<1x1x16xf32>,
          %get3A_505 = arith.constant 1 : i32
          %get3A_506 = arith.index_cast %get3A_505 : i32 to index
          %get3A_507 = arith.index_cast %add3A_374 : i32 to index
          %get3A_508 = arith.constant 48 : index
          %get3A_509 = tpu.vector_load %arg16[%get3A_506, %get3A_507, %get3A_508] {strides = array<i32>} : memref<2x80x80xf32, #tpu.memory_space<vmem>>, vector<1x1x16xf32>,
          %get3A_510 = vector.shape_cast %get3A_509 : vector<1x1x16xf32> to vector<16xf32>
          %mul3A_511 = arith.mulf %get3A_510, %gather3A_482 : vector<16xf32>
          %swap3A_512 = arith.constant 1 : i32
          %swap3A_513 = arith.index_cast %swap3A_512 : i32 to index
          %swap3A_514 = arith.index_cast %add3A_374 : i32 to index
          %swap3A_515 = arith.constant 48 : index
          %swap3A_516 = tpu.vector_load %arg17[%swap3A_513, %swap3A_514, %swap3A_515] {strides = array<i32>} : memref<2x80x112xf32, #tpu.memory_space<vmem>>, vector<1x1x16xf32>,
          %swap3A_517 = vector.shape_cast %swap3A_516 : vector<1x1x16xf32> to vector<16xf32>
          %swap3A_518 = vector.shape_cast %mul3A_511 : vector<16xf32> to vector<1x1x16xf32>
          tpu.vector_store %arg17[%swap3A_513, %swap3A_514, %swap3A_515], %swap3A_518 {strides = array<i32>} : memref<2x80x112xf32, #tpu.memory_space<vmem>>, vector<1x1x16xf32>,
          %mul3A_519 = arith.constant 4 : i32
          %mul3A_520 = arith.muli %scan3A_370, %mul3A_519 : i32
          %add3A_521 = arith.constant 1 : i32
          %add3A_522 = arith.addi %mul3A_520, %add3A_521 : i32
          %get3A_523 = arith.constant 1 : i32
          %get3A_524 = arith.index_cast %get3A_523 : i32 to index
          %get3A_525 = arith.index_cast %add3A_522 : i32 to index
          %get3A_526 = arith.constant 64 : index
          %get3A_527 = tpu.vector_load %arg16[%get3A_524, %get3A_525, %get3A_526] {strides = array<i32>} : memref<2x80x80xf32, #tpu.memory_space<vmem>>, vector<1x1x16xf32>,
          %get3A_528 = vector.shape_cast %get3A_527 : vector<1x1x16xf32> to vector<16xf32>
          %get3A_529 = arith.constant 1 : i32
          %get3A_530 = arith.index_cast %get3A_529 : i32 to index
          %get3A_531 = arith.index_cast %add3A_522 : i32 to index
          %get3A_532 = arith.constant 0 : index
          %get3A_533 = tpu.vector_load %arg15[%get3A_530, %get3A_531, %get3A_532] {strides = array<i32>} : memref<2x80x16xf32, #tpu.memory_space<vmem>>, vector<1x1x16xf32>,
          %get3A_534 = vector.shape_cast %get3A_533 : vector<1x1x16xf32> to vector<16xf32>
          %add3A_535 = arith.addf %get3A_528, %get3A_534 : vector<16xf32>
          %get3A_536 = arith.constant 1 : i32
          %get3A_537 = arith.index_cast %get3A_536 : i32 to index
          %get3A_538 = arith.index_cast %add3A_522 : i32 to index
          %get3A_539 = arith.constant 0 : index
          %get3A_540 = tpu.vector_load %arg14[%get3A_537, %get3A_538, %get3A_539] {strides = array<i32>} : memref<2x80x32xf32, #tpu.memory_space<vmem>>, vector<1x1x16xf32>,
          %get3A_541 = vector.shape_cast %get3A_540 : vector<1x1x16xf32> to vector<16xf32>
          %add3A_542 = arith.addf %add3A_535, %get3A_541 : vector<16xf32>
          %mul3A_543 = arith.constant 2.000000e-01 : f32
          %mul3A_544 = vector.broadcast %mul3A_543 : f32 to vector<16xf32>
          %mul3A_545 = arith.mulf %add3A_542, %mul3A_544 : vector<16xf32>
          %max3A_546 = arith.maximumf %add3A_542, %mul3A_545 : vector<16xf32>
          %exp3A_547 = math.exp %max3A_546 : vector<16xf32>
          %jit3A_548 = arith.constant 0.000000e+00 : f32
          %broadcast_in_dim3A_549 = vector.broadcast %jit3A_548 : f32 to vector<16xf32>
          %select_n3A_550 = arith.select %lt3A_1, %exp3A_547, %broadcast_in_dim3A_549 : vector<16xi1>, vector<16xf32>
          %jit3A_551 = arith.constant 0.000000e+00 : f32
          %broadcast_in_dim3A_552 = vector.broadcast %jit3A_551 : f32 to vector<16xf32>
          %select_n3A_553 = arith.select %and3A, %select_n3A_550, %broadcast_in_dim3A_552 : vector<16xi1>, vector<16xf32>
          %swap3A_554 = arith.constant 1 : i32
          %swap3A_555 = arith.index_cast %swap3A_554 : i32 to index
          %swap3A_556 = arith.index_cast %add3A_522 : i32 to index
          %swap3A_557 = arith.constant 96 : index
          %swap3A_558 = tpu.vector_load %arg17[%swap3A_555, %swap3A_556, %swap3A_557] {strides = array<i32>} : memref<2x80x112xf32, #tpu.memory_space<vmem>>, vector<1x1x16xf32>,
          %swap3A_559 = vector.shape_cast %swap3A_558 : vector<1x1x16xf32> to vector<16xf32>
          %swap3A_560 = vector.shape_cast %select_n3A_553 : vector<16xf32> to vector<1x1x16xf32>
          tpu.vector_store %arg17[%swap3A_555, %swap3A_556, %swap3A_557], %swap3A_560 {strides = array<i32>} : memref<2x80x112xf32, #tpu.memory_space<vmem>>, vector<1x1x16xf32>,
          %get3A_561 = arith.constant 1 : i32
          %get3A_562 = arith.index_cast %get3A_561 : i32 to index
          %get3A_563 = arith.index_cast %add3A_522 : i32 to index
          %get3A_564 = arith.constant 16 : index
          %get3A_565 = tpu.vector_load %arg14[%get3A_562, %get3A_563, %get3A_564] {strides = array<i32>} : memref<2x80x32xf32, #tpu.memory_space<vmem>>, vector<1x1x16xf32>,
          %get3A_566 = vector.shape_cast %get3A_565 : vector<1x1x16xf32> to vector<16xf32>
          %broadcast_in_dim3A_567 = arith.constant 0 : i32
          %broadcast_in_dim3A_568 = vector.broadcast %broadcast_in_dim3A_567 : i32 to vector<16xi32>
          %mul3A_569 = arith.constant 2 : i32
          %mul3A_570 = arith.muli %arg0, %mul3A_569 : i32
          %add3A_571 = vector.broadcast %mul3A_570 : i32 to vector<16xi32>
          %add3A_572 = arith.addi %broadcast_in_dim3A_568, %add3A_571 : vector<16xi32>
          %lt3A_573 = arith.constant 0 : i32
          %lt3A_574 = vector.broadcast %lt3A_573 : i32 to vector<16xi32>
          %lt3A_575 = arith.cmpi slt, %add3A_572, %lt3A_574 : vector<16xi32>
          %add3A_576 = arith.constant 16 : i32
          %add3A_577 = vector.broadcast %add3A_576 : i32 to vector<16xi32>
          %add3A_578 = arith.addi %add3A_572, %add3A_577 : vector<16xi32>
          %select_n3A_579 = arith.select %lt3A_575, %add3A_578, %add3A_572 : vector<16xi1>, vector<16xi32>
          %broadcast_in_dim3A_580 = vector.shape_cast %select_n3A_579 : vector<16xi32> to vector<16x1xi32>
          %gather3A_581 = vector.shape_cast %broadcast_in_dim3A_580 : vector<16x1xi32> to vector<16xi32>
          %gather3A_582 = tpu.dynamic_gather %select_n3A_550[%gather3A_581] in [0] : vector<16xf32>, vector<16xi32> -> vector<16xf32>
          %mul3A_583 = arith.mulf %get3A_566, %gather3A_582 : vector<16xf32>
          %swap3A_584 = arith.constant 1 : i32
          %swap3A_585 = arith.index_cast %swap3A_584 : i32 to index
          %swap3A_586 = arith.index_cast %add3A_522 : i32 to index
          %swap3A_587 = arith.constant 64 : index
          %swap3A_588 = tpu.vector_load %arg17[%swap3A_585, %swap3A_586, %swap3A_587] {strides = array<i32>} : memref<2x80x112xf32, #tpu.memory_space<vmem>>, vector<1x1x16xf32>,
          %swap3A_589 = vector.shape_cast %swap3A_588 : vector<1x1x16xf32> to vector<16xf32>
          %swap3A_590 = vector.shape_cast %mul3A_583 : vector<16xf32> to vector<1x1x16xf32>
          tpu.vector_store %arg17[%swap3A_585, %swap3A_586, %swap3A_587], %swap3A_590 {strides = array<i32>} : memref<2x80x112xf32, #tpu.memory_space<vmem>>, vector<1x1x16xf32>,
          %get3A_591 = arith.constant 1 : i32
          %get3A_592 = arith.index_cast %get3A_591 : i32 to index
          %get3A_593 = arith.index_cast %add3A_522 : i32 to index
          %get3A_594 = arith.constant 0 : index
          %get3A_595 = tpu.vector_load %arg16[%get3A_592, %get3A_593, %get3A_594] {strides = array<i32>} : memref<2x80x80xf32, #tpu.memory_space<vmem>>, vector<1x1x16xf32>,
          %get3A_596 = vector.shape_cast %get3A_595 : vector<1x1x16xf32> to vector<16xf32>
          %mul3A_597 = arith.mulf %get3A_596, %gather3A_582 : vector<16xf32>
          %swap3A_598 = arith.constant 1 : i32
          %swap3A_599 = arith.index_cast %swap3A_598 : i32 to index
          %swap3A_600 = arith.index_cast %add3A_522 : i32 to index
          %swap3A_601 = arith.constant 0 : index
          %swap3A_602 = tpu.vector_load %arg17[%swap3A_599, %swap3A_600, %swap3A_601] {strides = array<i32>} : memref<2x80x112xf32, #tpu.memory_space<vmem>>, vector<1x1x16xf32>,
          %swap3A_603 = vector.shape_cast %swap3A_602 : vector<1x1x16xf32> to vector<16xf32>
          %swap3A_604 = vector.shape_cast %mul3A_597 : vector<16xf32> to vector<1x1x16xf32>
          tpu.vector_store %arg17[%swap3A_599, %swap3A_600, %swap3A_601], %swap3A_604 {strides = array<i32>} : memref<2x80x112xf32, #tpu.memory_space<vmem>>, vector<1x1x16xf32>,
          %get3A_605 = arith.constant 1 : i32
          %get3A_606 = arith.index_cast %get3A_605 : i32 to index
          %get3A_607 = arith.index_cast %add3A_522 : i32 to index
          %get3A_608 = arith.constant 16 : index
          %get3A_609 = tpu.vector_load %arg16[%get3A_606, %get3A_607, %get3A_608] {strides = array<i32>} : memref<2x80x80xf32, #tpu.memory_space<vmem>>, vector<1x1x16xf32>,
          %get3A_610 = vector.shape_cast %get3A_609 : vector<1x1x16xf32> to vector<16xf32>
          %mul3A_611 = arith.mulf %get3A_610, %gather3A_582 : vector<16xf32>
          %swap3A_612 = arith.constant 1 : i32
          %swap3A_613 = arith.index_cast %swap3A_612 : i32 to index
          %swap3A_614 = arith.index_cast %add3A_522 : i32 to index
          %swap3A_615 = arith.constant 16 : index
          %swap3A_616 = tpu.vector_load %arg17[%swap3A_613, %swap3A_614, %swap3A_615] {strides = array<i32>} : memref<2x80x112xf32, #tpu.memory_space<vmem>>, vector<1x1x16xf32>,
          %swap3A_617 = vector.shape_cast %swap3A_616 : vector<1x1x16xf32> to vector<16xf32>
          %swap3A_618 = vector.shape_cast %mul3A_611 : vector<16xf32> to vector<1x1x16xf32>
          tpu.vector_store %arg17[%swap3A_613, %swap3A_614, %swap3A_615], %swap3A_618 {strides = array<i32>} : memref<2x80x112xf32, #tpu.memory_space<vmem>>, vector<1x1x16xf32>,
          %broadcast_in_dim3A_619 = arith.constant 1 : i32
          %broadcast_in_dim3A_620 = vector.broadcast %broadcast_in_dim3A_619 : i32 to vector<16xi32>
          %mul3A_621 = arith.constant 2 : i32
          %mul3A_622 = arith.muli %arg0, %mul3A_621 : i32
          %add3A_623 = vector.broadcast %mul3A_622 : i32 to vector<16xi32>
          %add3A_624 = arith.addi %broadcast_in_dim3A_620, %add3A_623 : vector<16xi32>
          %lt3A_625 = arith.constant 0 : i32
          %lt3A_626 = vector.broadcast %lt3A_625 : i32 to vector<16xi32>
          %lt3A_627 = arith.cmpi slt, %add3A_624, %lt3A_626 : vector<16xi32>
          %add3A_628 = arith.constant 16 : i32
          %add3A_629 = vector.broadcast %add3A_628 : i32 to vector<16xi32>
          %add3A_630 = arith.addi %add3A_624, %add3A_629 : vector<16xi32>
          %select_n3A_631 = arith.select %lt3A_627, %add3A_630, %add3A_624 : vector<16xi1>, vector<16xi32>
          %broadcast_in_dim3A_632 = vector.shape_cast %select_n3A_631 : vector<16xi32> to vector<16x1xi32>
          %gather3A_633 = vector.shape_cast %broadcast_in_dim3A_632 : vector<16x1xi32> to vector<16xi32>
          %gather3A_634 = tpu.dynamic_gather %select_n3A_550[%gather3A_633] in [0] : vector<16xf32>, vector<16xi32> -> vector<16xf32>
          %mul3A_635 = arith.mulf %get3A_566, %gather3A_634 : vector<16xf32>
          %swap3A_636 = arith.constant 1 : i32
          %swap3A_637 = arith.index_cast %swap3A_636 : i32 to index
          %swap3A_638 = arith.index_cast %add3A_522 : i32 to index
          %swap3A_639 = arith.constant 80 : index
          %swap3A_640 = tpu.vector_load %arg17[%swap3A_637, %swap3A_638, %swap3A_639] {strides = array<i32>} : memref<2x80x112xf32, #tpu.memory_space<vmem>>, vector<1x1x16xf32>,
          %swap3A_641 = vector.shape_cast %swap3A_640 : vector<1x1x16xf32> to vector<16xf32>
          %swap3A_642 = vector.shape_cast %mul3A_635 : vector<16xf32> to vector<1x1x16xf32>
          tpu.vector_store %arg17[%swap3A_637, %swap3A_638, %swap3A_639], %swap3A_642 {strides = array<i32>} : memref<2x80x112xf32, #tpu.memory_space<vmem>>, vector<1x1x16xf32>,
          %get3A_643 = arith.constant 1 : i32
          %get3A_644 = arith.index_cast %get3A_643 : i32 to index
          %get3A_645 = arith.index_cast %add3A_522 : i32 to index
          %get3A_646 = arith.constant 32 : index
          %get3A_647 = tpu.vector_load %arg16[%get3A_644, %get3A_645, %get3A_646] {strides = array<i32>} : memref<2x80x80xf32, #tpu.memory_space<vmem>>, vector<1x1x16xf32>,
          %get3A_648 = vector.shape_cast %get3A_647 : vector<1x1x16xf32> to vector<16xf32>
          %mul3A_649 = arith.mulf %get3A_648, %gather3A_634 : vector<16xf32>
          %swap3A_650 = arith.constant 1 : i32
          %swap3A_651 = arith.index_cast %swap3A_650 : i32 to index
          %swap3A_652 = arith.index_cast %add3A_522 : i32 to index
          %swap3A_653 = arith.constant 32 : index
          %swap3A_654 = tpu.vector_load %arg17[%swap3A_651, %swap3A_652, %swap3A_653] {strides = array<i32>} : memref<2x80x112xf32, #tpu.memory_space<vmem>>, vector<1x1x16xf32>,
          %swap3A_655 = vector.shape_cast %swap3A_654 : vector<1x1x16xf32> to vector<16xf32>
          %swap3A_656 = vector.shape_cast %mul3A_649 : vector<16xf32> to vector<1x1x16xf32>
          tpu.vector_store %arg17[%swap3A_651, %swap3A_652, %swap3A_653], %swap3A_656 {strides = array<i32>} : memref<2x80x112xf32, #tpu.memory_space<vmem>>, vector<1x1x16xf32>,
          %get3A_657 = arith.constant 1 : i32
          %get3A_658 = arith.index_cast %get3A_657 : i32 to index
          %get3A_659 = arith.index_cast %add3A_522 : i32 to index
          %get3A_660 = arith.constant 48 : index
          %get3A_661 = tpu.vector_load %arg16[%get3A_658, %get3A_659, %get3A_660] {strides = array<i32>} : memref<2x80x80xf32, #tpu.memory_space<vmem>>, vector<1x1x16xf32>,
          %get3A_662 = vector.shape_cast %get3A_661 : vector<1x1x16xf32> to vector<16xf32>
          %mul3A_663 = arith.mulf %get3A_662, %gather3A_634 : vector<16xf32>
          %swap3A_664 = arith.constant 1 : i32
          %swap3A_665 = arith.index_cast %swap3A_664 : i32 to index
          %swap3A_666 = arith.index_cast %add3A_522 : i32 to index
          %swap3A_667 = arith.constant 48 : index
          %swap3A_668 = tpu.vector_load %arg17[%swap3A_665, %swap3A_666, %swap3A_667] {strides = array<i32>} : memref<2x80x112xf32, #tpu.memory_space<vmem>>, vector<1x1x16xf32>,
          %swap3A_669 = vector.shape_cast %swap3A_668 : vector<1x1x16xf32> to vector<16xf32>
          %swap3A_670 = vector.shape_cast %mul3A_663 : vector<16xf32> to vector<1x1x16xf32>
          tpu.vector_store %arg17[%swap3A_665, %swap3A_666, %swap3A_667], %swap3A_670 {strides = array<i32>} : memref<2x80x112xf32, #tpu.memory_space<vmem>>, vector<1x1x16xf32>,
          %mul3A_671 = arith.constant 4 : i32
          %mul3A_672 = arith.muli %scan3A_370, %mul3A_671 : i32
          %add3A_673 = arith.constant 2 : i32
          %add3A_674 = arith.addi %mul3A_672, %add3A_673 : i32
          %get3A_675 = arith.constant 1 : i32
          %get3A_676 = arith.index_cast %get3A_675 : i32 to index
          %get3A_677 = arith.index_cast %add3A_674 : i32 to index
          %get3A_678 = arith.constant 64 : index
          %get3A_679 = tpu.vector_load %arg16[%get3A_676, %get3A_677, %get3A_678] {strides = array<i32>} : memref<2x80x80xf32, #tpu.memory_space<vmem>>, vector<1x1x16xf32>,
          %get3A_680 = vector.shape_cast %get3A_679 : vector<1x1x16xf32> to vector<16xf32>
          %get3A_681 = arith.constant 1 : i32
          %get3A_682 = arith.index_cast %get3A_681 : i32 to index
          %get3A_683 = arith.index_cast %add3A_674 : i32 to index
          %get3A_684 = arith.constant 0 : index
          %get3A_685 = tpu.vector_load %arg15[%get3A_682, %get3A_683, %get3A_684] {strides = array<i32>} : memref<2x80x16xf32, #tpu.memory_space<vmem>>, vector<1x1x16xf32>,
          %get3A_686 = vector.shape_cast %get3A_685 : vector<1x1x16xf32> to vector<16xf32>
          %add3A_687 = arith.addf %get3A_680, %get3A_686 : vector<16xf32>
          %get3A_688 = arith.constant 1 : i32
          %get3A_689 = arith.index_cast %get3A_688 : i32 to index
          %get3A_690 = arith.index_cast %add3A_674 : i32 to index
          %get3A_691 = arith.constant 0 : index
          %get3A_692 = tpu.vector_load %arg14[%get3A_689, %get3A_690, %get3A_691] {strides = array<i32>} : memref<2x80x32xf32, #tpu.memory_space<vmem>>, vector<1x1x16xf32>,
          %get3A_693 = vector.shape_cast %get3A_692 : vector<1x1x16xf32> to vector<16xf32>
          %add3A_694 = arith.addf %add3A_687, %get3A_693 : vector<16xf32>
          %mul3A_695 = arith.constant 2.000000e-01 : f32
          %mul3A_696 = vector.broadcast %mul3A_695 : f32 to vector<16xf32>
          %mul3A_697 = arith.mulf %add3A_694, %mul3A_696 : vector<16xf32>
          %max3A_698 = arith.maximumf %add3A_694, %mul3A_697 : vector<16xf32>
          %exp3A_699 = math.exp %max3A_698 : vector<16xf32>
          %jit3A_700 = arith.constant 0.000000e+00 : f32
          %broadcast_in_dim3A_701 = vector.broadcast %jit3A_700 : f32 to vector<16xf32>
          %select_n3A_702 = arith.select %lt3A_1, %exp3A_699, %broadcast_in_dim3A_701 : vector<16xi1>, vector<16xf32>
          %jit3A_703 = arith.constant 0.000000e+00 : f32
          %broadcast_in_dim3A_704 = vector.broadcast %jit3A_703 : f32 to vector<16xf32>
          %select_n3A_705 = arith.select %and3A, %select_n3A_702, %broadcast_in_dim3A_704 : vector<16xi1>, vector<16xf32>
          %swap3A_706 = arith.constant 1 : i32
          %swap3A_707 = arith.index_cast %swap3A_706 : i32 to index
          %swap3A_708 = arith.index_cast %add3A_674 : i32 to index
          %swap3A_709 = arith.constant 96 : index
          %swap3A_710 = tpu.vector_load %arg17[%swap3A_707, %swap3A_708, %swap3A_709] {strides = array<i32>} : memref<2x80x112xf32, #tpu.memory_space<vmem>>, vector<1x1x16xf32>,
          %swap3A_711 = vector.shape_cast %swap3A_710 : vector<1x1x16xf32> to vector<16xf32>
          %swap3A_712 = vector.shape_cast %select_n3A_705 : vector<16xf32> to vector<1x1x16xf32>
          tpu.vector_store %arg17[%swap3A_707, %swap3A_708, %swap3A_709], %swap3A_712 {strides = array<i32>} : memref<2x80x112xf32, #tpu.memory_space<vmem>>, vector<1x1x16xf32>,
          %get3A_713 = arith.constant 1 : i32
          %get3A_714 = arith.index_cast %get3A_713 : i32 to index
          %get3A_715 = arith.index_cast %add3A_674 : i32 to index
          %get3A_716 = arith.constant 16 : index
          %get3A_717 = tpu.vector_load %arg14[%get3A_714, %get3A_715, %get3A_716] {strides = array<i32>} : memref<2x80x32xf32, #tpu.memory_space<vmem>>, vector<1x1x16xf32>,
          %get3A_718 = vector.shape_cast %get3A_717 : vector<1x1x16xf32> to vector<16xf32>
          %broadcast_in_dim3A_719 = arith.constant 0 : i32
          %broadcast_in_dim3A_720 = vector.broadcast %broadcast_in_dim3A_719 : i32 to vector<16xi32>
          %mul3A_721 = arith.constant 2 : i32
          %mul3A_722 = arith.muli %arg0, %mul3A_721 : i32
          %add3A_723 = vector.broadcast %mul3A_722 : i32 to vector<16xi32>
          %add3A_724 = arith.addi %broadcast_in_dim3A_720, %add3A_723 : vector<16xi32>
          %lt3A_725 = arith.constant 0 : i32
          %lt3A_726 = vector.broadcast %lt3A_725 : i32 to vector<16xi32>
          %lt3A_727 = arith.cmpi slt, %add3A_724, %lt3A_726 : vector<16xi32>
          %add3A_728 = arith.constant 16 : i32
          %add3A_729 = vector.broadcast %add3A_728 : i32 to vector<16xi32>
          %add3A_730 = arith.addi %add3A_724, %add3A_729 : vector<16xi32>
          %select_n3A_731 = arith.select %lt3A_727, %add3A_730, %add3A_724 : vector<16xi1>, vector<16xi32>
          %broadcast_in_dim3A_732 = vector.shape_cast %select_n3A_731 : vector<16xi32> to vector<16x1xi32>
          %gather3A_733 = vector.shape_cast %broadcast_in_dim3A_732 : vector<16x1xi32> to vector<16xi32>
          %gather3A_734 = tpu.dynamic_gather %select_n3A_702[%gather3A_733] in [0] : vector<16xf32>, vector<16xi32> -> vector<16xf32>
          %mul3A_735 = arith.mulf %get3A_718, %gather3A_734 : vector<16xf32>
          %swap3A_736 = arith.constant 1 : i32
          %swap3A_737 = arith.index_cast %swap3A_736 : i32 to index
          %swap3A_738 = arith.index_cast %add3A_674 : i32 to index
          %swap3A_739 = arith.constant 64 : index
          %swap3A_740 = tpu.vector_load %arg17[%swap3A_737, %swap3A_738, %swap3A_739] {strides = array<i32>} : memref<2x80x112xf32, #tpu.memory_space<vmem>>, vector<1x1x16xf32>,
          %swap3A_741 = vector.shape_cast %swap3A_740 : vector<1x1x16xf32> to vector<16xf32>
          %swap3A_742 = vector.shape_cast %mul3A_735 : vector<16xf32> to vector<1x1x16xf32>
          tpu.vector_store %arg17[%swap3A_737, %swap3A_738, %swap3A_739], %swap3A_742 {strides = array<i32>} : memref<2x80x112xf32, #tpu.memory_space<vmem>>, vector<1x1x16xf32>,
          %get3A_743 = arith.constant 1 : i32
          %get3A_744 = arith.index_cast %get3A_743 : i32 to index
          %get3A_745 = arith.index_cast %add3A_674 : i32 to index
          %get3A_746 = arith.constant 0 : index
          %get3A_747 = tpu.vector_load %arg16[%get3A_744, %get3A_745, %get3A_746] {strides = array<i32>} : memref<2x80x80xf32, #tpu.memory_space<vmem>>, vector<1x1x16xf32>,
          %get3A_748 = vector.shape_cast %get3A_747 : vector<1x1x16xf32> to vector<16xf32>
          %mul3A_749 = arith.mulf %get3A_748, %gather3A_734 : vector<16xf32>
          %swap3A_750 = arith.constant 1 : i32
          %swap3A_751 = arith.index_cast %swap3A_750 : i32 to index
          %swap3A_752 = arith.index_cast %add3A_674 : i32 to index
          %swap3A_753 = arith.constant 0 : index
          %swap3A_754 = tpu.vector_load %arg17[%swap3A_751, %swap3A_752, %swap3A_753] {strides = array<i32>} : memref<2x80x112xf32, #tpu.memory_space<vmem>>, vector<1x1x16xf32>,
          %swap3A_755 = vector.shape_cast %swap3A_754 : vector<1x1x16xf32> to vector<16xf32>
          %swap3A_756 = vector.shape_cast %mul3A_749 : vector<16xf32> to vector<1x1x16xf32>
          tpu.vector_store %arg17[%swap3A_751, %swap3A_752, %swap3A_753], %swap3A_756 {strides = array<i32>} : memref<2x80x112xf32, #tpu.memory_space<vmem>>, vector<1x1x16xf32>,
          %get3A_757 = arith.constant 1 : i32
          %get3A_758 = arith.index_cast %get3A_757 : i32 to index
          %get3A_759 = arith.index_cast %add3A_674 : i32 to index
          %get3A_760 = arith.constant 16 : index
          %get3A_761 = tpu.vector_load %arg16[%get3A_758, %get3A_759, %get3A_760] {strides = array<i32>} : memref<2x80x80xf32, #tpu.memory_space<vmem>>, vector<1x1x16xf32>,
          %get3A_762 = vector.shape_cast %get3A_761 : vector<1x1x16xf32> to vector<16xf32>
          %mul3A_763 = arith.mulf %get3A_762, %gather3A_734 : vector<16xf32>
          %swap3A_764 = arith.constant 1 : i32
          %swap3A_765 = arith.index_cast %swap3A_764 : i32 to index
          %swap3A_766 = arith.index_cast %add3A_674 : i32 to index
          %swap3A_767 = arith.constant 16 : index
          %swap3A_768 = tpu.vector_load %arg17[%swap3A_765, %swap3A_766, %swap3A_767] {strides = array<i32>} : memref<2x80x112xf32, #tpu.memory_space<vmem>>, vector<1x1x16xf32>,
          %swap3A_769 = vector.shape_cast %swap3A_768 : vector<1x1x16xf32> to vector<16xf32>
          %swap3A_770 = vector.shape_cast %mul3A_763 : vector<16xf32> to vector<1x1x16xf32>
          tpu.vector_store %arg17[%swap3A_765, %swap3A_766, %swap3A_767], %swap3A_770 {strides = array<i32>} : memref<2x80x112xf32, #tpu.memory_space<vmem>>, vector<1x1x16xf32>,
          %broadcast_in_dim3A_771 = arith.constant 1 : i32
          %broadcast_in_dim3A_772 = vector.broadcast %broadcast_in_dim3A_771 : i32 to vector<16xi32>
          %mul3A_773 = arith.constant 2 : i32
          %mul3A_774 = arith.muli %arg0, %mul3A_773 : i32
          %add3A_775 = vector.broadcast %mul3A_774 : i32 to vector<16xi32>
          %add3A_776 = arith.addi %broadcast_in_dim3A_772, %add3A_775 : vector<16xi32>
          %lt3A_777 = arith.constant 0 : i32
          %lt3A_778 = vector.broadcast %lt3A_777 : i32 to vector<16xi32>
          %lt3A_779 = arith.cmpi slt, %add3A_776, %lt3A_778 : vector<16xi32>
          %add3A_780 = arith.constant 16 : i32
          %add3A_781 = vector.broadcast %add3A_780 : i32 to vector<16xi32>
          %add3A_782 = arith.addi %add3A_776, %add3A_781 : vector<16xi32>
          %select_n3A_783 = arith.select %lt3A_779, %add3A_782, %add3A_776 : vector<16xi1>, vector<16xi32>
          %broadcast_in_dim3A_784 = vector.shape_cast %select_n3A_783 : vector<16xi32> to vector<16x1xi32>
          %gather3A_785 = vector.shape_cast %broadcast_in_dim3A_784 : vector<16x1xi32> to vector<16xi32>
          %gather3A_786 = tpu.dynamic_gather %select_n3A_702[%gather3A_785] in [0] : vector<16xf32>, vector<16xi32> -> vector<16xf32>
          %mul3A_787 = arith.mulf %get3A_718, %gather3A_786 : vector<16xf32>
          %swap3A_788 = arith.constant 1 : i32
          %swap3A_789 = arith.index_cast %swap3A_788 : i32 to index
          %swap3A_790 = arith.index_cast %add3A_674 : i32 to index
          %swap3A_791 = arith.constant 80 : index
          %swap3A_792 = tpu.vector_load %arg17[%swap3A_789, %swap3A_790, %swap3A_791] {strides = array<i32>} : memref<2x80x112xf32, #tpu.memory_space<vmem>>, vector<1x1x16xf32>,
          %swap3A_793 = vector.shape_cast %swap3A_792 : vector<1x1x16xf32> to vector<16xf32>
          %swap3A_794 = vector.shape_cast %mul3A_787 : vector<16xf32> to vector<1x1x16xf32>
          tpu.vector_store %arg17[%swap3A_789, %swap3A_790, %swap3A_791], %swap3A_794 {strides = array<i32>} : memref<2x80x112xf32, #tpu.memory_space<vmem>>, vector<1x1x16xf32>,
          %get3A_795 = arith.constant 1 : i32
          %get3A_796 = arith.index_cast %get3A_795 : i32 to index
          %get3A_797 = arith.index_cast %add3A_674 : i32 to index
          %get3A_798 = arith.constant 32 : index
          %get3A_799 = tpu.vector_load %arg16[%get3A_796, %get3A_797, %get3A_798] {strides = array<i32>} : memref<2x80x80xf32, #tpu.memory_space<vmem>>, vector<1x1x16xf32>,
          %get3A_800 = vector.shape_cast %get3A_799 : vector<1x1x16xf32> to vector<16xf32>
          %mul3A_801 = arith.mulf %get3A_800, %gather3A_786 : vector<16xf32>
          %swap3A_802 = arith.constant 1 : i32
          %swap3A_803 = arith.index_cast %swap3A_802 : i32 to index
          %swap3A_804 = arith.index_cast %add3A_674 : i32 to index
          %swap3A_805 = arith.constant 32 : index
          %swap3A_806 = tpu.vector_load %arg17[%swap3A_803, %swap3A_804, %swap3A_805] {strides = array<i32>} : memref<2x80x112xf32, #tpu.memory_space<vmem>>, vector<1x1x16xf32>,
          %swap3A_807 = vector.shape_cast %swap3A_806 : vector<1x1x16xf32> to vector<16xf32>
          %swap3A_808 = vector.shape_cast %mul3A_801 : vector<16xf32> to vector<1x1x16xf32>
          tpu.vector_store %arg17[%swap3A_803, %swap3A_804, %swap3A_805], %swap3A_808 {strides = array<i32>} : memref<2x80x112xf32, #tpu.memory_space<vmem>>, vector<1x1x16xf32>,
          %get3A_809 = arith.constant 1 : i32
          %get3A_810 = arith.index_cast %get3A_809 : i32 to index
          %get3A_811 = arith.index_cast %add3A_674 : i32 to index
          %get3A_812 = arith.constant 48 : index
          %get3A_813 = tpu.vector_load %arg16[%get3A_810, %get3A_811, %get3A_812] {strides = array<i32>} : memref<2x80x80xf32, #tpu.memory_space<vmem>>, vector<1x1x16xf32>,
          %get3A_814 = vector.shape_cast %get3A_813 : vector<1x1x16xf32> to vector<16xf32>
          %mul3A_815 = arith.mulf %get3A_814, %gather3A_786 : vector<16xf32>
          %swap3A_816 = arith.constant 1 : i32
          %swap3A_817 = arith.index_cast %swap3A_816 : i32 to index
          %swap3A_818 = arith.index_cast %add3A_674 : i32 to index
          %swap3A_819 = arith.constant 48 : index
          %swap3A_820 = tpu.vector_load %arg17[%swap3A_817, %swap3A_818, %swap3A_819] {strides = array<i32>} : memref<2x80x112xf32, #tpu.memory_space<vmem>>, vector<1x1x16xf32>,
          %swap3A_821 = vector.shape_cast %swap3A_820 : vector<1x1x16xf32> to vector<16xf32>
          %swap3A_822 = vector.shape_cast %mul3A_815 : vector<16xf32> to vector<1x1x16xf32>
          tpu.vector_store %arg17[%swap3A_817, %swap3A_818, %swap3A_819], %swap3A_822 {strides = array<i32>} : memref<2x80x112xf32, #tpu.memory_space<vmem>>, vector<1x1x16xf32>,
          %mul3A_823 = arith.constant 4 : i32
          %mul3A_824 = arith.muli %scan3A_370, %mul3A_823 : i32
          %add3A_825 = arith.constant 3 : i32
          %add3A_826 = arith.addi %mul3A_824, %add3A_825 : i32
          %get3A_827 = arith.constant 1 : i32
          %get3A_828 = arith.index_cast %get3A_827 : i32 to index
          %get3A_829 = arith.index_cast %add3A_826 : i32 to index
          %get3A_830 = arith.constant 64 : index
          %get3A_831 = tpu.vector_load %arg16[%get3A_828, %get3A_829, %get3A_830] {strides = array<i32>} : memref<2x80x80xf32, #tpu.memory_space<vmem>>, vector<1x1x16xf32>,
          %get3A_832 = vector.shape_cast %get3A_831 : vector<1x1x16xf32> to vector<16xf32>
          %get3A_833 = arith.constant 1 : i32
          %get3A_834 = arith.index_cast %get3A_833 : i32 to index
          %get3A_835 = arith.index_cast %add3A_826 : i32 to index
          %get3A_836 = arith.constant 0 : index
          %get3A_837 = tpu.vector_load %arg15[%get3A_834, %get3A_835, %get3A_836] {strides = array<i32>} : memref<2x80x16xf32, #tpu.memory_space<vmem>>, vector<1x1x16xf32>,
          %get3A_838 = vector.shape_cast %get3A_837 : vector<1x1x16xf32> to vector<16xf32>
          %add3A_839 = arith.addf %get3A_832, %get3A_838 : vector<16xf32>
          %get3A_840 = arith.constant 1 : i32
          %get3A_841 = arith.index_cast %get3A_840 : i32 to index
          %get3A_842 = arith.index_cast %add3A_826 : i32 to index
          %get3A_843 = arith.constant 0 : index
          %get3A_844 = tpu.vector_load %arg14[%get3A_841, %get3A_842, %get3A_843] {strides = array<i32>} : memref<2x80x32xf32, #tpu.memory_space<vmem>>, vector<1x1x16xf32>,
          %get3A_845 = vector.shape_cast %get3A_844 : vector<1x1x16xf32> to vector<16xf32>
          %add3A_846 = arith.addf %add3A_839, %get3A_845 : vector<16xf32>
          %mul3A_847 = arith.constant 2.000000e-01 : f32
          %mul3A_848 = vector.broadcast %mul3A_847 : f32 to vector<16xf32>
          %mul3A_849 = arith.mulf %add3A_846, %mul3A_848 : vector<16xf32>
          %max3A_850 = arith.maximumf %add3A_846, %mul3A_849 : vector<16xf32>
          %exp3A_851 = math.exp %max3A_850 : vector<16xf32>
          %jit3A_852 = arith.constant 0.000000e+00 : f32
          %broadcast_in_dim3A_853 = vector.broadcast %jit3A_852 : f32 to vector<16xf32>
          %select_n3A_854 = arith.select %lt3A_1, %exp3A_851, %broadcast_in_dim3A_853 : vector<16xi1>, vector<16xf32>
          %jit3A_855 = arith.constant 0.000000e+00 : f32
          %broadcast_in_dim3A_856 = vector.broadcast %jit3A_855 : f32 to vector<16xf32>
          %select_n3A_857 = arith.select %and3A, %select_n3A_854, %broadcast_in_dim3A_856 : vector<16xi1>, vector<16xf32>
          %swap3A_858 = arith.constant 1 : i32
          %swap3A_859 = arith.index_cast %swap3A_858 : i32 to index
          %swap3A_860 = arith.index_cast %add3A_826 : i32 to index
          %swap3A_861 = arith.constant 96 : index
          %swap3A_862 = tpu.vector_load %arg17[%swap3A_859, %swap3A_860, %swap3A_861] {strides = array<i32>} : memref<2x80x112xf32, #tpu.memory_space<vmem>>, vector<1x1x16xf32>,
          %swap3A_863 = vector.shape_cast %swap3A_862 : vector<1x1x16xf32> to vector<16xf32>
          %swap3A_864 = vector.shape_cast %select_n3A_857 : vector<16xf32> to vector<1x1x16xf32>
          tpu.vector_store %arg17[%swap3A_859, %swap3A_860, %swap3A_861], %swap3A_864 {strides = array<i32>} : memref<2x80x112xf32, #tpu.memory_space<vmem>>, vector<1x1x16xf32>,
          %get3A_865 = arith.constant 1 : i32
          %get3A_866 = arith.index_cast %get3A_865 : i32 to index
          %get3A_867 = arith.index_cast %add3A_826 : i32 to index
          %get3A_868 = arith.constant 16 : index
          %get3A_869 = tpu.vector_load %arg14[%get3A_866, %get3A_867, %get3A_868] {strides = array<i32>} : memref<2x80x32xf32, #tpu.memory_space<vmem>>, vector<1x1x16xf32>,
          %get3A_870 = vector.shape_cast %get3A_869 : vector<1x1x16xf32> to vector<16xf32>
          %broadcast_in_dim3A_871 = arith.constant 0 : i32
          %broadcast_in_dim3A_872 = vector.broadcast %broadcast_in_dim3A_871 : i32 to vector<16xi32>
          %mul3A_873 = arith.constant 2 : i32
          %mul3A_874 = arith.muli %arg0, %mul3A_873 : i32
          %add3A_875 = vector.broadcast %mul3A_874 : i32 to vector<16xi32>
          %add3A_876 = arith.addi %broadcast_in_dim3A_872, %add3A_875 : vector<16xi32>
          %lt3A_877 = arith.constant 0 : i32
          %lt3A_878 = vector.broadcast %lt3A_877 : i32 to vector<16xi32>
          %lt3A_879 = arith.cmpi slt, %add3A_876, %lt3A_878 : vector<16xi32>
          %add3A_880 = arith.constant 16 : i32
          %add3A_881 = vector.broadcast %add3A_880 : i32 to vector<16xi32>
          %add3A_882 = arith.addi %add3A_876, %add3A_881 : vector<16xi32>
          %select_n3A_883 = arith.select %lt3A_879, %add3A_882, %add3A_876 : vector<16xi1>, vector<16xi32>
          %broadcast_in_dim3A_884 = vector.shape_cast %select_n3A_883 : vector<16xi32> to vector<16x1xi32>
          %gather3A_885 = vector.shape_cast %broadcast_in_dim3A_884 : vector<16x1xi32> to vector<16xi32>
          %gather3A_886 = tpu.dynamic_gather %select_n3A_854[%gather3A_885] in [0] : vector<16xf32>, vector<16xi32> -> vector<16xf32>
          %mul3A_887 = arith.mulf %get3A_870, %gather3A_886 : vector<16xf32>
          %swap3A_888 = arith.constant 1 : i32
          %swap3A_889 = arith.index_cast %swap3A_888 : i32 to index
          %swap3A_890 = arith.index_cast %add3A_826 : i32 to index
          %swap3A_891 = arith.constant 64 : index
          %swap3A_892 = tpu.vector_load %arg17[%swap3A_889, %swap3A_890, %swap3A_891] {strides = array<i32>} : memref<2x80x112xf32, #tpu.memory_space<vmem>>, vector<1x1x16xf32>,
          %swap3A_893 = vector.shape_cast %swap3A_892 : vector<1x1x16xf32> to vector<16xf32>
          %swap3A_894 = vector.shape_cast %mul3A_887 : vector<16xf32> to vector<1x1x16xf32>
          tpu.vector_store %arg17[%swap3A_889, %swap3A_890, %swap3A_891], %swap3A_894 {strides = array<i32>} : memref<2x80x112xf32, #tpu.memory_space<vmem>>, vector<1x1x16xf32>,
          %get3A_895 = arith.constant 1 : i32
          %get3A_896 = arith.index_cast %get3A_895 : i32 to index
          %get3A_897 = arith.index_cast %add3A_826 : i32 to index
          %get3A_898 = arith.constant 0 : index
          %get3A_899 = tpu.vector_load %arg16[%get3A_896, %get3A_897, %get3A_898] {strides = array<i32>} : memref<2x80x80xf32, #tpu.memory_space<vmem>>, vector<1x1x16xf32>,
          %get3A_900 = vector.shape_cast %get3A_899 : vector<1x1x16xf32> to vector<16xf32>
          %mul3A_901 = arith.mulf %get3A_900, %gather3A_886 : vector<16xf32>
          %swap3A_902 = arith.constant 1 : i32
          %swap3A_903 = arith.index_cast %swap3A_902 : i32 to index
          %swap3A_904 = arith.index_cast %add3A_826 : i32 to index
          %swap3A_905 = arith.constant 0 : index
          %swap3A_906 = tpu.vector_load %arg17[%swap3A_903, %swap3A_904, %swap3A_905] {strides = array<i32>} : memref<2x80x112xf32, #tpu.memory_space<vmem>>, vector<1x1x16xf32>,
          %swap3A_907 = vector.shape_cast %swap3A_906 : vector<1x1x16xf32> to vector<16xf32>
          %swap3A_908 = vector.shape_cast %mul3A_901 : vector<16xf32> to vector<1x1x16xf32>
          tpu.vector_store %arg17[%swap3A_903, %swap3A_904, %swap3A_905], %swap3A_908 {strides = array<i32>} : memref<2x80x112xf32, #tpu.memory_space<vmem>>, vector<1x1x16xf32>,
          %get3A_909 = arith.constant 1 : i32
          %get3A_910 = arith.index_cast %get3A_909 : i32 to index
          %get3A_911 = arith.index_cast %add3A_826 : i32 to index
          %get3A_912 = arith.constant 16 : index
          %get3A_913 = tpu.vector_load %arg16[%get3A_910, %get3A_911, %get3A_912] {strides = array<i32>} : memref<2x80x80xf32, #tpu.memory_space<vmem>>, vector<1x1x16xf32>,
          %get3A_914 = vector.shape_cast %get3A_913 : vector<1x1x16xf32> to vector<16xf32>
          %mul3A_915 = arith.mulf %get3A_914, %gather3A_886 : vector<16xf32>
          %swap3A_916 = arith.constant 1 : i32
          %swap3A_917 = arith.index_cast %swap3A_916 : i32 to index
          %swap3A_918 = arith.index_cast %add3A_826 : i32 to index
          %swap3A_919 = arith.constant 16 : index
          %swap3A_920 = tpu.vector_load %arg17[%swap3A_917, %swap3A_918, %swap3A_919] {strides = array<i32>} : memref<2x80x112xf32, #tpu.memory_space<vmem>>, vector<1x1x16xf32>,
          %swap3A_921 = vector.shape_cast %swap3A_920 : vector<1x1x16xf32> to vector<16xf32>
          %swap3A_922 = vector.shape_cast %mul3A_915 : vector<16xf32> to vector<1x1x16xf32>
          tpu.vector_store %arg17[%swap3A_917, %swap3A_918, %swap3A_919], %swap3A_922 {strides = array<i32>} : memref<2x80x112xf32, #tpu.memory_space<vmem>>, vector<1x1x16xf32>,
          %broadcast_in_dim3A_923 = arith.constant 1 : i32
          %broadcast_in_dim3A_924 = vector.broadcast %broadcast_in_dim3A_923 : i32 to vector<16xi32>
          %mul3A_925 = arith.constant 2 : i32
          %mul3A_926 = arith.muli %arg0, %mul3A_925 : i32
          %add3A_927 = vector.broadcast %mul3A_926 : i32 to vector<16xi32>
          %add3A_928 = arith.addi %broadcast_in_dim3A_924, %add3A_927 : vector<16xi32>
          %lt3A_929 = arith.constant 0 : i32
          %lt3A_930 = vector.broadcast %lt3A_929 : i32 to vector<16xi32>
          %lt3A_931 = arith.cmpi slt, %add3A_928, %lt3A_930 : vector<16xi32>
          %add3A_932 = arith.constant 16 : i32
          %add3A_933 = vector.broadcast %add3A_932 : i32 to vector<16xi32>
          %add3A_934 = arith.addi %add3A_928, %add3A_933 : vector<16xi32>
          %select_n3A_935 = arith.select %lt3A_931, %add3A_934, %add3A_928 : vector<16xi1>, vector<16xi32>
          %broadcast_in_dim3A_936 = vector.shape_cast %select_n3A_935 : vector<16xi32> to vector<16x1xi32>
          %gather3A_937 = vector.shape_cast %broadcast_in_dim3A_936 : vector<16x1xi32> to vector<16xi32>
          %gather3A_938 = tpu.dynamic_gather %select_n3A_854[%gather3A_937] in [0] : vector<16xf32>, vector<16xi32> -> vector<16xf32>
          %mul3A_939 = arith.mulf %get3A_870, %gather3A_938 : vector<16xf32>
          %swap3A_940 = arith.constant 1 : i32
          %swap3A_941 = arith.index_cast %swap3A_940 : i32 to index
          %swap3A_942 = arith.index_cast %add3A_826 : i32 to index
          %swap3A_943 = arith.constant 80 : index
          %swap3A_944 = tpu.vector_load %arg17[%swap3A_941, %swap3A_942, %swap3A_943] {strides = array<i32>} : memref<2x80x112xf32, #tpu.memory_space<vmem>>, vector<1x1x16xf32>,
          %swap3A_945 = vector.shape_cast %swap3A_944 : vector<1x1x16xf32> to vector<16xf32>
          %swap3A_946 = vector.shape_cast %mul3A_939 : vector<16xf32> to vector<1x1x16xf32>
          tpu.vector_store %arg17[%swap3A_941, %swap3A_942, %swap3A_943], %swap3A_946 {strides = array<i32>} : memref<2x80x112xf32, #tpu.memory_space<vmem>>, vector<1x1x16xf32>,
          %get3A_947 = arith.constant 1 : i32
          %get3A_948 = arith.index_cast %get3A_947 : i32 to index
          %get3A_949 = arith.index_cast %add3A_826 : i32 to index
          %get3A_950 = arith.constant 32 : index
          %get3A_951 = tpu.vector_load %arg16[%get3A_948, %get3A_949, %get3A_950] {strides = array<i32>} : memref<2x80x80xf32, #tpu.memory_space<vmem>>, vector<1x1x16xf32>,
          %get3A_952 = vector.shape_cast %get3A_951 : vector<1x1x16xf32> to vector<16xf32>
          %mul3A_953 = arith.mulf %get3A_952, %gather3A_938 : vector<16xf32>
          %swap3A_954 = arith.constant 1 : i32
          %swap3A_955 = arith.index_cast %swap3A_954 : i32 to index
          %swap3A_956 = arith.index_cast %add3A_826 : i32 to index
          %swap3A_957 = arith.constant 32 : index
          %swap3A_958 = tpu.vector_load %arg17[%swap3A_955, %swap3A_956, %swap3A_957] {strides = array<i32>} : memref<2x80x112xf32, #tpu.memory_space<vmem>>, vector<1x1x16xf32>,
          %swap3A_959 = vector.shape_cast %swap3A_958 : vector<1x1x16xf32> to vector<16xf32>
          %swap3A_960 = vector.shape_cast %mul3A_953 : vector<16xf32> to vector<1x1x16xf32>
          tpu.vector_store %arg17[%swap3A_955, %swap3A_956, %swap3A_957], %swap3A_960 {strides = array<i32>} : memref<2x80x112xf32, #tpu.memory_space<vmem>>, vector<1x1x16xf32>,
          %get3A_961 = arith.constant 1 : i32
          %get3A_962 = arith.index_cast %get3A_961 : i32 to index
          %get3A_963 = arith.index_cast %add3A_826 : i32 to index
          %get3A_964 = arith.constant 48 : index
          %get3A_965 = tpu.vector_load %arg16[%get3A_962, %get3A_963, %get3A_964] {strides = array<i32>} : memref<2x80x80xf32, #tpu.memory_space<vmem>>, vector<1x1x16xf32>,
          %get3A_966 = vector.shape_cast %get3A_965 : vector<1x1x16xf32> to vector<16xf32>
          %mul3A_967 = arith.mulf %get3A_966, %gather3A_938 : vector<16xf32>
          %swap3A_968 = arith.constant 1 : i32
          %swap3A_969 = arith.index_cast %swap3A_968 : i32 to index
          %swap3A_970 = arith.index_cast %add3A_826 : i32 to index
          %swap3A_971 = arith.constant 48 : index
          %swap3A_972 = tpu.vector_load %arg17[%swap3A_969, %swap3A_970, %swap3A_971] {strides = array<i32>} : memref<2x80x112xf32, #tpu.memory_space<vmem>>, vector<1x1x16xf32>,
          %swap3A_973 = vector.shape_cast %swap3A_972 : vector<1x1x16xf32> to vector<16xf32>
          %swap3A_974 = vector.shape_cast %mul3A_967 : vector<16xf32> to vector<1x1x16xf32>
          tpu.vector_store %arg17[%swap3A_969, %swap3A_970, %swap3A_971], %swap3A_974 {strides = array<i32>} : memref<2x80x112xf32, #tpu.memory_space<vmem>>, vector<1x1x16xf32>,
        }
        %scan3A_349 = arith.constant 20 : i32
        %dma_start3A_350 = arith.constant 1 : i32
        %dma_start3A_351 = arith.constant 1 : i32
        %dma_start3A_352 = arith.constant 1 : i32
        %dma_start3A_353 = arith.constant 0 : i32
        %dma_start3A_354 = arith.constant 0 : i32
        %dma_start3A_355 = tpu.memref_slice %arg17[%dma_start3A_350, %dma_start3A_353, %dma_start3A_354] : memref<2x80x112xf32, #tpu.memory_space<vmem>> -> memref<1x80x112xf32, #tpu.memory_space<vmem>>
        %dma_start3A_356 = tpu.memref_squeeze %dma_start3A_355 : memref<1x80x112xf32, #tpu.memory_space<vmem>> -> memref<80x112xf32, #tpu.memory_space<vmem>>
        %dma_start3A_357 = arith.constant 0 : i32
        %dma_start3A_358 = tpu.memref_slice %arg13[%dma_start3A_351, %dma_start3A_357] : memref<2x80xi32, #tpu.memory_space<vmem>> -> memref<1x80xi32, #tpu.memory_space<vmem>>
        %dma_start3A_359 = tpu.memref_squeeze %dma_start3A_358 : memref<1x80xi32, #tpu.memory_space<vmem>> -> memref<80xi32, #tpu.memory_space<vmem>>
        %dma_start3A_360 = arith.constant 0 : i32
        %dma_start3A_361 = arith.constant 0 : i32
        %dma_start3A_362 = tpu.memref_slice %arg10[%dma_start3A_360, %dma_start3A_361] : memref<10000x112xf32, #tpu.memory_space<vmem_shared>> -> memref<10000x112xf32, #tpu.memory_space<vmem_shared>>
        %dma_start3A_363 = tpu.memref_slice %arg20[%dma_start3A_352] : memref<2x!tpu.dma_semaphore, #tpu.memory_space<semaphore_mem>> -> memref<1x!tpu.dma_semaphore, #tpu.memory_space<semaphore_mem>>
        %dma_start3A_364 = tpu.memref_squeeze %dma_start3A_363 : memref<1x!tpu.dma_semaphore, #tpu.memory_space<semaphore_mem>> -> memref<!tpu.dma_semaphore, #tpu.memory_space<semaphore_mem>>
        tpu.enqueue_indirect_dma source(%dma_start3A_356 : memref<80x112xf32, #tpu.memory_space<vmem>>) target(%dma_start3A_362 : memref<10000x112xf32, #tpu.memory_space<vmem_shared>>) offsets(%dma_start3A_359 : memref<80xi32, #tpu.memory_space<vmem>>) semaphore(%dma_start3A_364 : memref<!tpu.dma_semaphore, #tpu.memory_space<semaphore_mem>>) {add = true}
        %le3A_365 = arith.constant 247 : i32
        %le3A_366 = arith.cmpi sle, %scan3A_214, %le3A_365 : i32
        %convert_element_type3A_367 = arith.extui %le3A_366 : i1 to i32
        %cond3A_368 = arith.constant 0 : i32
        %cond3A_369 = arith.cmpi ne, %convert_element_type3A_367, %cond3A_368 : i32
        scf.if %cond3A_369 {
          %add3A_370 = arith.constant 2 : i32
          %add3A_371 = arith.addi %scan3A_214, %add3A_370 : i32
          %mul3A_372 = arith.constant 80 : i32
          %mul3A_373 = arith.muli %add3A_371, %mul3A_372 : i32
          %add3A_374 = arith.addi %mul3A_15, %mul3A_373 : i32
          %dma_start3A_375 = arith.constant 1 : i32
          %dma_start3A_376 = arith.constant 1 : i32
          %dma_start3A_377 = arith.constant 0 : i32
          %dma_start3A_378 = tpu.memref_slice %arg11[%dma_start3A_375, %dma_start3A_377] : memref<2x80xi32, #tpu.memory_space<vmem>> -> memref<1x80xi32, #tpu.memory_space<vmem>>
          %dma_start3A_379 = tpu.memref_squeeze %dma_start3A_378 : memref<1x80xi32, #tpu.memory_space<vmem>> -> memref<80xi32, #tpu.memory_space<vmem>>
          %dma_start3A_380 = tpu.memref_slice %arg2[%add3A_374] : memref<320000xi32, #tpu.memory_space<hbm>> -> memref<80xi32, #tpu.memory_space<hbm>>
          %dma_start3A_381 = tpu.memref_slice %arg18[%dma_start3A_376] : memref<2x!tpu.dma_semaphore, #tpu.memory_space<semaphore_mem>> -> memref<1x!tpu.dma_semaphore, #tpu.memory_space<semaphore_mem>>
          %dma_start3A_382 = tpu.memref_squeeze %dma_start3A_381 : memref<1x!tpu.dma_semaphore, #tpu.memory_space<semaphore_mem>> -> memref<!tpu.dma_semaphore, #tpu.memory_space<semaphore_mem>>
          %dma_start3A_383 = arith.constant 0 : i32
          %dma_start3A_384 = tpu.memref_slice %arg11[%dma_start3A_375, %dma_start3A_383] : memref<2x80xi32, #tpu.memory_space<vmem>> -> memref<1x80xi32, #tpu.memory_space<vmem>>
          %dma_start3A_385 = tpu.memref_squeeze %dma_start3A_384 : memref<1x80xi32, #tpu.memory_space<vmem>> -> memref<80xi32, #tpu.memory_space<vmem>>
          %dma_start3A_386 = tpu.memref_slice %arg2[%add3A_374] : memref<320000xi32, #tpu.memory_space<hbm>> -> memref<80xi32, #tpu.memory_space<hbm>>
          tpu.enqueue_dma source(%dma_start3A_386 : memref<80xi32, #tpu.memory_space<hbm>>) target(%dma_start3A_385 : memref<80xi32, #tpu.memory_space<vmem>>) target_semaphore(%dma_start3A_382 : memref<!tpu.dma_semaphore, #tpu.memory_space<semaphore_mem>>)
          %dma_start3A_387 = arith.constant 1 : i32
          %dma_start3A_388 = arith.constant 1 : i32
          %dma_start3A_389 = arith.constant 0 : i32
          %dma_start3A_390 = tpu.memref_slice %arg12[%dma_start3A_387, %dma_start3A_389] : memref<2x80xi32, #tpu.memory_space<vmem>> -> memref<1x80xi32, #tpu.memory_space<vmem>>
          %dma_start3A_391 = tpu.memref_squeeze %dma_start3A_390 : memref<1x80xi32, #tpu.memory_space<vmem>> -> memref<80xi32, #tpu.memory_space<vmem>>
          %dma_start3A_392 = tpu.memref_slice %arg3[%add3A_374] : memref<320000xi32, #tpu.memory_space<hbm>> -> memref<80xi32, #tpu.memory_space<hbm>>
          %dma_start3A_393 = tpu.memref_slice %arg18[%dma_start3A_388] : memref<2x!tpu.dma_semaphore, #tpu.memory_space<semaphore_mem>> -> memref<1x!tpu.dma_semaphore, #tpu.memory_space<semaphore_mem>>
          %dma_start3A_394 = tpu.memref_squeeze %dma_start3A_393 : memref<1x!tpu.dma_semaphore, #tpu.memory_space<semaphore_mem>> -> memref<!tpu.dma_semaphore, #tpu.memory_space<semaphore_mem>>
          %dma_start3A_395 = arith.constant 0 : i32
          %dma_start3A_396 = tpu.memref_slice %arg12[%dma_start3A_387, %dma_start3A_395] : memref<2x80xi32, #tpu.memory_space<vmem>> -> memref<1x80xi32, #tpu.memory_space<vmem>>
          %dma_start3A_397 = tpu.memref_squeeze %dma_start3A_396 : memref<1x80xi32, #tpu.memory_space<vmem>> -> memref<80xi32, #tpu.memory_space<vmem>>
          %dma_start3A_398 = tpu.memref_slice %arg3[%add3A_374] : memref<320000xi32, #tpu.memory_space<hbm>> -> memref<80xi32, #tpu.memory_space<hbm>>
          tpu.enqueue_dma source(%dma_start3A_398 : memref<80xi32, #tpu.memory_space<hbm>>) target(%dma_start3A_397 : memref<80xi32, #tpu.memory_space<vmem>>) target_semaphore(%dma_start3A_394 : memref<!tpu.dma_semaphore, #tpu.memory_space<semaphore_mem>>)
          %dma_start3A_399 = arith.constant 1 : i32
          %dma_start3A_400 = arith.constant 1 : i32
          %dma_start3A_401 = arith.constant 0 : i32
          %dma_start3A_402 = arith.constant 0 : i32
          %dma_start3A_403 = tpu.memref_slice %arg14[%dma_start3A_399, %dma_start3A_401, %dma_start3A_402] : memref<2x80x32xf32, #tpu.memory_space<vmem>> -> memref<1x80x32xf32, #tpu.memory_space<vmem>>
          %dma_start3A_404 = tpu.memref_squeeze %dma_start3A_403 : memref<1x80x32xf32, #tpu.memory_space<vmem>> -> memref<80x32xf32, #tpu.memory_space<vmem>>
          %dma_start3A_405 = arith.constant 0 : i32
          %dma_start3A_406 = tpu.memref_slice %arg4[%add3A_374, %dma_start3A_405] : memref<320000x32xf32, #tpu.memory_space<hbm>> -> memref<80x32xf32, #tpu.memory_space<hbm>>
          %dma_start3A_407 = tpu.memref_slice %arg18[%dma_start3A_400] : memref<2x!tpu.dma_semaphore, #tpu.memory_space<semaphore_mem>> -> memref<1x!tpu.dma_semaphore, #tpu.memory_space<semaphore_mem>>
          %dma_start3A_408 = tpu.memref_squeeze %dma_start3A_407 : memref<1x!tpu.dma_semaphore, #tpu.memory_space<semaphore_mem>> -> memref<!tpu.dma_semaphore, #tpu.memory_space<semaphore_mem>>
          %dma_start3A_409 = arith.constant 0 : i32
          %dma_start3A_410 = arith.constant 0 : i32
          %dma_start3A_411 = tpu.memref_slice %arg14[%dma_start3A_399, %dma_start3A_409, %dma_start3A_410] : memref<2x80x32xf32, #tpu.memory_space<vmem>> -> memref<1x80x32xf32, #tpu.memory_space<vmem>>
          %dma_start3A_412 = tpu.memref_squeeze %dma_start3A_411 : memref<1x80x32xf32, #tpu.memory_space<vmem>> -> memref<80x32xf32, #tpu.memory_space<vmem>>
          %dma_start3A_413 = arith.constant 0 : i32
          %dma_start3A_414 = tpu.memref_slice %arg4[%add3A_374, %dma_start3A_413] : memref<320000x32xf32, #tpu.memory_space<hbm>> -> memref<80x32xf32, #tpu.memory_space<hbm>>
          tpu.enqueue_dma source(%dma_start3A_414 : memref<80x32xf32, #tpu.memory_space<hbm>>) target(%dma_start3A_412 : memref<80x32xf32, #tpu.memory_space<vmem>>) target_semaphore(%dma_start3A_408 : memref<!tpu.dma_semaphore, #tpu.memory_space<semaphore_mem>>)
        } else {
        }
      } else {
      }
    }
    %scan3A_172 = arith.constant 250 : i32
    %dma_wait3A_173 = arith.constant 0 : i32
    %dma_wait3A_174 = arith.constant 0 : i32
    %dma_wait3A_175 = arith.constant 0 : i32
    %dma_wait3A_176 = arith.constant 0 : i32
    %dma_wait3A_177 = arith.constant 0 : i32
    %dma_wait3A_178 = tpu.memref_slice %arg17[%dma_wait3A_173, %dma_wait3A_176, %dma_wait3A_177] : memref<2x80x112xf32, #tpu.memory_space<vmem>> -> memref<1x80x112xf32, #tpu.memory_space<vmem>>
    %dma_wait3A_179 = tpu.memref_squeeze %dma_wait3A_178 : memref<1x80x112xf32, #tpu.memory_space<vmem>> -> memref<80x112xf32, #tpu.memory_space<vmem>>
    %dma_wait3A_180 = arith.constant 0 : i32
    %dma_wait3A_181 = tpu.memref_slice %arg13[%dma_wait3A_174, %dma_wait3A_180] : memref<2x80xi32, #tpu.memory_space<vmem>> -> memref<1x80xi32, #tpu.memory_space<vmem>>
    %dma_wait3A_182 = tpu.memref_squeeze %dma_wait3A_181 : memref<1x80xi32, #tpu.memory_space<vmem>> -> memref<80xi32, #tpu.memory_space<vmem>>
    %dma_wait3A_183 = arith.constant 0 : i32
    %dma_wait3A_184 = arith.constant 0 : i32
    %dma_wait3A_185 = tpu.memref_slice %arg10[%dma_wait3A_183, %dma_wait3A_184] : memref<10000x112xf32, #tpu.memory_space<vmem_shared>> -> memref<10000x112xf32, #tpu.memory_space<vmem_shared>>
    %dma_wait3A_186 = tpu.memref_slice %arg20[%dma_wait3A_175] : memref<2x!tpu.dma_semaphore, #tpu.memory_space<semaphore_mem>> -> memref<1x!tpu.dma_semaphore, #tpu.memory_space<semaphore_mem>>
    %dma_wait3A_187 = tpu.memref_squeeze %dma_wait3A_186 : memref<1x!tpu.dma_semaphore, #tpu.memory_space<semaphore_mem>> -> memref<!tpu.dma_semaphore, #tpu.memory_space<semaphore_mem>>
    tpu.wait_indirect_dma semaphore(%dma_wait3A_187 : memref<!tpu.dma_semaphore, #tpu.memory_space<semaphore_mem>>) src(%dma_wait3A_179 : memref<80x112xf32, #tpu.memory_space<vmem>>) dst(%dma_wait3A_185 : memref<10000x112xf32, #tpu.memory_space<vmem_shared>>)
    %dma_wait3A_188 = arith.constant 1 : i32
    %dma_wait3A_189 = arith.constant 1 : i32
    %dma_wait3A_190 = arith.constant 1 : i32
    %dma_wait3A_191 = arith.constant 0 : i32
    %dma_wait3A_192 = arith.constant 0 : i32
    %dma_wait3A_193 = tpu.memref_slice %arg17[%dma_wait3A_188, %dma_wait3A_191, %dma_wait3A_192] : memref<2x80x112xf32, #tpu.memory_space<vmem>> -> memref<1x80x112xf32, #tpu.memory_space<vmem>>
    %dma_wait3A_194 = tpu.memref_squeeze %dma_wait3A_193 : memref<1x80x112xf32, #tpu.memory_space<vmem>> -> memref<80x112xf32, #tpu.memory_space<vmem>>
    %dma_wait3A_195 = arith.constant 0 : i32
    %dma_wait3A_196 = tpu.memref_slice %arg13[%dma_wait3A_189, %dma_wait3A_195] : memref<2x80xi32, #tpu.memory_space<vmem>> -> memref<1x80xi32, #tpu.memory_space<vmem>>
    %dma_wait3A_197 = tpu.memref_squeeze %dma_wait3A_196 : memref<1x80xi32, #tpu.memory_space<vmem>> -> memref<80xi32, #tpu.memory_space<vmem>>
    %dma_wait3A_198 = arith.constant 0 : i32
    %dma_wait3A_199 = arith.constant 0 : i32
    %dma_wait3A_200 = tpu.memref_slice %arg10[%dma_wait3A_198, %dma_wait3A_199] : memref<10000x112xf32, #tpu.memory_space<vmem_shared>> -> memref<10000x112xf32, #tpu.memory_space<vmem_shared>>
    %dma_wait3A_201 = tpu.memref_slice %arg20[%dma_wait3A_190] : memref<2x!tpu.dma_semaphore, #tpu.memory_space<semaphore_mem>> -> memref<1x!tpu.dma_semaphore, #tpu.memory_space<semaphore_mem>>
    %dma_wait3A_202 = tpu.memref_squeeze %dma_wait3A_201 : memref<1x!tpu.dma_semaphore, #tpu.memory_space<semaphore_mem>> -> memref<!tpu.dma_semaphore, #tpu.memory_space<semaphore_mem>>
    tpu.wait_indirect_dma semaphore(%dma_wait3A_202 : memref<!tpu.dma_semaphore, #tpu.memory_space<semaphore_mem>>) src(%dma_wait3A_194 : memref<80x112xf32, #tpu.memory_space<vmem>>) dst(%dma_wait3A_200 : memref<10000x112xf32, #tpu.memory_space<vmem_shared>>)
    %barrier3A_203 = arith.constant 0 : index
    tpu.barrier barrier_id(%barrier3A_203)
    %lt3A_204 = arith.constant 15 : i32
    %lt3A_205 = arith.cmpi slt, %arg1, %lt3A_204 : i32
    %convert_element_type3A_206 = arith.extui %lt3A_205 : i1 to i32
    %cond3A_207 = arith.constant 0 : i32
    %cond3A_208 = arith.cmpi ne, %convert_element_type3A_206, %cond3A_207 : i32
    scf.if %cond3A_208 {
      "tpu.region"() ({
        %run_scoped3A = tpu.sem_alloc : memref<!tpu.dma_semaphore, #tpu.memory_space<semaphore_mem>>
        %dma_start3A_214 = arith.constant 0 : i32
        %dma_start3A_215 = tpu.memref_slice %arg9[%arg0, %mul3A_5, %dma_start3A_214] : memref<2x10000x112xf32, #tpu.memory_space<hbm>> -> memref<1x632x112xf32, #tpu.memory_space<hbm>>
        %dma_start3A_216 = tpu.memref_squeeze %dma_start3A_215 : memref<1x632x112xf32, #tpu.memory_space<hbm>> -> memref<632x112xf32, #tpu.memory_space<hbm>>
        %dma_start3A_217 = arith.constant 0 : i32
        %dma_start3A_218 = tpu.memref_slice %arg10[%mul3A_5, %dma_start3A_217] : memref<10000x112xf32, #tpu.memory_space<vmem_shared>> -> memref<632x112xf32, #tpu.memory_space<vmem_shared>>
        tpu.enqueue_dma source(%dma_start3A_218 : memref<632x112xf32, #tpu.memory_space<vmem_shared>>) target(%dma_start3A_216 : memref<632x112xf32, #tpu.memory_space<hbm>>) target_semaphore(%run_scoped3A : memref<!tpu.dma_semaphore, #tpu.memory_space<semaphore_mem>>)
        %dma_wait3A_219 = arith.constant 0 : i32
        %dma_wait3A_220 = tpu.memref_slice %arg9[%arg0, %mul3A_5, %dma_wait3A_219] : memref<2x10000x112xf32, #tpu.memory_space<hbm>> -> memref<1x632x112xf32, #tpu.memory_space<hbm>>
        %dma_wait3A_221 = tpu.memref_squeeze %dma_wait3A_220 : memref<1x632x112xf32, #tpu.memory_space<hbm>> -> memref<632x112xf32, #tpu.memory_space<hbm>>
        %dma_wait3A_222 = arith.constant 0 : i32
        %dma_wait3A_223 = tpu.memref_slice %arg10[%mul3A_5, %dma_wait3A_222] : memref<10000x112xf32, #tpu.memory_space<vmem_shared>> -> memref<632x112xf32, #tpu.memory_space<vmem_shared>>
        tpu.wait_dma2 semaphore(%run_scoped3A : memref<!tpu.dma_semaphore, #tpu.memory_space<semaphore_mem>>) src(%dma_wait3A_223 : memref<632x112xf32, #tpu.memory_space<vmem_shared>>) dst(%dma_wait3A_221 : memref<632x112xf32, #tpu.memory_space<hbm>>)
        tpu.yield
      }) : () -> ()
    } else {
    }
    %eq3A_209 = arith.constant 15 : i32
    %eq3A_210 = arith.cmpi eq, %arg1, %eq3A_209 : i32
    %convert_element_type3A_211 = arith.extui %eq3A_210 : i1 to i32
    %cond3A_212 = arith.constant 0 : i32
    %cond3A_213 = arith.cmpi ne, %convert_element_type3A_211, %cond3A_212 : i32
    scf.if %cond3A_213 {
      "tpu.region"() ({
        %run_scoped3A = tpu.sem_alloc : memref<!tpu.dma_semaphore, #tpu.memory_space<semaphore_mem>>
        %dma_start3A_214 = arith.constant 0 : i32
        %dma_start3A_215 = tpu.memref_slice %arg9[%arg0, %mul3A_5, %dma_start3A_214] : memref<2x10000x112xf32, #tpu.memory_space<hbm>> -> memref<1x520x112xf32, #tpu.memory_space<hbm>>
        %dma_start3A_216 = tpu.memref_squeeze %dma_start3A_215 : memref<1x520x112xf32, #tpu.memory_space<hbm>> -> memref<520x112xf32, #tpu.memory_space<hbm>>
        %dma_start3A_217 = arith.constant 0 : i32
        %dma_start3A_218 = tpu.memref_slice %arg10[%mul3A_5, %dma_start3A_217] : memref<10000x112xf32, #tpu.memory_space<vmem_shared>> -> memref<520x112xf32, #tpu.memory_space<vmem_shared>>
        tpu.enqueue_dma source(%dma_start3A_218 : memref<520x112xf32, #tpu.memory_space<vmem_shared>>) target(%dma_start3A_216 : memref<520x112xf32, #tpu.memory_space<hbm>>) target_semaphore(%run_scoped3A : memref<!tpu.dma_semaphore, #tpu.memory_space<semaphore_mem>>)
        %dma_wait3A_219 = arith.constant 0 : i32
        %dma_wait3A_220 = tpu.memref_slice %arg9[%arg0, %mul3A_5, %dma_wait3A_219] : memref<2x10000x112xf32, #tpu.memory_space<hbm>> -> memref<1x520x112xf32, #tpu.memory_space<hbm>>
        %dma_wait3A_221 = tpu.memref_squeeze %dma_wait3A_220 : memref<1x520x112xf32, #tpu.memory_space<hbm>> -> memref<520x112xf32, #tpu.memory_space<hbm>>
        %dma_wait3A_222 = arith.constant 0 : i32
        %dma_wait3A_223 = tpu.memref_slice %arg10[%mul3A_5, %dma_wait3A_222] : memref<10000x112xf32, #tpu.memory_space<vmem_shared>> -> memref<520x112xf32, #tpu.memory_space<vmem_shared>>
        tpu.wait_dma2 semaphore(%run_scoped3A : memref<!tpu.dma_semaphore, #tpu.memory_space<semaphore_mem>>) src(%dma_wait3A_223 : memref<520x112xf32, #tpu.memory_space<vmem_shared>>) dst(%dma_wait3A_221 : memref<520x112xf32, #tpu.memory_space<hbm>>)
        tpu.yield
      }) : () -> ()
    } else {
    }
    return
  }
}

module attributes {stable_mosaic.version = 14 : i64} {
  func.func @_pre_edge_body(%arg0: i32, %arg1: memref<8000x16xf32, #tpu.memory_space<vmem>>, %arg2: memref<16x16xf32, #tpu.memory_space<vmem>>, %arg3: memref<8000x32xf32, #tpu.memory_space<vmem>>) attributes {dimension_semantics = [#tpu.dimension_semantics<arbitrary>], iteration_bounds = array<i64: 40>, scalar_prefetch = 0 : i64, scratch_operands = 0 : i64, tpu.core_type = #tpu.core_type<tc>, window_params = [{transform_indices = @transform_0, window_bounds = array<i64: 8000, 16>}, {pipeline_mode = #tpu.pipeline_mode<synchronous>, transform_indices = @transform_1, window_bounds = array<i64: 16, 16>}, {transform_indices = @transform_2, window_bounds = array<i64: 8000, 32>}]} {
    %get3A = arith.constant 0 : index
    %get3A_0 = arith.constant 0 : index
    %get3A_1 = vector.load %arg1[%get3A, %get3A_0] : memref<8000x16xf32, #tpu.memory_space<vmem>>, vector<8000x16xf32>
    %get3A_2 = arith.constant 0 : index
    %get3A_3 = arith.constant 0 : index
    %get3A_4 = vector.load %arg2[%get3A_2, %get3A_3] : memref<16x16xf32, #tpu.memory_space<vmem>>, vector<16x16xf32>
    %dot_general3A = arith.constant dense<0.000000e+00> : vector<8000x16xf32>
    %dot_general3A_5 = tpu.matmul %get3A_1, %get3A_4, %dot_general3A {dimension_numbers = #tpu.dot_dimension_numbers<[1], [0], [0], [1], [0, 0, 1, 1], [], []>, transpose_lhs_hint = false} : vector<8000x16xf32>, vector<16x16xf32>, vector<8000x16xf32> -> vector<8000x16xf32>
    %get3A_6 = arith.constant 0 : index
    %get3A_7 = arith.constant 0 : index
    %get3A_8 = vector.load %arg1[%get3A_6, %get3A_7] : memref<8000x16xf32, #tpu.memory_space<vmem>>, vector<8000x16xf32>
    %concatenate3A = tpu.concatenate %dot_general3A_5, %get3A_8 in 1 : vector<8000x16xf32>, vector<8000x16xf32> -> vector<8000x32xf32>
    %swap3A = arith.constant 0 : index
    %swap3A_9 = arith.constant 0 : index
    %swap3A_10 = vector.load %arg3[%swap3A, %swap3A_9] : memref<8000x32xf32, #tpu.memory_space<vmem>>, vector<8000x32xf32>
    tpu.vector_store %arg3[%swap3A, %swap3A_9], %concatenate3A {strides = array<i32>} : memref<8000x32xf32, #tpu.memory_space<vmem>>, vector<8000x32xf32>,
    return
  }
  func.func @transform_0(%arg0: i32) -> (i32, i32) {
    %c0_i32 = arith.constant 0 : i32
    %c0_i32_0 = arith.constant 0 : i32
    return %arg0, %c0_i32 : i32, i32
  }
  func.func @transform_1(%arg0: i32) -> (i32, i32) {
    %c0_i32 = arith.constant 0 : i32
    %c0_i32_0 = arith.constant 0 : i32
    %c0_i32_1 = arith.constant 0 : i32
    return %c0_i32, %c0_i32_0 : i32, i32
  }
  func.func @transform_2(%arg0: i32) -> (i32, i32) {
    %c0_i32 = arith.constant 0 : i32
    %c0_i32_0 = arith.constant 0 : i32
    return %arg0, %c0_i32 : i32, i32
  }
}

module attributes {stable_mosaic.version = 14 : i64} {
  func.func @_pre_node_body(%arg0: i32, %arg1: memref<2000x128xf32, #tpu.memory_space<vmem>>, %arg2: memref<128x176xf32, #tpu.memory_space<vmem>>, %arg3: memref<2000x80xf32, #tpu.memory_space<vmem>>, %arg4: memref<2000x80xf32, #tpu.memory_space<vmem>>, %arg5: memref<2000x16xf32, #tpu.memory_space<vmem>>) attributes {dimension_semantics = [#tpu.dimension_semantics<arbitrary>], iteration_bounds = array<i64: 5>, scalar_prefetch = 0 : i64, scratch_operands = 0 : i64, tpu.core_type = #tpu.core_type<tc>, window_params = [{transform_indices = @transform_0, window_bounds = array<i64: 2000, 128>}, {pipeline_mode = #tpu.pipeline_mode<synchronous>, transform_indices = @transform_1, window_bounds = array<i64: 128, 176>}, {transform_indices = @transform_2, window_bounds = array<i64: 2000, 80>}, {transform_indices = @transform_3, window_bounds = array<i64: 2000, 80>}, {transform_indices = @transform_4, window_bounds = array<i64: 2000, 16>}]} {
    %get3A = arith.constant 0 : index
    %get3A_0 = arith.constant 0 : index
    %get3A_1 = vector.load %arg1[%get3A, %get3A_0] : memref<2000x128xf32, #tpu.memory_space<vmem>>, vector<2000x128xf32>
    %get3A_2 = arith.constant 0 : index
    %get3A_3 = arith.constant 0 : index
    %get3A_4 = vector.load %arg2[%get3A_2, %get3A_3] : memref<128x176xf32, #tpu.memory_space<vmem>>, vector<128x176xf32>
    %dot_general3A = arith.constant dense<0.000000e+00> : vector<2000x176xf32>
    %dot_general3A_5 = tpu.matmul %get3A_1, %get3A_4, %dot_general3A {dimension_numbers = #tpu.dot_dimension_numbers<[1], [0], [0], [1], [0, 0, 1, 1], [], []>, transpose_lhs_hint = false} : vector<2000x128xf32>, vector<128x176xf32>, vector<2000x176xf32> -> vector<2000x176xf32>
    %slice3A = vector.extract_strided_slice %dot_general3A_5 {offsets = [0, 0], sizes = [2000, 80], strides = [1, 1]} : vector<2000x176xf32> to vector<2000x80xf32>
    %swap3A = arith.constant 0 : index
    %swap3A_6 = arith.constant 0 : index
    %swap3A_7 = vector.load %arg3[%swap3A, %swap3A_6] : memref<2000x80xf32, #tpu.memory_space<vmem>>, vector<2000x80xf32>
    tpu.vector_store %arg3[%swap3A, %swap3A_6], %slice3A {strides = array<i32>} : memref<2000x80xf32, #tpu.memory_space<vmem>>, vector<2000x80xf32>,
    %slice3A_8 = vector.extract_strided_slice %dot_general3A_5 {offsets = [0, 80], sizes = [2000, 80], strides = [1, 1]} : vector<2000x176xf32> to vector<2000x80xf32>
    %swap3A_9 = arith.constant 0 : index
    %swap3A_10 = arith.constant 0 : index
    %swap3A_11 = vector.load %arg4[%swap3A_9, %swap3A_10] : memref<2000x80xf32, #tpu.memory_space<vmem>>, vector<2000x80xf32>
    tpu.vector_store %arg4[%swap3A_9, %swap3A_10], %slice3A_8 {strides = array<i32>} : memref<2000x80xf32, #tpu.memory_space<vmem>>, vector<2000x80xf32>,
    %slice3A_12 = vector.extract_strided_slice %dot_general3A_5 {offsets = [0, 160], sizes = [2000, 16], strides = [1, 1]} : vector<2000x176xf32> to vector<2000x16xf32>
    %swap3A_13 = arith.constant 0 : index
    %swap3A_14 = arith.constant 0 : index
    %swap3A_15 = vector.load %arg5[%swap3A_13, %swap3A_14] : memref<2000x16xf32, #tpu.memory_space<vmem>>, vector<2000x16xf32>
    tpu.vector_store %arg5[%swap3A_13, %swap3A_14], %slice3A_12 {strides = array<i32>} : memref<2000x16xf32, #tpu.memory_space<vmem>>, vector<2000x16xf32>,
    return
  }
  func.func @transform_0(%arg0: i32) -> (i32, i32) {
    %c0_i32 = arith.constant 0 : i32
    %c0_i32_0 = arith.constant 0 : i32
    return %arg0, %c0_i32 : i32, i32
  }
  func.func @transform_1(%arg0: i32) -> (i32, i32) {
    %c0_i32 = arith.constant 0 : i32
    %c0_i32_0 = arith.constant 0 : i32
    %c0_i32_1 = arith.constant 0 : i32
    return %c0_i32, %c0_i32_0 : i32, i32
  }
  func.func @transform_2(%arg0: i32) -> (i32, i32) {
    %c0_i32 = arith.constant 0 : i32
    %c0_i32_0 = arith.constant 0 : i32
    return %arg0, %c0_i32 : i32, i32
  }
  func.func @transform_3(%arg0: i32) -> (i32, i32) {
    %c0_i32 = arith.constant 0 : i32
    %c0_i32_0 = arith.constant 0 : i32
    return %arg0, %c0_i32 : i32, i32
  }
  func.func @transform_4(%arg0: i32) -> (i32, i32) {
    %c0_i32 = arith.constant 0 : i32
    %c0_i32_0 = arith.constant 0 : i32
    return %arg0, %c0_i32 : i32, i32
  }
}

module attributes {stable_mosaic.version = 14 : i64} {
  func.func @_post_body(%arg0: i32, %arg1: memref<2x2000x112xf32, #tpu.memory_space<vmem>>, %arg2: memref<64x64xf32, #tpu.memory_space<vmem>>, %arg3: memref<8x4xf32, #tpu.memory_space<vmem>>, %arg4: memref<2000x192xf32, #tpu.memory_space<vmem>>) attributes {dimension_semantics = [#tpu.dimension_semantics<arbitrary>], iteration_bounds = array<i64: 5>, scalar_prefetch = 0 : i64, scratch_operands = 0 : i64, tpu.core_type = #tpu.core_type<tc>, window_params = [{transform_indices = @transform_0, window_bounds = array<i64: 2, 2000, 112>}, {pipeline_mode = #tpu.pipeline_mode<synchronous>, transform_indices = @transform_1, window_bounds = array<i64: 64, 64>}, {pipeline_mode = #tpu.pipeline_mode<synchronous>, transform_indices = @transform_2, window_bounds = array<i64: 8, 4>}, {transform_indices = @transform_3, window_bounds = array<i64: 2000, 192>}]} {
    %get3A = arith.constant 0 : index
    %get3A_0 = arith.constant 0 : index
    %get3A_1 = arith.constant 0 : index
    %get3A_2 = vector.load %arg1[%get3A, %get3A_0, %get3A_1] : memref<2x2000x112xf32, #tpu.memory_space<vmem>>, vector<1x2000x112xf32>
    %get3A_3 = vector.shape_cast %get3A_2 : vector<1x2000x112xf32> to vector<2000x112xf32>
    %get3A_4 = arith.constant 1 : index
    %get3A_5 = arith.constant 0 : index
    %get3A_6 = arith.constant 0 : index
    %get3A_7 = vector.load %arg1[%get3A_4, %get3A_5, %get3A_6] : memref<2x2000x112xf32, #tpu.memory_space<vmem>>, vector<1x2000x112xf32>
    %get3A_8 = vector.shape_cast %get3A_7 : vector<1x2000x112xf32> to vector<2000x112xf32>
    %slice3A = vector.extract_strided_slice %get3A_3 {offsets = [0, 0], sizes = [2000, 64], strides = [1, 1]} : vector<2000x112xf32> to vector<2000x64xf32>
    %slice3A_9 = vector.extract_strided_slice %get3A_8 {offsets = [0, 0], sizes = [2000, 64], strides = [1, 1]} : vector<2000x112xf32> to vector<2000x64xf32>
    %concatenate3A = tpu.concatenate %slice3A, %slice3A_9 in 1 : vector<2000x64xf32>, vector<2000x64xf32> -> vector<2000x128xf32>
    %slice3A_10 = vector.extract_strided_slice %get3A_3 {offsets = [0, 64], sizes = [2000, 32], strides = [1, 1]} : vector<2000x112xf32> to vector<2000x32xf32>
    %slice3A_11 = vector.extract_strided_slice %get3A_8 {offsets = [0, 64], sizes = [2000, 32], strides = [1, 1]} : vector<2000x112xf32> to vector<2000x32xf32>
    %concatenate3A_12 = tpu.concatenate %slice3A_10, %slice3A_11 in 1 : vector<2000x32xf32>, vector<2000x32xf32> -> vector<2000x64xf32>
    %slice3A_13 = vector.extract_strided_slice %get3A_3 {offsets = [0, 96], sizes = [2000, 4], strides = [1, 1]} : vector<2000x112xf32> to vector<2000x4xf32>
    %slice3A_14 = vector.extract_strided_slice %get3A_8 {offsets = [0, 96], sizes = [2000, 4], strides = [1, 1]} : vector<2000x112xf32> to vector<2000x4xf32>
    %add3A = arith.addf %slice3A_13, %slice3A_14 : vector<2000x4xf32>
    %get3A_15 = arith.constant 0 : index
    %get3A_16 = arith.constant 0 : index
    %get3A_17 = vector.load %arg3[%get3A_15, %get3A_16] : memref<8x4xf32, #tpu.memory_space<vmem>>, vector<1x4xf32>
    %add3A_18 = arith.constant 9.99999971E-10 : f32
    %add3A_19 = vector.broadcast %add3A_18 : f32 to vector<2000x4xf32>
    %add3A_20 = arith.addf %add3A, %add3A_19 : vector<2000x4xf32>
    %div3A = vector.broadcast %get3A_17 : vector<1x4xf32> to vector<2000x4xf32>
    %div3A_21 = arith.divf %div3A, %add3A_20 : vector<2000x4xf32>
    %broadcast_in_dim3A = vector.shape_cast %div3A_21 : vector<2000x4xf32> to vector<2000x4x1xf32>
    %broadcast_in_dim3A_22 = vector.shape_cast %broadcast_in_dim3A : vector<2000x4x1xf32> to vector<2000x4x1xf32>
    %broadcast_in_dim3A_23 = vector.broadcast %broadcast_in_dim3A_22 : vector<2000x4x1xf32> to vector<2000x4x32xf32>
    %reshape3A = vector.shape_cast %broadcast_in_dim3A_23 : vector<2000x4x32xf32> to vector<2000x128xf32>
    %broadcast_in_dim3A_24 = vector.shape_cast %div3A_21 : vector<2000x4xf32> to vector<2000x4x1xf32>
    %broadcast_in_dim3A_25 = vector.shape_cast %broadcast_in_dim3A_24 : vector<2000x4x1xf32> to vector<2000x4x1xf32>
    %broadcast_in_dim3A_26 = vector.broadcast %broadcast_in_dim3A_25 : vector<2000x4x1xf32> to vector<2000x4x16xf32>
    %reshape3A_27 = vector.shape_cast %broadcast_in_dim3A_26 : vector<2000x4x16xf32> to vector<2000x64xf32>
    %mul3A = arith.mulf %concatenate3A, %reshape3A : vector<2000x128xf32>
    %mul3A_28 = arith.mulf %concatenate3A_12, %reshape3A_27 : vector<2000x64xf32>
    %get3A_29 = arith.constant 0 : index
    %get3A_30 = arith.constant 0 : index
    %get3A_31 = vector.load %arg2[%get3A_29, %get3A_30] : memref<64x64xf32, #tpu.memory_space<vmem>>, vector<64x64xf32>
    %dot_general3A = arith.constant dense<0.000000e+00> : vector<2000x64xf32>
    %dot_general3A_32 = tpu.matmul %mul3A_28, %get3A_31, %dot_general3A {dimension_numbers = #tpu.dot_dimension_numbers<[1], [0], [0], [1], [0, 0, 1, 1], [], []>, transpose_lhs_hint = false} : vector<2000x64xf32>, vector<64x64xf32>, vector<2000x64xf32> -> vector<2000x64xf32>
    %concatenate3A_33 = tpu.concatenate %mul3A, %dot_general3A_32 in 1 : vector<2000x128xf32>, vector<2000x64xf32> -> vector<2000x192xf32>
    %swap3A = arith.constant 0 : index
    %swap3A_34 = arith.constant 0 : index
    %swap3A_35 = vector.load %arg4[%swap3A, %swap3A_34] : memref<2000x192xf32, #tpu.memory_space<vmem>>, vector<2000x192xf32>
    tpu.vector_store %arg4[%swap3A, %swap3A_34], %concatenate3A_33 {strides = array<i32>} : memref<2000x192xf32, #tpu.memory_space<vmem>>, vector<2000x192xf32>,
    return
  }
  func.func @transform_0(%arg0: i32) -> (i32, i32, i32) {
    %c0_i32 = arith.constant 0 : i32
    %c0_i32_0 = arith.constant 0 : i32
    %c0_i32_1 = arith.constant 0 : i32
    return %c0_i32, %arg0, %c0_i32_0 : i32, i32, i32
  }
  func.func @transform_1(%arg0: i32) -> (i32, i32) {
    %c0_i32 = arith.constant 0 : i32
    %c0_i32_0 = arith.constant 0 : i32
    %c0_i32_1 = arith.constant 0 : i32
    return %c0_i32, %c0_i32_0 : i32, i32
  }
  func.func @transform_2(%arg0: i32) -> (i32, i32) {
    %c0_i32 = arith.constant 0 : i32
    %c0_i32_0 = arith.constant 0 : i32
    %c0_i32_1 = arith.constant 0 : i32
    return %c0_i32, %c0_i32_0 : i32, i32
  }
  func.func @transform_3(%arg0: i32) -> (i32, i32) {
    %c0_i32 = arith.constant 0 : i32
    %c0_i32_0 = arith.constant 0 : i32
    return %arg0, %c0_i32 : i32, i32
  }
}

</mosaic_0001>

<sc_bundles>
// kernel: kernel.6.cloned.1.call-start
scs
__scs_entry_jumppad:
0x0: {  	(pc) =	sbr.rel $0x88, $3  }
0x1: {  	(tag) =	ssettag $0x0;
	lr =	simm.s32 $0x1  }
0x2: {  	[smem:$0x3F98] =	sst lr;
	_ =	strace $0xD0000000  }
0x3: {  	_ = 	snop  }
0x4: {  	_ = 	snop  }
0x5: {  	_ = 	snop  }
0x6: {  	_ = 	snop  }
0x7: {  	_ = 	snop  }
__scs_overlays_trampoline_lowered:
0x8: {  	[smem:$0x3FA7] =	sst s0  }
0x9: {  	[smem:$0x3FA8] =	sst s1  }
0xa: {  	[smem:$0x3FA9] =	sst s2  }
0xb: {  	[smem:$0x3FAA] =	sst s3  }
0xc: {  	[smem:$0x3FAB] =	sst s4  }
0xd: {  	[smem:$0x3FAC] =	sst s5  }
0xe: {  	[smem:$0x3FAD] =	sst s6  }
0xf: {  	[smem:$0x3FAE] =	sst s7  }
0x10: {  	[smem:$0x3FAF] =	sst s8  }
0x11: {  	[smem:$0x3FB0] =	sst s9;
	s0 =	simm.s32 @!p0 $0x0  }
0x12: {  	s1 =	sld [smem:$0x3F96];
	s0 =	simm.s32 @p0 $0x1  }
0x13: {  	[smem:$0x3FB1] =	sst s0;
	s0 =	simm.s32 @!p1 $0x0  }
0x14: {  	s2 =	sld [smem:$0x3F95];
	s0 =	simm.s32 @p1 $0x1  }
0x15: {  	[smem:$0x3FB2] =	sst s0;
	s0 =	simm.s32 @!p2 $0x0  }
0x16: {  	s3 =	sld [smem:$0x3FDB];
	s0 =	simm.s32 @p2 $0x1  }
0x17: {  	s4 =	simm.s32 $0x1BF5;
	[smem:$0x3FB4] =	sst s0  }
0x18: {  	s0 =	sld [smem:$0x3F97];
	_ =	swait.ge [sflag:s4], $0x0  }
0x19: {  	s7 =	sld [smem:$0x3F98]  }
0x1a: {  	s8 =	sadd.s32 $0xFFFFE003, lr  }
0x1b: {  	s9 =	sadd.s32 $0xFFFFFEF7, lr;
	s5 =	simm.s32 $0xFFFFFFFF;
	p2 =	slt.u32 s8, $0xFFFFF086  }
0x1c: {  	p1 =	slt.u32 s9, $0xF7A;
	s5 =	simm.s32 @!p2 $0x0  }
0x1d: {  	s5 =	simm.s32 @p1 $0x1;
	p0 =	seq.s32 s7, s2  }
0x1e: {  	s7 =	smul.u32 @!p0 $0xF7A, s2;
	p2 =	seq.s32 @!p0 s5, $0x0  }
0x1f: {  	s9 =	smul.u32 $0xF7A, s1;
	s8 =	simm.s32 @!p0 $0x1BF5;
	p2 =	por !p2, p0  }
0x20: {  	[sflag:s8] =	ssyncset.s32 @!p0 $0xFFFFF086;
	s6 =	sadd.s32 @!p0 s3, s7;
	s7 =	simm.s32 @!p0 $0x108  }
0x21: {  	s3 =	sadd.s32 s3, s9;
	s6 =	sadd.s32 @!p0 $0x88, s6;
	s7 =	simm.s32 @p2 $0x1082  }
0x22: {  	[simem:s7], [sflag:s8] =	dma.local @!p0 [hbm:s6], $0xF7A  }
0x23: {  	s9 =	sor.u32 $0xD0000000, s2;
	s6 =	simm.s32 $0x108;
	_ =	swait.ge @!p0 [sflag:s8], $0x0  }
0x24: {  	s3 =	sadd.s32 $0x88, s3;
	s6 =	simm.s32 @!p1 $0x1082;
	[sflag:s4] =	ssyncset.s32 $0xFFFFF086  }
0x25: {  	[simem:s6], [sflag:s4] =	dma.local [hbm:s3], $0xF7A  }
0x26: {  	[smem:$0x3F98] =	sst s1;
	(tag) =	ssettag s2;
	_ =	strace s9  }
0x27: {  	s1 =	sld [smem:$0x3FA8]  }
0x28: {  	s2 =	sld [smem:$0x3FA9]  }
0x29: {  	s4 =	sld [smem:$0x3FAB]  }
0x2a: {  	p0 =	seq.s32 s5, $0x0;
	s5 =	sld [smem:$0x3FAC]  }
0x2b: {  	s6 =	sld [smem:$0x3FAD]  }
0x2c: {  	s7 =	sld [smem:$0x3FAE]  }
0x2d: {  	s3 =	simm.s32 $0x108;
	s8 =	sld [smem:$0x3FAF]  }
0x2e: {  	s3 =	simm.s32 @!p0 $0x1082;
	s9 =	sld [smem:$0x3FB0]  }
0x2f: {  	lr =	sadd.s32 s0, s3;
	s0 =	sld [smem:$0x3FA7]  }
0x30: {  	s3 =	sld [smem:$0x3FAA]  }
0x31: {  	[smem:$0x3FB3] =	sst s10  }
0x32: {  	s10 =	sld [smem:$0x3FB1];
	_ =	sdelay $0x3  }
0x33: {  	p0 =	seq.s32 s10, $0x1;
	s10 =	sld [smem:$0x3FB3];
	_ =	sdelay $0x3  }
0x34: {  	[smem:$0x3FB3] =	sst s10  }
0x35: {  	s10 =	sld [smem:$0x3FB2];
	_ =	sdelay $0x3  }
0x36: {  	p1 =	seq.s32 s10, $0x1;
	s10 =	sld [smem:$0x3FB3];
	_ =	sdelay $0x3  }
0x37: {  	[smem:$0x3FB3] =	sst s10  }
0x38: {  	s10 =	sld [smem:$0x3FB4]  }
0x39: {  	_ = 	snop;
	(pc) =	sbr.ind lr, $3  }
0x3a: {  	_ = 	snop  }
0x3b: {  	_ = 	snop  }
0x3c: {  	p2 =	seq.s32 s10, $0x1;
	s10 =	sld [smem:$0x3FB3]  }
0x3d: {  	_ =	shalt  }
0x3e: {  	_ =	shalt  }
0x3f: {  	_ =	shalt  }
0x40: {  	_ =	shalt  }
0x41: {  	_ =	shalt  }
0x42: {  	_ =	shalt  }
0x43: {  	_ =	shalt  }
0x44: {  	_ =	shalt  }
0x45: {  	_ =	shalt  }
0x46: {  	_ =	shalt  }
0x47: {  	_ =	shalt  }
0x48: {  	_ =	shalt  }
0x49: {  	_ =	shalt  }
0x4a: {  	_ =	shalt  }
0x4b: {  	_ =	shalt  }
0x4c: {  	_ =	shalt  }
0x4d: {  	_ =	shalt  }
0x4e: {  	_ =	shalt  }
0x4f: {  	_ =	shalt  }
0x50: {  	_ =	shalt  }
0x51: {  	_ =	shalt  }
0x52: {  	_ =	shalt  }
0x53: {  	_ =	shalt  }
0x54: {  	_ =	shalt  }
0x55: {  	_ =	shalt  }
0x56: {  	_ =	shalt  }
0x57: {  	_ =	shalt  }
0x58: {  	_ =	shalt  }
0x59: {  	_ =	shalt  }
0x5a: {  	_ =	shalt  }
0x5b: {  	_ =	shalt  }
0x5c: {  	_ =	shalt  }
0x5d: {  	_ =	shalt  }
0x5e: {  	_ =	shalt  }
0x5f: {  	_ =	shalt  }
0x60: {  	_ =	shalt  }
0x61: {  	_ =	shalt  }
0x62: {  	_ =	shalt  }
0x63: {  	_ =	shalt  }
0x64: {  	_ =	shalt  }
0x65: {  	_ =	shalt  }
0x66: {  	_ =	shalt  }
0x67: {  	_ =	shalt  }
0x68: {  	_ =	shalt  }
0x69: {  	_ =	shalt  }
0x6a: {  	_ =	shalt  }
0x6b: {  	_ =	shalt  }
0x6c: {  	_ =	shalt  }
0x6d: {  	_ =	shalt  }
0x6e: {  	_ =	shalt  }
0x6f: {  	_ =	shalt  }
0x70: {  	_ =	shalt  }
0x71: {  	_ =	shalt  }
0x72: {  	_ =	shalt  }
0x73: {  	_ =	shalt  }
0x74: {  	_ =	shalt  }
0x75: {  	_ =	shalt  }
0x76: {  	_ =	shalt  }
0x77: {  	_ =	shalt  }
0x78: {  	_ =	shalt  }
0x79: {  	_ =	shalt  }
0x7a: {  	_ =	shalt  }
0x7b: {  	_ =	shalt  }
0x7c: {  	_ =	shalt  }
0x7d: {  	_ =	shalt  }
0x7e: {  	_ =	shalt  }
0x7f: {  	_ =	shalt  }
0x80: {  	_ =	shalt  }
0x81: {  	_ =	shalt  }
0x82: {  	_ =	shalt  }
0x83: {  	_ =	shalt  }
0x84: {  	_ =	shalt  }
0x85: {  	_ =	shalt  }
0x86: {  	_ =	shalt  }
0x87: {  	_ =	shalt  }
.Lfunc_end0:
.L_simem_size_0:
called_computation_lowered:
.L_overlay_start_0:
0x88: {  	s2 =	sld [smem:$0x3FD9]  }
0x89: {  	s3 =	sld [smem:$0x3FFE];
	_ =	sdelay $0x1  }
0x8a: {  	s1 =	srdreg.scid  }
0x8b: {  	s0 =	sand.u32 $0x1, s1  }
0x8c: {  	s17 =	sshll.u32 s0, $0xA;
	s2 =	sadd.s32 s3, s2  }
0x8d: {  	s2 =	sadd.s32 s2, s17  }
0x8e: {  	[smem:$0x3FBF] =	sst s2  }
0x8f: {  	_ = 	snop  }
0x90: {  	s2 =	sld [smem:$0x3FD0];
	(tm) =	ssettm $0x1  }
0x91: {  	s18 =	sld [smem:$0x3FFB];
	_ =	sdelay $0x3  }
0x92: {  	_ =	strace s18  }
0x93: {  	s3 =	sld [smem:$0x3FFC];
	_ =	sdelay $0x3  }
0x94: {  	_ =	strace s3  }
0x95: {  	s3 =	sld [smem:$0x3FFD];
	_ =	sdelay $0x3  }
0x96: {  	_ =	strace s3  }
0x97: {  	_ =	strace $0x8FFFFFFF  }
0x98: {  	s19 =	sld [smem:$0x3FDB];
	_ =	sdelay $0x1  }
0x99: {  	s4 =	simm.s32 $_scs_section_size  }
0x9a: {  	s5 =	simm.s32 $_size__tile_overlayer_lowered;
	s6 =	simm.s32 $_tile_overlayer_lowered  }
0x9b: {  	s22 =	simm.s32 $0x1BFF;
	s21 =	sshll.u32 s6, $0x1;
	s3 =	sadd.s32 s4, s19  }
0x9c: {  	s7 =	simm.s32 $0x0;
	s20 =	sshll.u32 s5, $0x1;
	s5 =	sadd.s32 s21, s3  }
0x9d: {  	[timem:s7], [sflag:s22] =	dma.local [hbm:s5], s20  }
0x9e: {  	_ =	swait.ge [sflag:s22], s20  }
0x9f: {  	s4 =	ssub.s32 $0x0, s20;
	[sflag:s22] =	ssyncset.done $0x0  }
0xa0: {  	[sflag:s22] =	ssyncadd.s32 s4;
	_ =	sdelay $0x1  }
0xa1: {  	s23 =	simm.s32 $0x1B8B  }
0xa2: {  	_ =	swait.ge [sflag:s23], $0x1  }
0xa3: {  	[sflag:s23] =	ssyncset.done $0x0  }
0xa4: {  	s25 =	simm.s32 $0x1B8E;
	s24 =	sld [smem:$0x3FFE];
	[sflag:s23] =	ssyncadd.s32 $0xFFFFFFFF  }
0xa5: {  	s26 =	simm.s32 $execute0_lowered;
	[smem:$0x3FD2] =	sst s25  }
0xa6: {  	s5 =	sshll.u32 s26, $0x1;
	_ =	strace $0x80000046;
	[dreg:$0x1] =	wrdreg $0xFFFFFFFF  }
0xa7: {  	s28 =	simm.s32 $_size_execute0_lowered;
	s3 =	sadd.s32 s3, s5;
	[dreg:$0x0] =	wrdreg $0x0  }
0xa8: {  	s5 =	sshll.u32 s28, $0x1;
	[dreg:$0x2] =	wrdreg s3  }
0xa9: {  	[dreg:$0x3] =	wrdreg s5  }
0xaa: {  	[dreg:$0x4] =	wrdreg $0xC0  }
0xab: {  	_ =	task [dreg:s7], $0x5FFFF  }
0xac: {  	[dreg:$0x1] =	wrdreg $0xFFFFFFFF  }
0xad: {  	[dreg:$0x0] =	wrdreg $0x60  }
0xae: {  	[dreg:$0x2] =	wrdreg s24  }
0xaf: {  	[dreg:$0x3] =	wrdreg s2  }
0xb0: {  	[dreg:$0x4] =	wrdreg $0x0  }
0xb1: {  	[dreg:$0x5] =	wrdreg $0x9  }
0xb2: {  	_ =	task.clear_ibuf [dreg:s7], $0x6FFFF;
	_ =	strace $0x90000046  }
0xb3: {  	s29 =	simm.s32 $0x9;
	_ =	strace $0x80000048  }
0xb4: {  	_ =	swait.ge [sflag:s29], $0x1  }
0xb5: {  	[sflag:s29] =	ssyncadd.s32 $0xFFFFFFFF  }
0xb6: {  	_ =	strace $0x90000048  }
0xb7: {  	_ =	sfence  }
0xb8: {  	s30 =	sld [smem:$0x0];
	_ =	sdelay $0x2  }
0xb9: {  	s31 =	sshll.u32 s1, $0xD;
	s1 =	sshrl.u32 s1, $0x2  }
0xba: {  	s3 =	sand.u32 $0x4000, s31;
	s1 =	sadd.s32 s1, s30  }
0xbb: {  	s0 =	sor.u32 s3, s0;
	s1 =	sshll.u32 s1, $0x11  }
0xbc: {  	s0 =	sor.u32 s1, s0  }
0xbd: {  	s0 =	sadd.s32 $0x8F2B, s0  }
0xbe: {  	[sflag:s0] =	ssyncadd.remote.s32 $0x1  }
0xbf: {  	_ =	sfence.sel $0xFFFF  }
0xc0: {  	[dreg:$0x0] =	wrdreg $0xFFFFFFFF;
	(pc) =	sbr.abs _section_cstart, $3  }
0xc1: {  	[dreg:$0x1] =	wrdreg $0xFFFFFFFF  }
0xc2: {  	_ =	task.clear_ibuf [dreg:s7], $0x2FFFF;
	_ =	strace $0x9FFFFFFF  }
0xc3: {  	(tm) =	ssettm $0x7FFFFFFF  }
tec
execute0_lowered:
.L_overlay_start_1:
0x0: {  	(tag) =	ssettag $0x1  }
0x1: {  	s0 =	rddreg [dreg:$0x0]  }
0x2: {  	s2 =	rddreg [dreg:$0x1]  }
0x3: {  	s1 =	rddreg [dreg:$0x2]  }
0x4: {  	s3 =	simm.s32 $0x0;
	s22 =	srdreg.scid;
	s17 =	stileid.u32  }
0x5: {  	s28 =	simm.s32 $0x50;
	s31 =	simm.s32 $0x111C0;
	s29 =	simm.s32 $0x6  }
0x6: {  	s30 =	simm.s32 $0x4;
	[smem:$0x7FF] =	sst s3;
	s7 =	sadd.s32 $0x14CE00, s0  }
0x7: {  	s4 =	sadd.s32 $0xA800, s0;
	s9 =	smul.u32 $0x45200, s17;
	s8 =	sadd.s32 $0x165600, s0  }
0x8: {  	s5 =	sadd.s32 $0xA00, s0;
	s10 =	sadd.s32 $0x16A600, s0;
	s12 =	smul.u32 $0x4E20, s17  }
0x9: {  	s6 =	sadd.s32 $0x14600, s0;
	s0 =	sadd.s32 $0x16CA00, s0;
	s13 =	smul.u32 $0x13880, s17  }
0xa: {  	s3 =	sand.u32 $0x1, s22;
	s24 =	sadd.s32 $0x103380, s1;
	s16 =	smul.u32 $0x11480, s17  }
0xb: {  	_ =	strace $0x80000047;
	[dreg:$0x4] =	wrdreg s10;
	s23 =	ssub.s32 $0x2, s3  }
0xc: {  	[dreg:$0x5] =	wrdreg s24;
	s15 =	smul.u32 $0x111700, s3;
	p0 =	seq.s32 s3, $0x0  }
0xd: {  	s24 =	sshll.u32 s3, $0x1;
	v1 =	vmov s3;
	s3 =	simm.s32 $0x18650;
	s11 =	sshrl.u32 s23, $0x1  }
0xe: {  	s9 =	sshrl.u32 s9, $0x2;
	s25 =	sshrl.u32 s12, $0x3;
	s26 =	sadd.s32 $0x50, s12  }
0xf: {  	v0 =	vlaneseq.u32;
	s13 =	sadd.s32 s6, s13;
	s7 =	smov.u32 @p0 s2;
	p0 =	seq.s32 s17, $0xF  }
0x10: {  	v2 =	vshrl.u32 v0, $0x1;
	v0 =	vmov s24;
	s24 =	simm.s32 $0x112B0;
	s10 =	ssub.s32 s23, s11;
	s9 =	sadd.s32 s9, s1  }
0x11: {  	s14 =	sadd.s32 s4, s25;
	s11 =	sadd.s32 s5, s25;
	s18 =	sshrl.u32 s26, $0x3  }
0x12: {  	[dreg:$0x8] =	wrdreg s13;
	s20 =	sshll.u32 s26, $0x2;
	s21 =	sadd.s32 s16, s15  }
0x13: {  	s23 =	sshrl.u32 s15, $0x3;
	s25 =	simm.s32 $0x11300;
	[dreg:$0x6] =	wrdreg s14  }
0x14: {  	s13 =	simm.s32 $0x3;
	[dreg:$0x7] =	wrdreg s11;
	s19 =	sadd.s32 s4, s18  }
0x15: {  	s15 =	simm.s32 $0x0;
	s11 =	sadd.s32 s5, s18;
	[dreg:$0x9] =	wrdreg s19  }
0x16: {  	s22 =	sshrl.u32 s21, $0x3;
	s26 =	smax.u32 s10, $0x1;
	[dreg:$0xa] =	wrdreg s11  }
0x17: {  	s18 =	sadd.s32 $0xA0, s12;
	s11 =	sadd.s32 s6, s20;
	[dreg:$0xe] =	wrdreg s26  }
0x18: {  	s12 =	simm.s32 $0x12C50;
	s14 =	simm.s32 $0x16350;
	[dreg:$0xb] =	wrdreg s11  }
.Ltmp0:
0x19: {  	s11 =	sadd.s32 s0, s22;
	s0 =	sadd.s32 s0, s23;
	(pc) =	sbr.rel .LBB2_1-.Ltmp0, $4  }
0x1a: {  	s26 =	simm.s32 $0x1;
	[dreg:$0xc] =	wrdreg s11;
	s0 =	sadd.s32 $0x20670, s0  }
0x1b: {  	s11 =	sadd.s32 s16, s1;
	[dreg:$0xd] =	wrdreg s0;
	s0 =	sshrl.u32 @!p0 s9, $0x3  }
0x1c: {  	vm0 =	vmmov $0xf;
	vm1 =	veq.s32 v1, v2;
	s22 =	simm.s32 $0x14A50;
	[dreg:$0xf] =	wrdreg s0;
	s0 =	sshrl.u32 @!p0 s11, $0x3  }
0x1d: {  	vm1 =	vmand vm1, vm0;
	v1 =	vor.u32 $0x1, v0;
	s11 =	simm.s32 $0x2;
	[dreg:$0x10] =	wrdreg s0;
	s0 =	simm.s32 $0x11260  }
.LBB2_10:
0x1e: {  	s2 =	simm.s32 $0x5  }
0x1f: {  	_ =	swait.ge [sflag:s2], $0x2300  }
0x20: {  	[sflag:s2] =	ssyncset.done $0x0  }
0x21: {  	[sflag:s2] =	ssyncadd.s32 $0xFFFFDD00  }
0x22: {  	_ =	swait.ge [sflag:s29], $0x2300  }
0x23: {  	[sflag:s29] =	ssyncset.done $0x0  }
0x24: {  	[sflag:s29] =	ssyncadd.s32 $0xFFFFDD00  }
0x25: {  	[bflag:$0x0] =	sbarrier.arrive $0xFFFF  }
0x26: {  	s9 =	rddreg [dreg:$0xd]  }
0x27: {  	s2 =	simm.s32 @p0 $0x1FC7;
	s10 =	rddreg [dreg:$0x11]  }
0x28: {  	[hbm:s9], [sflag:s2] =	dma.local @p0 [spmem:s10], $0x1C70  }
0x29: {  	s2 =	simm.s32 @p0 $0x7  }
0x2a: {  	_ =	swait.ge @p0 [sflag:s2], $0x1C70  }
0x2b: {  	[sflag:s2] =	ssyncset.done @p0 $0x0;
	s9 =	rddreg [dreg:$0x10]  }
0x2c: {  	[sflag:s2] =	ssyncadd.s32 @p0 $0xFFFFE390;
	s2 =	rddreg [dreg:$0xc]  }
0x2d: {  	[hbm:s2], [sflag:s17] =	dma.local @!p0 [spmem:s9], $0x2290  }
0x2e: {  	s2 =	simm.s32 @!p0 $0x7  }
0x2f: {  	_ =	swait.ge @!p0 [sflag:s2], $0x2290  }
0x30: {  	s15 =	sadd.s32 $0x1, s15;
	s23 =	rddreg [dreg:$0xe]  }
0x31: {  	p1 =	sne.s32 s15, s23  }
.Ltmp1:
0x32: {  	_ = 	snop;
	(pc) =	sbr.rel @!p1 .LBB2_11-.Ltmp1, $3  }
0x33: {  	_ =	sdelay $0x1  }
0x34: {  	[sflag:s2] =	ssyncset.done @!p0 $0x0  }
0x35: {  	[sflag:s2] =	ssyncadd.s32 @!p0 $0xFFFFDD70  }
.LBB2_1:
0x36: {  	s2 =	rddreg [dreg:$0x5]  }
0x37: {  	s10 =	rddreg [dreg:$0x4];
	s9 =	sshrl.u32 @p0 s2, $0x3  }
0x38: {  	s2 =	simm.s32 @p0 $0x1FC7;
	[dreg:$0x11] =	wrdreg s9  }
0x39: {  	[spmem:s9], [sflag:s2] =	dma.local @p0 [hbm:s10], $0x1C70  }
0x3a: {  	s2 =	simm.s32 @p0 $0x7  }
0x3b: {  	s9 =	stileid.u32;
	_ =	swait.ge @p0 [sflag:s2], $0x1C70  }
0x3c: {  	s9 =	sshll.u32 @!p0 s9, $0x6;
	[sflag:s2] =	ssyncset.done @p0 $0x0  }
0x3d: {  	s17 =	sor.u32 @!p0 $0x1C07, s9;
	[sflag:s2] =	ssyncadd.s32 @p0 $0xFFFFE390;
	s2 =	rddreg [dreg:$0xf]  }
0x3e: {  	[spmem:s2], [sflag:s17] =	dma.local @!p0 [hbm:s10], $0x2290  }
0x3f: {  	s2 =	simm.s32 @!p0 $0x7  }
0x40: {  	_ =	swait.ge @!p0 [sflag:s2], $0x2290  }
0x41: {  	[sflag:s2] =	ssyncset.done @!p0 $0x0  }
0x42: {  	[sflag:s2] =	ssyncadd.s32 @!p0 $0xFFFFDD70  }
0x43: {  	[bflag:$0x0] =	sbarrier.arrive $0xFFFF  }
0x44: {  	s10 =	simm.s32 $0x11170;
	s2 =	simm.s32 $0x0;
	s19 =	rddreg [dreg:$0x6]  }
0x45: {  	[tilespmem:s10], [sflag:$0x1] =	stream.linear.gather [hbm4b:s19+s2], $0x50, $0x38;
	[tilespmem:$0x1A950] =	vst v63  }
0x46: {  	s16 =	simm.s32 $0x11210;
	s20 =	rddreg [dreg:$0x7]  }
0x47: {  	[tilespmem:s16], [sflag:$0x1] =	stream.linear.gather [hbm4b:s20+s2], $0x50, $0x38;
	[tilespmem:$0x1A950] =	vst v63  }
0x48: {  	s21 =	rddreg [dreg:$0x8];
	s19 =	simm.s32 $0x11350  }
0x49: {  	[tilespmem:s19], [sflag:$0x1] =	stream.linear.gather [hbm4b:s21+s2], $0xA00, $0x38;
	[tilespmem:$0x1A950] =	vst v63  }
0x4a: {  	_ =	swait.ge [sflag:s26], $0x50  }
0x4b: {  	[sflag:s26] =	ssyncset.done $0x0  }
0x4c: {  	[sflag:s26] =	ssyncadd.s32 $0xFFFFFFB0  }
0x4d: {  	_ =	swait.ge [sflag:s26], $0x50  }
0x4e: {  	[sflag:s26] =	ssyncset.done $0x0  }
0x4f: {  	[sflag:s26] =	ssyncadd.s32 $0xFFFFFFB0  }
0x50: {  	_ =	swait.ge [sflag:s26], $0xA00  }
0x51: {  	[sflag:s26] =	ssyncset.done $0x0  }
0x52: {  	s23 =	simm.s32 $0x12750;
	[sflag:s26] =	ssyncadd.s32 $0xFFFFF600  }
0x53: {  	[tilespmem:s23], [sflag:$0x3] =	stream.indirect.gather [hbm4b:s8+s28], $0x10, s16, s28, $0xb8;
	[tilespmem:$0x1A950] =	vst v63  }
0x54: {  	s16 =	simm.s32 $0x13150  }
0x55: {  	[tilespmem:s16], [sflag:$0x3] =	stream.indirect.gather [hbm4b:s7+s28], $0x50, s10, s28, $0xb8;
	[tilespmem:$0x1A950] =	vst v63  }
0x56: {  	s19 =	rddreg [dreg:$0x9]  }
0x57: {  	[tilespmem:s31], [sflag:$0x2] =	stream.linear.gather [hbm4b:s19+s2], $0x50, $0x38;
	[tilespmem:$0x1A950] =	vst v63  }
.Ltmp2:
0x58: {  	_ = 	snop;
	(pc) =	sbr.rel .LBB2_2-.Ltmp2, $4  }
0x59: {  	s20 =	rddreg [dreg:$0xa]  }
0x5a: {  	[tilespmem:s0], [sflag:$0x2] =	stream.linear.gather [hbm4b:s20+s2], $0x50, $0x38;
	[tilespmem:$0x1A950] =	vst v63  }
0x5b: {  	s21 =	rddreg [dreg:$0xb];
	s23 =	simm.s32 $0x11D50;
	s19 =	simm.s32 $0x0  }
0x5c: {  	[tilespmem:s23], [sflag:$0x2] =	stream.linear.gather [hbm4b:s21+s2], $0xA00, $0x38;
	[tilespmem:$0x1A950] =	vst v63  }
.LBB2_9:
0x5d: {  	s19 =	sadd.s32 $0x1, s19  }
0x5e: {  	p1 =	sne.s32 s19, $0xFA  }
.Ltmp3:
0x5f: {  	_ = 	snop;
	(pc) =	sbr.rel @!p1 .LBB2_10-.Ltmp3, $1  }
0x60: {  	_ =	sdelay $0x3  }
.LBB2_2:
0x61: {  	s20 =	sand.u32 $0x1, s19  }
0x62: {  	p1 =	seq.s32 s20, $0x1  }
.Ltmp4:
0x63: {  	_ = 	snop;
	(pc) =	sbr.rel @p1 .LBB2_6-.Ltmp4, $1  }
0x64: {  	_ =	sdelay $0x3  }
0x65: {  	_ =	swait.ge [sflag:s11], $0x50  }
0x66: {  	[sflag:s11] =	ssyncset.done $0x0  }
0x67: {  	[sflag:s11] =	ssyncadd.s32 $0xFFFFFFB0  }
0x68: {  	_ =	swait.ge [sflag:s11], $0x50  }
0x69: {  	[sflag:s11] =	ssyncset.done $0x0  }
0x6a: {  	[sflag:s11] =	ssyncadd.s32 $0xFFFFFFB0  }
0x6b: {  	_ =	swait.ge [sflag:s11], $0xA00  }
0x6c: {  	[sflag:s11] =	ssyncset.done $0x0  }
0x6d: {  	p1 =	slt.u32 s19, $0x2;
	[sflag:s11] =	ssyncadd.s32 $0xFFFFF600  }
0x6e: {  	[tilespmem:s12], [sflag:$0x4] =	stream.indirect.gather [hbm4b:s8+s28], $0x10, s0, s28, $0xb8;
	[tilespmem:$0x1A950] =	vst v63  }
0x6f: {  	s2 =	simm.s32 @!p1 $0x5  }
0x70: {  	[tilespmem:s22], [sflag:$0x4] =	stream.indirect.gather [hbm4b:s7+s28], $0x50, s31, s28, $0xb8;
	[tilespmem:$0x1A950] =	vst v63  }
0x71: {  	_ =	swait.ge @!p1 [sflag:s2], $0x2300  }
0x72: {  	[sflag:s2] =	ssyncset.done @!p1 $0x0  }
0x73: {  	[sflag:s2] =	ssyncadd.s32 @!p1 $0xFFFFDD00  }
0x74: {  	_ =	swait.ge [sflag:s13], $0x500  }
0x75: {  	[sflag:s13] =	ssyncset.done $0x0  }
0x76: {  	[sflag:s13] =	ssyncadd.s32 $0xFFFFFB00  }
0x77: {  	_ =	swait.ge [sflag:s13], $0x1900  }
0x78: {  	[sflag:s13] =	ssyncset.done $0x0  }
0x79: {  	[sflag:s13] =	ssyncadd.s32 $0xFFFFE700  }
0x7a: {  	v2 =	vld [tilespmem:$0x11210]  }
0x7b: {  	v3 =	vld [tilespmem:$0x11220]  }
0x7c: {  	v4 =	vld [tilespmem:$0x11230]  }
0x7d: {  	v5 =	vld [tilespmem:$0x11240]  }
0x7e: {  	v6 =	vld [tilespmem:$0x11250]  }
0x7f: {  	[tilespmem:$0x112B0] =	vst v2  }
0x80: {  	[tilespmem:$0x112C0] =	vst v3  }
0x81: {  	[tilespmem:$0x112D0] =	vst v4  }
0x82: {  	[tilespmem:$0x112E0] =	vst v5  }
0x83: {  	s16 =	simm.s32 $0x30;
	[tilespmem:$0x112F0] =	vst v6  }
0x84: {  	s21 =	simm.s32 $0x131F0;
	v2 =	vld [tilespmem:s16+$0x12720]  }
0x85: {  	v3 =	vld [tilespmem:s21+$0xFFFFFFA0]  }
0x86: {  	s23 =	simm.s32 $0x11390  }
0x87: {  	v4 =	vld [tilespmem:s23+$0xFFFFFFC0];
	_ =	sdelay $0x2  }
0x88: {  	v2 =	vadd.f32 v2, v3;
	_ =	sdelay $0x1  }
0x89: {  	v2 =	vadd.f32 v4, v2;
	_ =	sdelay $0x1  }
0x8a: {  	v3 =	vmul.f32 $2.000000030e-01, v2;
	_ =	sdelay $0x1  }
0x8b: {  	v2 =	vmax.f32 v2, v3  }
0x8c: {  	v2 =	vmul.f32 $1.442695020e+00, v2;
	_ =	sdelay $0x1  }
0x8d: {  	(erf) = vpow2.f32 v2;
	_ =	sdelay $0x8  }
0x8e: {  	v2 =	vpop (erf)  }
0x8f: {  	v2 =	vnsel vm0, $0x0, v2  }
0x90: {  	s10 =	simm.s32 $0x16430;
	v3 =	vnsel vm1, $0x0, v2  }
0x91: {  	[tilespmem:s10+$0xFFFFFF80] =	vst v3  }
0x92: {  	v3 =	vld [tilespmem:s23+$0xFFFFFFD0];
	_ =	sdelay $0x2  }
0x93: {  	v4 =	vperm.xlane v2, v0;
	_ =	sdelay $0x1  }
0x94: {  	v5 =	vmul.f32 v4, v3;
	_ =	sdelay $0x1  }
0x95: {  	[tilespmem:s10+$0xFFFFFF60] =	vst v5  }
0x96: {  	v5 =	vld [tilespmem:s21+$0xFFFFFF60];
	_ =	sdelay $0x4  }
0x97: {  	v5 =	vmul.f32 v5, v4;
	_ =	sdelay $0x1  }
0x98: {  	[tilespmem:s10+$0xFFFFFF20] =	vst v5  }
0x99: {  	v5 =	vld [tilespmem:s21+$0xFFFFFF70];
	_ =	sdelay $0x1  }
0x9a: {  	v2 =	vperm.xlane v2, v1;
	_ =	sdelay $0x1  }
0x9b: {  	v3 =	vmul.f32 v2, v3  }
0x9c: {  	v4 =	vmul.f32 v5, v4  }
0x9d: {  	[tilespmem:s10+$0xFFFFFF70] =	vst v3  }
0x9e: {  	[tilespmem:s10+$0xFFFFFF30] =	vst v4  }
0x9f: {  	v3 =	vld [tilespmem:s21+$0xFFFFFF80];
	_ =	sdelay $0x4  }
0xa0: {  	v3 =	vmul.f32 v3, v2;
	_ =	sdelay $0x1  }
0xa1: {  	[tilespmem:s10+$0xFFFFFF40] =	vst v3  }
0xa2: {  	v3 =	vld [tilespmem:s21+$0xFFFFFF90];
	_ =	sdelay $0x4  }
0xa3: {  	v2 =	vmul.f32 v3, v2;
	_ =	sdelay $0x1  }
0xa4: {  	[tilespmem:s10+$0xFFFFFF50] =	vst v2  }
0xa5: {  	v2 =	vld [tilespmem:s21+$0xFFFFFFF0]  }
0xa6: {  	v3 =	vld [tilespmem:s16+$0x12730];
	_ =	sdelay $0x1  }
0xa7: {  	v4 =	vld [tilespmem:s23+$0xFFFFFFE0];
	_ =	sdelay $0x2  }
0xa8: {  	v2 =	vadd.f32 v3, v2;
	_ =	sdelay $0x1  }
0xa9: {  	v2 =	vadd.f32 v4, v2;
	_ =	sdelay $0x1  }
0xaa: {  	v3 =	vmul.f32 $2.000000030e-01, v2;
	_ =	sdelay $0x1  }
0xab: {  	v2 =	vmax.f32 v2, v3  }
0xac: {  	v2 =	vmul.f32 $1.442695020e+00, v2;
	_ =	sdelay $0x1  }
0xad: {  	(erf) = vpow2.f32 v2;
	_ =	sdelay $0x8  }
0xae: {  	v2 =	vpop (erf)  }
0xaf: {  	v2 =	vnsel vm0, $0x0, v2  }
0xb0: {  	v3 =	vnsel vm1, $0x0, v2  }
0xb1: {  	[tilespmem:s10+$0xFFFFFFF0] =	vst v3  }
0xb2: {  	v3 =	vld [tilespmem:s23+$0xFFFFFFF0];
	_ =	sdelay $0x2  }
0xb3: {  	v4 =	vperm.xlane v2, v0;
	_ =	sdelay $0x1  }
0xb4: {  	v5 =	vmul.f32 v4, v3;
	_ =	sdelay $0x1  }
0xb5: {  	[tilespmem:s10+$0xFFFFFFD0] =	vst v5  }
0xb6: {  	v5 =	vld [tilespmem:s21+$0xFFFFFFB0];
	_ =	sdelay $0x4  }
0xb7: {  	v5 =	vmul.f32 v5, v4;
	_ =	sdelay $0x1  }
0xb8: {  	[tilespmem:s10+$0xFFFFFF90] =	vst v5  }
0xb9: {  	v5 =	vld [tilespmem:s21+$0xFFFFFFC0];
	_ =	sdelay $0x1  }
0xba: {  	v2 =	vperm.xlane v2, v1;
	_ =	sdelay $0x1  }
0xbb: {  	v3 =	vmul.f32 v2, v3  }
0xbc: {  	v4 =	vmul.f32 v5, v4  }
0xbd: {  	[tilespmem:s10+$0xFFFFFFE0] =	vst v3  }
0xbe: {  	[tilespmem:s10+$0xFFFFFFA0] =	vst v4  }
0xbf: {  	v3 =	vld [tilespmem:s21+$0xFFFFFFD0];
	_ =	sdelay $0x4  }
0xc0: {  	v3 =	vmul.f32 v3, v2;
	_ =	sdelay $0x1  }
0xc1: {  	[tilespmem:s10+$0xFFFFFFB0] =	vst v3  }
0xc2: {  	v3 =	vld [tilespmem:s21+$0xFFFFFFE0];
	_ =	sdelay $0x4  }
0xc3: {  	v2 =	vmul.f32 v3, v2;
	_ =	sdelay $0x1  }
0xc4: {  	[tilespmem:s10+$0xFFFFFFC0] =	vst v2  }
0xc5: {  	v2 =	vld [tilespmem:s21+$0x40]  }
0xc6: {  	v3 =	vld [tilespmem:s16+$0x12740];
	_ =	sdelay $0x1  }
0xc7: {  	v4 =	vld [tilespmem:s23+$0x0];
	_ =	sdelay $0x2  }
0xc8: {  	v2 =	vadd.f32 v3, v2;
	_ =	sdelay $0x1  }
0xc9: {  	v2 =	vadd.f32 v4, v2;
	_ =	sdelay $0x1  }
0xca: {  	v3 =	vmul.f32 $2.000000030e-01, v2;
	_ =	sdelay $0x1  }
0xcb: {  	v2 =	vmax.f32 v2, v3  }
0xcc: {  	v2 =	vmul.f32 $1.442695020e+00, v2;
	_ =	sdelay $0x1  }
0xcd: {  	(erf) = vpow2.f32 v2;
	_ =	sdelay $0x8  }
0xce: {  	v2 =	vpop (erf)  }
0xcf: {  	v2 =	vnsel vm0, $0x0, v2  }
0xd0: {  	v3 =	vnsel vm1, $0x0, v2  }
0xd1: {  	[tilespmem:s10+$0x60] =	vst v3  }
0xd2: {  	v3 =	vld [tilespmem:s23+$0x10];
	_ =	sdelay $0x2  }
0xd3: {  	v4 =	vperm.xlane v2, v0;
	_ =	sdelay $0x1  }
0xd4: {  	v5 =	vmul.f32 v4, v3;
	_ =	sdelay $0x1  }
0xd5: {  	[tilespmem:s10+$0x40] =	vst v5  }
0xd6: {  	v5 =	vld [tilespmem:s21+$0x0];
	_ =	sdelay $0x4  }
0xd7: {  	v5 =	vmul.f32 v5, v4;
	_ =	sdelay $0x1  }
0xd8: {  	[tilespmem:s10+$0x0] =	vst v5  }
0xd9: {  	v5 =	vld [tilespmem:s21+$0x10];
	_ =	sdelay $0x1  }
0xda: {  	v2 =	vperm.xlane v2, v1;
	_ =	sdelay $0x1  }
0xdb: {  	v3 =	vmul.f32 v2, v3  }
0xdc: {  	v4 =	vmul.f32 v5, v4  }
0xdd: {  	[tilespmem:s10+$0x50] =	vst v3  }
0xde: {  	[tilespmem:s10+$0x10] =	vst v4  }
0xdf: {  	v3 =	vld [tilespmem:s21+$0x20];
	_ =	sdelay $0x4  }
0xe0: {  	v3 =	vmul.f32 v3, v2;
	_ =	sdelay $0x1  }
0xe1: {  	[tilespmem:s10+$0x20] =	vst v3  }
0xe2: {  	v3 =	vld [tilespmem:s21+$0x30];
	_ =	sdelay $0x4  }
0xe3: {  	v2 =	vmul.f32 v3, v2;
	_ =	sdelay $0x1  }
0xe4: {  	[tilespmem:s10+$0x30] =	vst v2  }
0xe5: {  	v2 =	vld [tilespmem:s21+$0x90]  }
0xe6: {  	v3 =	vld [tilespmem:s16+$0x12750];
	_ =	sdelay $0x1  }
0xe7: {  	v4 =	vld [tilespmem:s23+$0x20];
	_ =	sdelay $0x2  }
0xe8: {  	v2 =	vadd.f32 v3, v2;
	_ =	sdelay $0x1  }
0xe9: {  	v2 =	vadd.f32 v4, v2;
	_ =	sdelay $0x1  }
0xea: {  	v3 =	vmul.f32 $2.000000030e-01, v2;
	_ =	sdelay $0x1  }
0xeb: {  	v2 =	vmax.f32 v2, v3  }
0xec: {  	v2 =	vmul.f32 $1.442695020e+00, v2;
	_ =	sdelay $0x1  }
0xed: {  	(erf) = vpow2.f32 v2;
	_ =	sdelay $0x8  }
0xee: {  	v2 =	vpop (erf)  }
0xef: {  	v2 =	vnsel vm0, $0x0, v2  }
0xf0: {  	v3 =	vnsel vm1, $0x0, v2  }
0xf1: {  	[tilespmem:s10+$0xD0] =	vst v3  }
0xf2: {  	v3 =	vld [tilespmem:s23+$0x30];
	_ =	sdelay $0x2  }
0xf3: {  	v4 =	vperm.xlane v2, v0;
	_ =	sdelay $0x1  }
0xf4: {  	v5 =	vmul.f32 v4, v3;
	_ =	sdelay $0x1  }
0xf5: {  	[tilespmem:s10+$0xB0] =	vst v5  }
0xf6: {  	v5 =	vld [tilespmem:s21+$0x50];
	_ =	sdelay $0x4  }
0xf7: {  	v5 =	vmul.f32 v5, v4;
	_ =	sdelay $0x1  }
0xf8: {  	[tilespmem:s10+$0x70] =	vst v5  }
0xf9: {  	v5 =	vld [tilespmem:s21+$0x60];
	_ =	sdelay $0x1  }
0xfa: {  	v2 =	vperm.xlane v2, v1;
	_ =	sdelay $0x1  }
0xfb: {  	v3 =	vmul.f32 v2, v3  }
0xfc: {  	v4 =	vmul.f32 v5, v4  }
0xfd: {  	[tilespmem:s10+$0xC0] =	vst v3  }
0xfe: {  	[tilespmem:s10+$0x80] =	vst v4  }
0xff: {  	v3 =	vld [tilespmem:s21+$0x70];
	_ =	sdelay $0x4  }
0x100: {  	v3 =	vmul.f32 v3, v2;
	_ =	sdelay $0x1  }
0x101: {  	[tilespmem:s10+$0x90] =	vst v3  }
0x102: {  	s9 =	simm.s32 $0x16430;
	s2 =	simm.s32 $0x1C0;
	v3 =	vld [tilespmem:s21+$0x80]  }
.LBB2_4:
0x103: {  	_ =	sdelay $0x1  }
0x104: {  	s10 =	sadd.s32 $0x1C0, s10;
	s21 =	sadd.s32 $0x140, s21;
	s23 =	sadd.s32 $0x80, s23  }
0x105: {  	p1 =	sne.s32 s2, $0x13C0;
	s16 =	smov.u32 s2;
	s2 =	sadd.s32 $0x100, s2  }
0x106: {  	v2 =	vmul.f32 v3, v2;
	_ =	sdelay $0x1  }
0x107: {  	s16 =	sshra.s32 s16, $0x2;
	[tilespmem:s9+$0xA0] =	vst v2;
	s9 =	smov.u32 s10  }
0x108: {  	v2 =	vld [tilespmem:s16+$0x12720]  }
0x109: {  	v3 =	vld [tilespmem:s21+$0xFFFFFFA0];
	_ =	sdelay $0x1  }
0x10a: {  	v4 =	vld [tilespmem:s23+$0xFFFFFFC0];
	_ =	sdelay $0x2  }
0x10b: {  	v2 =	vadd.f32 v2, v3;
	_ =	sdelay $0x1  }
0x10c: {  	v2 =	vadd.f32 v4, v2;
	_ =	sdelay $0x1  }
0x10d: {  	v3 =	vmul.f32 $2.000000030e-01, v2;
	_ =	sdelay $0x1  }
0x10e: {  	v2 =	vmax.f32 v2, v3  }
0x10f: {  	v2 =	vmul.f32 $1.442695020e+00, v2;
	_ =	sdelay $0x1  }
0x110: {  	(erf) = vpow2.f32 v2;
	_ =	sdelay $0x8  }
0x111: {  	v2 =	vpop (erf)  }
0x112: {  	v2 =	vnsel vm0, $0x0, v2  }
0x113: {  	v3 =	vnsel vm1, $0x0, v2  }
0x114: {  	[tilespmem:s10+$0xFFFFFF80] =	vst v3  }
0x115: {  	v3 =	vld [tilespmem:s23+$0xFFFFFFD0];
	_ =	sdelay $0x2  }
0x116: {  	v4 =	vperm.xlane v2, v0;
	_ =	sdelay $0x1  }
0x117: {  	v5 =	vmul.f32 v4, v3;
	_ =	sdelay $0x1  }
0x118: {  	[tilespmem:s10+$0xFFFFFF60] =	vst v5  }
0x119: {  	v5 =	vld [tilespmem:s21+$0xFFFFFF60];
	_ =	sdelay $0x4  }
0x11a: {  	v5 =	vmul.f32 v5, v4;
	_ =	sdelay $0x1  }
0x11b: {  	[tilespmem:s10+$0xFFFFFF20] =	vst v5  }
0x11c: {  	v5 =	vld [tilespmem:s21+$0xFFFFFF70];
	_ =	sdelay $0x1  }
0x11d: {  	v2 =	vperm.xlane v2, v1;
	_ =	sdelay $0x1  }
0x11e: {  	v3 =	vmul.f32 v2, v3  }
0x11f: {  	v4 =	vmul.f32 v5, v4  }
0x120: {  	[tilespmem:s10+$0xFFFFFF70] =	vst v3  }
0x121: {  	[tilespmem:s10+$0xFFFFFF30] =	vst v4  }
0x122: {  	v3 =	vld [tilespmem:s21+$0xFFFFFF80];
	_ =	sdelay $0x4  }
0x123: {  	v3 =	vmul.f32 v3, v2;
	_ =	sdelay $0x1  }
0x124: {  	[tilespmem:s10+$0xFFFFFF40] =	vst v3  }
0x125: {  	v3 =	vld [tilespmem:s21+$0xFFFFFF90];
	_ =	sdelay $0x4  }
0x126: {  	v2 =	vmul.f32 v3, v2;
	_ =	sdelay $0x1  }
0x127: {  	[tilespmem:s10+$0xFFFFFF50] =	vst v2  }
0x128: {  	v2 =	vld [tilespmem:s21+$0xFFFFFFF0]  }
0x129: {  	v3 =	vld [tilespmem:s16+$0x12730];
	_ =	sdelay $0x1  }
0x12a: {  	v4 =	vld [tilespmem:s23+$0xFFFFFFE0];
	_ =	sdelay $0x2  }
0x12b: {  	v2 =	vadd.f32 v3, v2;
	_ =	sdelay $0x1  }
0x12c: {  	v2 =	vadd.f32 v4, v2;
	_ =	sdelay $0x1  }
0x12d: {  	v3 =	vmul.f32 $2.000000030e-01, v2;
	_ =	sdelay $0x1  }
0x12e: {  	v2 =	vmax.f32 v2, v3  }
0x12f: {  	v2 =	vmul.f32 $1.442695020e+00, v2;
	_ =	sdelay $0x1  }
0x130: {  	(erf) = vpow2.f32 v2;
	_ =	sdelay $0x8  }
0x131: {  	v2 =	vpop (erf)  }
0x132: {  	v2 =	vnsel vm0, $0x0, v2  }
0x133: {  	v3 =	vnsel vm1, $0x0, v2  }
0x134: {  	[tilespmem:s10+$0xFFFFFFF0] =	vst v3  }
0x135: {  	v3 =	vld [tilespmem:s23+$0xFFFFFFF0];
	_ =	sdelay $0x2  }
0x136: {  	v4 =	vperm.xlane v2, v0;
	_ =	sdelay $0x1  }
0x137: {  	v5 =	vmul.f32 v4, v3;
	_ =	sdelay $0x1  }
0x138: {  	[tilespmem:s10+$0xFFFFFFD0] =	vst v5  }
0x139: {  	v5 =	vld [tilespmem:s21+$0xFFFFFFB0];
	_ =	sdelay $0x4  }
0x13a: {  	v5 =	vmul.f32 v5, v4;
	_ =	sdelay $0x1  }
0x13b: {  	[tilespmem:s10+$0xFFFFFF90] =	vst v5  }
0x13c: {  	v5 =	vld [tilespmem:s21+$0xFFFFFFC0];
	_ =	sdelay $0x1  }
0x13d: {  	v2 =	vperm.xlane v2, v1;
	_ =	sdelay $0x1  }
0x13e: {  	v3 =	vmul.f32 v2, v3  }
0x13f: {  	v4 =	vmul.f32 v5, v4  }
0x140: {  	[tilespmem:s10+$0xFFFFFFE0] =	vst v3  }
0x141: {  	[tilespmem:s10+$0xFFFFFFA0] =	vst v4  }
0x142: {  	v3 =	vld [tilespmem:s21+$0xFFFFFFD0];
	_ =	sdelay $0x4  }
0x143: {  	v3 =	vmul.f32 v3, v2;
	_ =	sdelay $0x1  }
0x144: {  	[tilespmem:s10+$0xFFFFFFB0] =	vst v3  }
0x145: {  	v3 =	vld [tilespmem:s21+$0xFFFFFFE0];
	_ =	sdelay $0x4  }
0x146: {  	v2 =	vmul.f32 v3, v2;
	_ =	sdelay $0x1  }
0x147: {  	[tilespmem:s10+$0xFFFFFFC0] =	vst v2  }
0x148: {  	v2 =	vld [tilespmem:s21+$0x40]  }
0x149: {  	v3 =	vld [tilespmem:s16+$0x12740];
	_ =	sdelay $0x1  }
0x14a: {  	v4 =	vld [tilespmem:s23+$0x0];
	_ =	sdelay $0x2  }
0x14b: {  	v2 =	vadd.f32 v3, v2;
	_ =	sdelay $0x1  }
0x14c: {  	v2 =	vadd.f32 v4, v2;
	_ =	sdelay $0x1  }
0x14d: {  	v3 =	vmul.f32 $2.000000030e-01, v2;
	_ =	sdelay $0x1  }
0x14e: {  	v2 =	vmax.f32 v2, v3  }
0x14f: {  	v2 =	vmul.f32 $1.442695020e+00, v2;
	_ =	sdelay $0x1  }
0x150: {  	(erf) = vpow2.f32 v2;
	_ =	sdelay $0x8  }
0x151: {  	v2 =	vpop (erf)  }
0x152: {  	v2 =	vnsel vm0, $0x0, v2  }
0x153: {  	v3 =	vnsel vm1, $0x0, v2  }
0x154: {  	[tilespmem:s10+$0x60] =	vst v3  }
0x155: {  	v3 =	vld [tilespmem:s23+$0x10];
	_ =	sdelay $0x2  }
0x156: {  	v4 =	vperm.xlane v2, v0;
	_ =	sdelay $0x1  }
0x157: {  	v5 =	vmul.f32 v4, v3;
	_ =	sdelay $0x1  }
0x158: {  	[tilespmem:s10+$0x40] =	vst v5  }
0x159: {  	v5 =	vld [tilespmem:s21+$0x0];
	_ =	sdelay $0x4  }
0x15a: {  	v2 =	vperm.xlane v2, v1;
	v5 =	vmul.f32 v5, v4;
	_ =	sdelay $0x1  }
0x15b: {  	v3 =	vmul.f32 v2, v3;
	[tilespmem:s10+$0x0] =	vst v5  }
0x15c: {  	v5 =	vld [tilespmem:s21+$0x10]  }
0x15d: {  	[tilespmem:s10+$0x50] =	vst v3;
	_ =	sdelay $0x3  }
0x15e: {  	v3 =	vmul.f32 v5, v4;
	_ =	sdelay $0x1  }
0x15f: {  	[tilespmem:s10+$0x10] =	vst v3  }
0x160: {  	v3 =	vld [tilespmem:s21+$0x20];
	_ =	sdelay $0x4  }
0x161: {  	v3 =	vmul.f32 v3, v2;
	_ =	sdelay $0x1  }
0x162: {  	[tilespmem:s10+$0x20] =	vst v3  }
0x163: {  	v3 =	vld [tilespmem:s21+$0x30];
	_ =	sdelay $0x4  }
0x164: {  	v2 =	vmul.f32 v3, v2;
	_ =	sdelay $0x1  }
0x165: {  	[tilespmem:s10+$0x30] =	vst v2  }
0x166: {  	v2 =	vld [tilespmem:s21+$0x90]  }
0x167: {  	v3 =	vld [tilespmem:s16+$0x12750]  }
0x168: {  	v4 =	vld [tilespmem:s23+$0x20];
	_ =	sdelay $0x3  }
0x169: {  	v2 =	vadd.f32 v3, v2;
	_ =	sdelay $0x1  }
0x16a: {  	v2 =	vadd.f32 v4, v2;
	_ =	sdelay $0x1  }
0x16b: {  	v3 =	vmul.f32 $2.000000030e-01, v2;
	_ =	sdelay $0x1  }
0x16c: {  	v2 =	vmax.f32 v2, v3  }
0x16d: {  	v2 =	vmul.f32 $1.442695020e+00, v2;
	_ =	sdelay $0x1  }
0x16e: {  	(erf) = vpow2.f32 v2;
	_ =	sdelay $0x8  }
0x16f: {  	v2 =	vpop (erf)  }
0x170: {  	v2 =	vnsel vm0, $0x0, v2  }
0x171: {  	v3 =	vnsel vm1, $0x0, v2  }
0x172: {  	[tilespmem:s10+$0xD0] =	vst v3  }
0x173: {  	v3 =	vld [tilespmem:s23+$0x30];
	_ =	sdelay $0x1  }
0x174: {  	v4 =	vperm.xlane v2, v0;
	_ =	sdelay $0x2  }
0x175: {  	v5 =	vmul.f32 v4, v3;
	_ =	sdelay $0x1  }
0x176: {  	[tilespmem:s10+$0xB0] =	vst v5  }
0x177: {  	v5 =	vld [tilespmem:s21+$0x50];
	_ =	sdelay $0x4  }
0x178: {  	v2 =	vperm.xlane v2, v1;
	v5 =	vmul.f32 v5, v4;
	_ =	sdelay $0x1  }
0x179: {  	v3 =	vmul.f32 v2, v3;
	[tilespmem:s10+$0x70] =	vst v5  }
0x17a: {  	v5 =	vld [tilespmem:s21+$0x60]  }
0x17b: {  	[tilespmem:s10+$0xC0] =	vst v3;
	_ =	sdelay $0x3  }
0x17c: {  	v3 =	vmul.f32 v5, v4;
	_ =	sdelay $0x1  }
0x17d: {  	[tilespmem:s10+$0x80] =	vst v3  }
0x17e: {  	v3 =	vld [tilespmem:s21+$0x70];
	_ =	sdelay $0x3  }
.Ltmp5:
0x17f: {  	(pc) =	sbr.rel @p1 .LBB2_4-.Ltmp5, $3  }
0x180: {  	v3 =	vmul.f32 v3, v2;
	_ =	sdelay $0x1  }
0x181: {  	[tilespmem:s10+$0x90] =	vst v3  }
0x182: {  	v3 =	vld [tilespmem:s21+$0x80]  }
0x183: {  	_ =	sdelay $0x1  }
0x184: {  	p1 =	sgt.u32 s19, $0xF7  }
0x185: {  	s2 =	smul.u32 @!p1 $0x50, s19  }
0x186: {  	v2 =	vmul.f32 v3, v2  }
0x187: {  	s2 =	sadd.s32 @!p1 s2, s18  }
0x188: {  	[tilespmem:s9+$0xA0] =	vst v2;
	s9 =	sshrl.u32 @!p1 s2, $0x3  }
0x189: {  	[spmem:s1] =	stream.indirect.scatter.add.f32 [tilespmem:s14], [sflag:$0x5], $0x70, s24, s28, $0xb8;
	[tilespmem:$0x1A950] =	vst v63  }
0x18a: {  	s16 =	simm.s32 @!p1 $0x0;
	s21 =	simm.s32 @!p1 $0x11170;
	s10 =	sadd.s32 @!p1 s4, s9  }
0x18b: {  	[tilespmem:s21], [sflag:$0x1] =	stream.linear.gather @!p1 [hbm4b:s10+s16], $0x50, $0x38;
	[tilespmem:$0x1A950] =	vst v63  }
0x18c: {  	s2 =	sshll.u32 @!p1 s2, $0x2;
	s9 =	sadd.s32 @!p1 s5, s9;
	s10 =	simm.s32 @!p1 $0x11210  }
0x18d: {  	[tilespmem:s10], [sflag:$0x1] =	stream.linear.gather @!p1 [hbm4b:s9+s16], $0x50, $0x38;
	[tilespmem:$0x1A950] =	vst v63  }
0x18e: {  	s2 =	sadd.s32 @!p1 s6, s2;
	s9 =	simm.s32 @!p1 $0x11350  }
0x18f: {  	[tilespmem:s9], [sflag:$0x1] =	stream.linear.gather @!p1 [hbm4b:s2+s16], $0xA00, $0x38;
	[tilespmem:$0x1A950] =	vst v63  }
0x190: {  	p1 =	seq.s32 s20, $0x0  }
.Ltmp6:
0x191: {  	_ = 	snop;
	(pc) =	sbr.rel @p1 .LBB2_9-.Ltmp6, $1  }
0x192: {  	_ =	sdelay $0x3  }
.LBB2_6:
0x193: {  	p1 =	seq.s32 s19, $0xF9  }
0x194: {  	s2 =	simm.s32 @!p1 $0x1  }
0x195: {  	_ =	swait.ge @!p1 [sflag:s2], $0x50  }
0x196: {  	[sflag:s2] =	ssyncset.done @!p1 $0x0  }
0x197: {  	[sflag:s2] =	ssyncadd.s32 @!p1 $0xFFFFFFB0  }
0x198: {  	_ =	swait.ge @!p1 [sflag:s2], $0x50  }
0x199: {  	[sflag:s2] =	ssyncset.done @!p1 $0x0  }
0x19a: {  	[sflag:s2] =	ssyncadd.s32 @!p1 $0xFFFFFFB0  }
0x19b: {  	_ =	swait.ge @!p1 [sflag:s2], $0xA00  }
0x19c: {  	s9 =	simm.s32 @!p1 $0x11210;
	[sflag:s2] =	ssyncset.done @!p1 $0x0  }
0x19d: {  	s10 =	simm.s32 @!p1 $0x12750;
	[sflag:s2] =	ssyncadd.s32 @!p1 $0xFFFFF600;
	s2 =	simm.s32 @!p1 $0x50  }
0x19e: {  	[tilespmem:s10], [sflag:$0x3] =	stream.indirect.gather @!p1 [hbm4b:s8+s2], $0x10, s9, s2, $0xb8;
	[tilespmem:$0x1A950] =	vst v63  }
0x19f: {  	p2 =	slt.u32 @!p1 s19, $0x2;
	s9 =	simm.s32 @!p1 $0x11170;
	s10 =	simm.s32 @!p1 $0x13150  }
0x1a0: {  	[tilespmem:s10], [sflag:$0x3] =	stream.indirect.gather @!p1 [hbm4b:s7+s2], $0x50, s9, s2, $0xb8;
	[tilespmem:$0x1A950] =	vst v63  }
0x1a1: {  	p1 =	por p1, !p2  }
0x1a2: {  	_ =	swait.ge @p1 [sflag:s29], $0x2300  }
0x1a3: {  	[sflag:s29] =	ssyncset.done @p1 $0x0  }
0x1a4: {  	[sflag:s29] =	ssyncadd.s32 @p1 $0xFFFFDD00  }
0x1a5: {  	_ =	swait.ge [sflag:s30], $0x500  }
0x1a6: {  	[sflag:s30] =	ssyncset.done $0x0  }
0x1a7: {  	[sflag:s30] =	ssyncadd.s32 $0xFFFFFB00  }
0x1a8: {  	_ =	swait.ge [sflag:s30], $0x1900  }
0x1a9: {  	[sflag:s30] =	ssyncset.done $0x0  }
0x1aa: {  	[sflag:s30] =	ssyncadd.s32 $0xFFFFE700  }
0x1ab: {  	v2 =	vld [tilespmem:$0x11260]  }
0x1ac: {  	v3 =	vld [tilespmem:$0x11270]  }
0x1ad: {  	v4 =	vld [tilespmem:$0x11280]  }
0x1ae: {  	v5 =	vld [tilespmem:$0x11290]  }
0x1af: {  	v6 =	vld [tilespmem:$0x112A0]  }
0x1b0: {  	[tilespmem:$0x11300] =	vst v2  }
0x1b1: {  	[tilespmem:$0x11310] =	vst v3  }
0x1b2: {  	[tilespmem:$0x11320] =	vst v4  }
0x1b3: {  	[tilespmem:$0x11330] =	vst v5  }
0x1b4: {  	s23 =	simm.s32 $0x0;
	[tilespmem:$0x11340] =	vst v6  }
0x1b5: {  	s20 =	simm.s32 $0x14B80;
	v2 =	vld [tilespmem:s23+$0x12C50]  }
0x1b6: {  	v3 =	vld [tilespmem:s20+$0xFFFFFF10]  }
0x1b7: {  	s21 =	simm.s32 $0x11DC0  }
0x1b8: {  	v4 =	vld [tilespmem:s21+$0xFFFFFF90];
	_ =	sdelay $0x2  }
0x1b9: {  	v2 =	vadd.f32 v2, v3;
	_ =	sdelay $0x1  }
0x1ba: {  	v2 =	vadd.f32 v4, v2;
	_ =	sdelay $0x1  }
0x1bb: {  	v3 =	vmul.f32 $2.000000030e-01, v2;
	_ =	sdelay $0x1  }
0x1bc: {  	v2 =	vmax.f32 v2, v3  }
0x1bd: {  	v2 =	vmul.f32 $1.442695020e+00, v2;
	_ =	sdelay $0x1  }
0x1be: {  	(erf) = vpow2.f32 v2;
	_ =	sdelay $0x8  }
0x1bf: {  	v2 =	vpop (erf)  }
0x1c0: {  	v2 =	vnsel vm0, $0x0, v2  }
0x1c1: {  	s10 =	simm.s32 $0x18800;
	v3 =	vnsel vm1, $0x0, v2  }
0x1c2: {  	[tilespmem:s10+$0xFFFFFEB0] =	vst v3  }
0x1c3: {  	v3 =	vld [tilespmem:s21+$0xFFFFFFA0];
	_ =	sdelay $0x2  }
0x1c4: {  	v4 =	vperm.xlane v2, v0;
	_ =	sdelay $0x1  }
0x1c5: {  	v5 =	vmul.f32 v4, v3;
	_ =	sdelay $0x1  }
0x1c6: {  	[tilespmem:s10+$0xFFFFFE90] =	vst v5  }
0x1c7: {  	v5 =	vld [tilespmem:s20+$0xFFFFFED0];
	_ =	sdelay $0x4  }
0x1c8: {  	v5 =	vmul.f32 v5, v4;
	_ =	sdelay $0x1  }
0x1c9: {  	[tilespmem:s10+$0xFFFFFE50] =	vst v5  }
0x1ca: {  	v5 =	vld [tilespmem:s20+$0xFFFFFEE0];
	_ =	sdelay $0x1  }
0x1cb: {  	v2 =	vperm.xlane v2, v1;
	_ =	sdelay $0x1  }
0x1cc: {  	v3 =	vmul.f32 v2, v3  }
0x1cd: {  	v4 =	vmul.f32 v5, v4  }
0x1ce: {  	[tilespmem:s10+$0xFFFFFEA0] =	vst v3  }
0x1cf: {  	[tilespmem:s10+$0xFFFFFE60] =	vst v4  }
0x1d0: {  	v3 =	vld [tilespmem:s20+$0xFFFFFEF0];
	_ =	sdelay $0x4  }
0x1d1: {  	v3 =	vmul.f32 v3, v2;
	_ =	sdelay $0x1  }
0x1d2: {  	[tilespmem:s10+$0xFFFFFE70] =	vst v3  }
0x1d3: {  	v3 =	vld [tilespmem:s20+$0xFFFFFF00];
	_ =	sdelay $0x4  }
0x1d4: {  	v2 =	vmul.f32 v3, v2;
	_ =	sdelay $0x1  }
0x1d5: {  	[tilespmem:s10+$0xFFFFFE80] =	vst v2  }
0x1d6: {  	v2 =	vld [tilespmem:s20+$0xFFFFFF60]  }
0x1d7: {  	v3 =	vld [tilespmem:s23+$0x12C60];
	_ =	sdelay $0x1  }
0x1d8: {  	v4 =	vld [tilespmem:s21+$0xFFFFFFB0];
	_ =	sdelay $0x2  }
0x1d9: {  	v2 =	vadd.f32 v3, v2;
	_ =	sdelay $0x1  }
0x1da: {  	v2 =	vadd.f32 v4, v2;
	_ =	sdelay $0x1  }
0x1db: {  	v3 =	vmul.f32 $2.000000030e-01, v2;
	_ =	sdelay $0x1  }
0x1dc: {  	v2 =	vmax.f32 v2, v3  }
0x1dd: {  	v2 =	vmul.f32 $1.442695020e+00, v2;
	_ =	sdelay $0x1  }
0x1de: {  	(erf) = vpow2.f32 v2;
	_ =	sdelay $0x8  }
0x1df: {  	v2 =	vpop (erf)  }
0x1e0: {  	v2 =	vnsel vm0, $0x0, v2  }
0x1e1: {  	v3 =	vnsel vm1, $0x0, v2  }
0x1e2: {  	[tilespmem:s10+$0xFFFFFF20] =	vst v3  }
0x1e3: {  	v3 =	vld [tilespmem:s21+$0xFFFFFFC0];
	_ =	sdelay $0x2  }
0x1e4: {  	v4 =	vperm.xlane v2, v0;
	_ =	sdelay $0x1  }
0x1e5: {  	v5 =	vmul.f32 v4, v3;
	_ =	sdelay $0x1  }
0x1e6: {  	[tilespmem:s10+$0xFFFFFF00] =	vst v5  }
0x1e7: {  	v5 =	vld [tilespmem:s20+$0xFFFFFF20];
	_ =	sdelay $0x4  }
0x1e8: {  	v5 =	vmul.f32 v5, v4;
	_ =	sdelay $0x1  }
0x1e9: {  	[tilespmem:s10+$0xFFFFFEC0] =	vst v5  }
0x1ea: {  	v5 =	vld [tilespmem:s20+$0xFFFFFF30];
	_ =	sdelay $0x1  }
0x1eb: {  	v2 =	vperm.xlane v2, v1;
	_ =	sdelay $0x1  }
0x1ec: {  	v3 =	vmul.f32 v2, v3  }
0x1ed: {  	v4 =	vmul.f32 v5, v4  }
0x1ee: {  	[tilespmem:s10+$0xFFFFFF10] =	vst v3  }
0x1ef: {  	[tilespmem:s10+$0xFFFFFED0] =	vst v4  }
0x1f0: {  	v3 =	vld [tilespmem:s20+$0xFFFFFF40];
	_ =	sdelay $0x4  }
0x1f1: {  	v3 =	vmul.f32 v3, v2;
	_ =	sdelay $0x1  }
0x1f2: {  	[tilespmem:s10+$0xFFFFFEE0] =	vst v3  }
0x1f3: {  	v3 =	vld [tilespmem:s20+$0xFFFFFF50];
	_ =	sdelay $0x4  }
0x1f4: {  	v2 =	vmul.f32 v3, v2;
	_ =	sdelay $0x1  }
0x1f5: {  	[tilespmem:s10+$0xFFFFFEF0] =	vst v2  }
0x1f6: {  	v2 =	vld [tilespmem:s20+$0xFFFFFFB0]  }
0x1f7: {  	v3 =	vld [tilespmem:s23+$0x12C70];
	_ =	sdelay $0x1  }
0x1f8: {  	v4 =	vld [tilespmem:s21+$0xFFFFFFD0];
	_ =	sdelay $0x2  }
0x1f9: {  	v2 =	vadd.f32 v3, v2;
	_ =	sdelay $0x1  }
0x1fa: {  	v2 =	vadd.f32 v4, v2;
	_ =	sdelay $0x1  }
0x1fb: {  	v3 =	vmul.f32 $2.000000030e-01, v2;
	_ =	sdelay $0x1  }
0x1fc: {  	v2 =	vmax.f32 v2, v3  }
0x1fd: {  	v2 =	vmul.f32 $1.442695020e+00, v2;
	_ =	sdelay $0x1  }
0x1fe: {  	(erf) = vpow2.f32 v2;
	_ =	sdelay $0x8  }
0x1ff: {  	v2 =	vpop (erf)  }
0x200: {  	v2 =	vnsel vm0, $0x0, v2  }
0x201: {  	v3 =	vnsel vm1, $0x0, v2  }
0x202: {  	[tilespmem:s10+$0xFFFFFF90] =	vst v3  }
0x203: {  	v3 =	vld [tilespmem:s21+$0xFFFFFFE0];
	_ =	sdelay $0x2  }
0x204: {  	v4 =	vperm.xlane v2, v0;
	_ =	sdelay $0x1  }
0x205: {  	v5 =	vmul.f32 v4, v3;
	_ =	sdelay $0x1  }
0x206: {  	[tilespmem:s10+$0xFFFFFF70] =	vst v5  }
0x207: {  	v5 =	vld [tilespmem:s20+$0xFFFFFF70];
	_ =	sdelay $0x4  }
0x208: {  	v5 =	vmul.f32 v5, v4;
	_ =	sdelay $0x1  }
0x209: {  	[tilespmem:s10+$0xFFFFFF30] =	vst v5  }
0x20a: {  	v5 =	vld [tilespmem:s20+$0xFFFFFF80];
	_ =	sdelay $0x1  }
0x20b: {  	v2 =	vperm.xlane v2, v1;
	_ =	sdelay $0x1  }
0x20c: {  	v3 =	vmul.f32 v2, v3  }
0x20d: {  	v4 =	vmul.f32 v5, v4  }
0x20e: {  	[tilespmem:s10+$0xFFFFFF80] =	vst v3  }
0x20f: {  	[tilespmem:s10+$0xFFFFFF40] =	vst v4  }
0x210: {  	v3 =	vld [tilespmem:s20+$0xFFFFFF90];
	_ =	sdelay $0x4  }
0x211: {  	v3 =	vmul.f32 v3, v2;
	_ =	sdelay $0x1  }
0x212: {  	[tilespmem:s10+$0xFFFFFF50] =	vst v3  }
0x213: {  	v3 =	vld [tilespmem:s20+$0xFFFFFFA0];
	_ =	sdelay $0x4  }
0x214: {  	v2 =	vmul.f32 v3, v2;
	_ =	sdelay $0x1  }
0x215: {  	[tilespmem:s10+$0xFFFFFF60] =	vst v2  }
0x216: {  	v2 =	vld [tilespmem:s20+$0x0]  }
0x217: {  	v3 =	vld [tilespmem:s23+$0x12C80];
	_ =	sdelay $0x1  }
0x218: {  	v4 =	vld [tilespmem:s21+$0xFFFFFFF0];
	_ =	sdelay $0x2  }
0x219: {  	v2 =	vadd.f32 v3, v2;
	_ =	sdelay $0x1  }
0x21a: {  	v2 =	vadd.f32 v4, v2;
	_ =	sdelay $0x1  }
0x21b: {  	v3 =	vmul.f32 $2.000000030e-01, v2;
	_ =	sdelay $0x1  }
0x21c: {  	v2 =	vmax.f32 v2, v3  }
0x21d: {  	v2 =	vmul.f32 $1.442695020e+00, v2;
	_ =	sdelay $0x1  }
0x21e: {  	(erf) = vpow2.f32 v2;
	_ =	sdelay $0x8  }
0x21f: {  	v2 =	vpop (erf)  }
0x220: {  	v2 =	vnsel vm0, $0x0, v2  }
0x221: {  	v3 =	vnsel vm1, $0x0, v2  }
0x222: {  	[tilespmem:s10+$0x0] =	vst v3  }
0x223: {  	v3 =	vld [tilespmem:s21+$0x0];
	_ =	sdelay $0x2  }
0x224: {  	v4 =	vperm.xlane v2, v0;
	_ =	sdelay $0x1  }
0x225: {  	v5 =	vmul.f32 v4, v3;
	_ =	sdelay $0x1  }
0x226: {  	[tilespmem:s10+$0xFFFFFFE0] =	vst v5  }
0x227: {  	v5 =	vld [tilespmem:s20+$0xFFFFFFC0];
	_ =	sdelay $0x4  }
0x228: {  	v5 =	vmul.f32 v5, v4;
	_ =	sdelay $0x1  }
0x229: {  	[tilespmem:s10+$0xFFFFFFA0] =	vst v5  }
0x22a: {  	v5 =	vld [tilespmem:s20+$0xFFFFFFD0];
	_ =	sdelay $0x1  }
0x22b: {  	v2 =	vperm.xlane v2, v1;
	_ =	sdelay $0x1  }
0x22c: {  	v3 =	vmul.f32 v2, v3  }
0x22d: {  	v4 =	vmul.f32 v5, v4  }
0x22e: {  	[tilespmem:s10+$0xFFFFFFF0] =	vst v3  }
0x22f: {  	[tilespmem:s10+$0xFFFFFFB0] =	vst v4  }
0x230: {  	v3 =	vld [tilespmem:s20+$0xFFFFFFE0];
	_ =	sdelay $0x4  }
0x231: {  	v3 =	vmul.f32 v3, v2;
	_ =	sdelay $0x1  }
0x232: {  	[tilespmem:s10+$0xFFFFFFC0] =	vst v3  }
0x233: {  	s2 =	simm.s32 $0x100;
	s9 =	simm.s32 $0x18800;
	v3 =	vld [tilespmem:s20+$0xFFFFFFF0]  }
.LBB2_7:
0x234: {  	_ =	sdelay $0x1  }
0x235: {  	s10 =	sadd.s32 $0x1C0, s10;
	s20 =	sadd.s32 $0x140, s20;
	s21 =	sadd.s32 $0x80, s21  }
0x236: {  	p1 =	sne.s32 s2, $0x1300;
	s16 =	smov.u32 s2;
	s2 =	sadd.s32 $0x100, s2  }
0x237: {  	v2 =	vmul.f32 v3, v2;
	_ =	sdelay $0x1  }
0x238: {  	s16 =	sshra.s32 s16, $0x2;
	[tilespmem:s9+$0xFFFFFFD0] =	vst v2;
	s9 =	smov.u32 s10  }
0x239: {  	v2 =	vld [tilespmem:s16+$0x12C50]  }
0x23a: {  	v3 =	vld [tilespmem:s20+$0xFFFFFF10];
	_ =	sdelay $0x1  }
0x23b: {  	v4 =	vld [tilespmem:s21+$0xFFFFFF90];
	_ =	sdelay $0x2  }
0x23c: {  	v2 =	vadd.f32 v2, v3;
	_ =	sdelay $0x1  }
0x23d: {  	v2 =	vadd.f32 v4, v2;
	_ =	sdelay $0x1  }
0x23e: {  	v3 =	vmul.f32 $2.000000030e-01, v2;
	_ =	sdelay $0x1  }
0x23f: {  	v2 =	vmax.f32 v2, v3  }
0x240: {  	v2 =	vmul.f32 $1.442695020e+00, v2;
	_ =	sdelay $0x1  }
0x241: {  	(erf) = vpow2.f32 v2;
	_ =	sdelay $0x8  }
0x242: {  	v2 =	vpop (erf)  }
0x243: {  	v2 =	vnsel vm0, $0x0, v2  }
0x244: {  	v3 =	vnsel vm1, $0x0, v2  }
0x245: {  	[tilespmem:s10+$0xFFFFFEB0] =	vst v3  }
0x246: {  	v3 =	vld [tilespmem:s21+$0xFFFFFFA0];
	_ =	sdelay $0x2  }
0x247: {  	v4 =	vperm.xlane v2, v0;
	_ =	sdelay $0x1  }
0x248: {  	v5 =	vmul.f32 v4, v3;
	_ =	sdelay $0x1  }
0x249: {  	[tilespmem:s10+$0xFFFFFE90] =	vst v5  }
0x24a: {  	v5 =	vld [tilespmem:s20+$0xFFFFFED0];
	_ =	sdelay $0x4  }
0x24b: {  	v5 =	vmul.f32 v5, v4;
	_ =	sdelay $0x1  }
0x24c: {  	[tilespmem:s10+$0xFFFFFE50] =	vst v5  }
0x24d: {  	v5 =	vld [tilespmem:s20+$0xFFFFFEE0];
	_ =	sdelay $0x1  }
0x24e: {  	v2 =	vperm.xlane v2, v1;
	_ =	sdelay $0x1  }
0x24f: {  	v3 =	vmul.f32 v2, v3  }
0x250: {  	v4 =	vmul.f32 v5, v4  }
0x251: {  	[tilespmem:s10+$0xFFFFFEA0] =	vst v3  }
0x252: {  	[tilespmem:s10+$0xFFFFFE60] =	vst v4  }
0x253: {  	v3 =	vld [tilespmem:s20+$0xFFFFFEF0];
	_ =	sdelay $0x4  }
0x254: {  	v3 =	vmul.f32 v3, v2;
	_ =	sdelay $0x1  }
0x255: {  	[tilespmem:s10+$0xFFFFFE70] =	vst v3  }
0x256: {  	v3 =	vld [tilespmem:s20+$0xFFFFFF00];
	_ =	sdelay $0x4  }
0x257: {  	v2 =	vmul.f32 v3, v2;
	_ =	sdelay $0x1  }
0x258: {  	[tilespmem:s10+$0xFFFFFE80] =	vst v2  }
0x259: {  	v2 =	vld [tilespmem:s20+$0xFFFFFF60]  }
0x25a: {  	v3 =	vld [tilespmem:s16+$0x12C60];
	_ =	sdelay $0x1  }
0x25b: {  	v4 =	vld [tilespmem:s21+$0xFFFFFFB0];
	_ =	sdelay $0x2  }
0x25c: {  	v2 =	vadd.f32 v3, v2;
	_ =	sdelay $0x1  }
0x25d: {  	v2 =	vadd.f32 v4, v2;
	_ =	sdelay $0x1  }
0x25e: {  	v3 =	vmul.f32 $2.000000030e-01, v2;
	_ =	sdelay $0x1  }
0x25f: {  	v2 =	vmax.f32 v2, v3  }
0x260: {  	v2 =	vmul.f32 $1.442695020e+00, v2;
	_ =	sdelay $0x1  }
0x261: {  	(erf) = vpow2.f32 v2;
	_ =	sdelay $0x8  }
0x262: {  	v2 =	vpop (erf)  }
0x263: {  	v2 =	vnsel vm0, $0x0, v2  }
0x264: {  	v3 =	vnsel vm1, $0x0, v2  }
0x265: {  	[tilespmem:s10+$0xFFFFFF20] =	vst v3  }
0x266: {  	v3 =	vld [tilespmem:s21+$0xFFFFFFC0];
	_ =	sdelay $0x2  }
0x267: {  	v4 =	vperm.xlane v2, v0;
	_ =	sdelay $0x1  }
0x268: {  	v5 =	vmul.f32 v4, v3;
	_ =	sdelay $0x1  }
0x269: {  	[tilespmem:s10+$0xFFFFFF00] =	vst v5  }
0x26a: {  	v5 =	vld [tilespmem:s20+$0xFFFFFF20];
	_ =	sdelay $0x4  }
0x26b: {  	v5 =	vmul.f32 v5, v4;
	_ =	sdelay $0x1  }
0x26c: {  	[tilespmem:s10+$0xFFFFFEC0] =	vst v5  }
0x26d: {  	v5 =	vld [tilespmem:s20+$0xFFFFFF30];
	_ =	sdelay $0x1  }
0x26e: {  	v2 =	vperm.xlane v2, v1;
	_ =	sdelay $0x1  }
0x26f: {  	v3 =	vmul.f32 v2, v3  }
0x270: {  	v4 =	vmul.f32 v5, v4  }
0x271: {  	[tilespmem:s10+$0xFFFFFF10] =	vst v3  }
0x272: {  	[tilespmem:s10+$0xFFFFFED0] =	vst v4  }
0x273: {  	v3 =	vld [tilespmem:s20+$0xFFFFFF40];
	_ =	sdelay $0x4  }
0x274: {  	v3 =	vmul.f32 v3, v2;
	_ =	sdelay $0x1  }
0x275: {  	[tilespmem:s10+$0xFFFFFEE0] =	vst v3  }
0x276: {  	v3 =	vld [tilespmem:s20+$0xFFFFFF50];
	_ =	sdelay $0x4  }
0x277: {  	v2 =	vmul.f32 v3, v2;
	_ =	sdelay $0x1  }
0x278: {  	[tilespmem:s10+$0xFFFFFEF0] =	vst v2  }
0x279: {  	v2 =	vld [tilespmem:s20+$0xFFFFFFB0]  }
0x27a: {  	v3 =	vld [tilespmem:s16+$0x12C70];
	_ =	sdelay $0x1  }
0x27b: {  	v4 =	vld [tilespmem:s21+$0xFFFFFFD0];
	_ =	sdelay $0x2  }
0x27c: {  	v2 =	vadd.f32 v3, v2;
	_ =	sdelay $0x1  }
0x27d: {  	v2 =	vadd.f32 v4, v2;
	_ =	sdelay $0x1  }
0x27e: {  	v3 =	vmul.f32 $2.000000030e-01, v2;
	_ =	sdelay $0x1  }
0x27f: {  	v2 =	vmax.f32 v2, v3  }
0x280: {  	v2 =	vmul.f32 $1.442695020e+00, v2;
	_ =	sdelay $0x1  }
0x281: {  	(erf) = vpow2.f32 v2;
	_ =	sdelay $0x8  }
0x282: {  	v2 =	vpop (erf)  }
0x283: {  	v2 =	vnsel vm0, $0x0, v2  }
0x284: {  	v3 =	vnsel vm1, $0x0, v2  }
0x285: {  	[tilespmem:s10+$0xFFFFFF90] =	vst v3  }
0x286: {  	v3 =	vld [tilespmem:s21+$0xFFFFFFE0];
	_ =	sdelay $0x2  }
0x287: {  	v4 =	vperm.xlane v2, v0;
	_ =	sdelay $0x1  }
0x288: {  	v5 =	vmul.f32 v4, v3;
	_ =	sdelay $0x1  }
0x289: {  	[tilespmem:s10+$0xFFFFFF70] =	vst v5  }
0x28a: {  	v5 =	vld [tilespmem:s20+$0xFFFFFF70];
	_ =	sdelay $0x4  }
0x28b: {  	v2 =	vperm.xlane v2, v1;
	v5 =	vmul.f32 v5, v4;
	_ =	sdelay $0x1  }
0x28c: {  	v3 =	vmul.f32 v2, v3;
	[tilespmem:s10+$0xFFFFFF30] =	vst v5  }
0x28d: {  	v5 =	vld [tilespmem:s20+$0xFFFFFF80]  }
0x28e: {  	[tilespmem:s10+$0xFFFFFF80] =	vst v3;
	_ =	sdelay $0x3  }
0x28f: {  	v3 =	vmul.f32 v5, v4;
	_ =	sdelay $0x1  }
0x290: {  	[tilespmem:s10+$0xFFFFFF40] =	vst v3  }
0x291: {  	v3 =	vld [tilespmem:s20+$0xFFFFFF90];
	_ =	sdelay $0x4  }
0x292: {  	v3 =	vmul.f32 v3, v2;
	_ =	sdelay $0x1  }
0x293: {  	[tilespmem:s10+$0xFFFFFF50] =	vst v3  }
0x294: {  	v3 =	vld [tilespmem:s20+$0xFFFFFFA0];
	_ =	sdelay $0x4  }
0x295: {  	v2 =	vmul.f32 v3, v2;
	_ =	sdelay $0x1  }
0x296: {  	[tilespmem:s10+$0xFFFFFF60] =	vst v2  }
0x297: {  	v2 =	vld [tilespmem:s20+$0x0]  }
0x298: {  	v3 =	vld [tilespmem:s16+$0x12C80]  }
0x299: {  	v4 =	vld [tilespmem:s21+$0xFFFFFFF0];
	_ =	sdelay $0x3  }
0x29a: {  	v2 =	vadd.f32 v3, v2;
	_ =	sdelay $0x1  }
0x29b: {  	v2 =	vadd.f32 v4, v2;
	_ =	sdelay $0x1  }
0x29c: {  	v3 =	vmul.f32 $2.000000030e-01, v2;
	_ =	sdelay $0x1  }
0x29d: {  	v2 =	vmax.f32 v2, v3  }
0x29e: {  	v2 =	vmul.f32 $1.442695020e+00, v2;
	_ =	sdelay $0x1  }
0x29f: {  	(erf) = vpow2.f32 v2;
	_ =	sdelay $0x8  }
0x2a0: {  	v2 =	vpop (erf)  }
0x2a1: {  	v2 =	vnsel vm0, $0x0, v2  }
0x2a2: {  	v3 =	vnsel vm1, $0x0, v2  }
0x2a3: {  	[tilespmem:s10+$0x0] =	vst v3  }
0x2a4: {  	v3 =	vld [tilespmem:s21+$0x0];
	_ =	sdelay $0x1  }
0x2a5: {  	v4 =	vperm.xlane v2, v0;
	_ =	sdelay $0x2  }
0x2a6: {  	v5 =	vmul.f32 v4, v3;
	_ =	sdelay $0x1  }
0x2a7: {  	[tilespmem:s10+$0xFFFFFFE0] =	vst v5  }
0x2a8: {  	v5 =	vld [tilespmem:s20+$0xFFFFFFC0];
	_ =	sdelay $0x4  }
0x2a9: {  	v2 =	vperm.xlane v2, v1;
	v5 =	vmul.f32 v5, v4;
	_ =	sdelay $0x1  }
0x2aa: {  	v3 =	vmul.f32 v2, v3;
	[tilespmem:s10+$0xFFFFFFA0] =	vst v5  }
0x2ab: {  	v5 =	vld [tilespmem:s20+$0xFFFFFFD0]  }
0x2ac: {  	[tilespmem:s10+$0xFFFFFFF0] =	vst v3;
	_ =	sdelay $0x3  }
0x2ad: {  	v3 =	vmul.f32 v5, v4;
	_ =	sdelay $0x1  }
0x2ae: {  	[tilespmem:s10+$0xFFFFFFB0] =	vst v3  }
0x2af: {  	v3 =	vld [tilespmem:s20+$0xFFFFFFE0];
	_ =	sdelay $0x3  }
.Ltmp7:
0x2b0: {  	(pc) =	sbr.rel @p1 .LBB2_7-.Ltmp7, $3  }
0x2b1: {  	v3 =	vmul.f32 v3, v2;
	_ =	sdelay $0x1  }
0x2b2: {  	[tilespmem:s10+$0xFFFFFFC0] =	vst v3  }
0x2b3: {  	v3 =	vld [tilespmem:s20+$0xFFFFFFF0]  }
0x2b4: {  	_ =	sdelay $0x1  }
0x2b5: {  	p1 =	sgt.u32 s19, $0xF7  }
0x2b6: {  	s2 =	smul.u32 @!p1 $0x50, s19  }
0x2b7: {  	v2 =	vmul.f32 v3, v2  }
0x2b8: {  	s2 =	sadd.s32 @!p1 s2, s18  }
0x2b9: {  	[tilespmem:s9+$0xFFFFFFD0] =	vst v2;
	s9 =	sshrl.u32 @!p1 s2, $0x3  }
0x2ba: {  	[spmem:s1] =	stream.indirect.scatter.add.f32 [tilespmem:s3], [sflag:$0x6], $0x70, s25, s28, $0xb8;
	[tilespmem:$0x1A950] =	vst v63  }
0x2bb: {  	s16 =	simm.s32 @!p1 $0x0;
	s20 =	simm.s32 @!p1 $0x111C0;
	s10 =	sadd.s32 @!p1 s4, s9  }
0x2bc: {  	[tilespmem:s20], [sflag:$0x2] =	stream.linear.gather @!p1 [hbm4b:s10+s16], $0x50, $0x38;
	[tilespmem:$0x1A950] =	vst v63  }
.Ltmp8:
0x2bd: {  	_ = 	snop;
	(pc) =	sbr.rel .LBB2_9-.Ltmp8, $4  }
0x2be: {  	s2 =	sshll.u32 @!p1 s2, $0x2;
	s9 =	sadd.s32 @!p1 s5, s9;
	s10 =	simm.s32 @!p1 $0x11260  }
0x2bf: {  	[tilespmem:s10], [sflag:$0x2] =	stream.linear.gather @!p1 [hbm4b:s9+s16], $0x50, $0x38;
	[tilespmem:$0x1A950] =	vst v63  }
0x2c0: {  	s2 =	sadd.s32 @!p1 s6, s2;
	s9 =	simm.s32 @!p1 $0x11D50  }
0x2c1: {  	[tilespmem:s9], [sflag:$0x2] =	stream.linear.gather @!p1 [hbm4b:s2+s16], $0xA00, $0x38;
	[tilespmem:$0x1A950] =	vst v63  }
.LBB2_11:
0x2c2: {  	_ =	sfence.sel $0x180000  }
0x2c3: {  	[bflag:$0x0] =	sbarrier.arrive $0xFFFF  }
0x2c4: {  	_ =	strace $0x90000047  }
0x2c5: {  	s0 =	stileid.u32;
	[bflag:$0x2] =	sbarrier.arrive $0xFFFF  }
0x2c6: {  	p0 =	sne.s32 s0, $0x0;
	s0 =	rddreg [dreg:$0x3]  }
0x2c7: {  	s0 =	sadd.s32 @!p0 $0x100000, s0  }
0x2c8: {  	[sflag:s0] =	ssyncadd.tile.s32 @!p0 $0x1;
	_ =	shalt  }
.Lfunc_end2:
_tile_overlayer_lowered:
.L_overlay_start_2:
0x2c9: {  	(tag) =	ssettag $0x2  }
0x2ca: {  	s0 =	rddreg [dreg:$0x0];
	s2 =	stileid.u32  }
0x2cb: {  	s1 =	rddreg [dreg:$0x1];
	p0 =	sne.s32 s2, $0x0  }
0x2cc: {  	s3 =	rddreg [dreg:$0x2];
	[bflag:$0x3] =	sbarrier.arrive $0xFFFF;
	s2 =	simm.s32 @!p0 $0x1C07  }
0x2cd: {  	[timem:s3], [sflag:s2] =	dma.local @!p0 [hbm:s0], s1  }
0x2ce: {  	s0 =	simm.s32 @!p0 $0x7  }
0x2cf: {  	_ =	swait.ge @!p0 [sflag:s0], s1  }
0x2d0: {  	s1 =	ssub.s32 @!p0 $0x0, s1;
	[sflag:s0] =	ssyncset.done @!p0 $0x0  }
0x2d1: {  	[sflag:s0] =	ssyncadd.s32 @!p0 s1  }
0x2d2: {  	[bflag:$0x3] =	sbarrier.arrive $0xFFFF  }
0x2d3: {  	_ =	shalt  }

</sc_bundles>
